<compile_context>
chip_gen: v7x
topology: tpu7x:2x2x1
jax: 0.10.2.dev20260603
libtpu: 0.0.44.dev20260713+nightly
codegen_flags: <defaults>
</compile_context>

<pallas_src>
import functools

import jax
import jax.numpy as jnp
from jax import lax
from jax.experimental import pallas as pl
from jax.experimental.pallas import tpu as pltpu
from jax.experimental.pallas import tpu_sc as plsc

N = 10000
E = 320000
D = 128
H = 64

NC = 2
NS = 16
NW = NC * NS
EPW = E // NW
C2 = 400
SUB = 80
NSUB = C2 // SUB
NCH = EPW // C2
NCHT = E // C2
GR = C2 // 16


def _tc_body(ne_ref, w1s_ref, w1d_ref, b1_ref, eps_ref, b2_ref,
             a_ref, b_ref, g_ref):
    ne = ne_ref[...]
    a = jnp.dot(ne, w1s_ref[...], preferred_element_type=jnp.float32)
    a_ref[...] = (0.5 * (a + b1_ref[...])).astype(jnp.bfloat16)
    b_ref[...] = (0.5 * jnp.dot(ne, w1d_ref[...],
                                preferred_element_type=jnp.float32)
                  ).astype(jnp.bfloat16)
    eps = eps_ref[...]
    g_ref[...] = 0.5 * (jnp.log(eps) - jnp.log(1.0 - eps)) + 0.5 * b2_ref[0, 0]


def _tc_precompute(node_emb, w1s, w1d, b1r, eps2d, b2r):
    return pl.pallas_call(
        _tc_body,
        out_shape=[
            jax.ShapeDtypeStruct((N, H), jnp.bfloat16),
            jax.ShapeDtypeStruct((N, H), jnp.bfloat16),
            jax.ShapeDtypeStruct(eps2d.shape, jnp.float32),
        ],
    )(node_emb, w1s, w1d, b1r, eps2d, b2r)


_mesh = plsc.VectorSubcoreMesh(core_axis_name="c", subcore_axis_name="s")



@functools.partial(
    pl.kernel,
    out_type=jax.ShapeDtypeStruct((E,), jnp.float32),
    mesh=_mesh,
    scratch_types=[
        pltpu.VMEM((2, C2), jnp.int32),
        pltpu.VMEM((2, C2), jnp.int32),
        pltpu.VMEM((C2, H), jnp.bfloat16),
        pltpu.VMEM((C2, H), jnp.bfloat16),
        pltpu.VMEM((C2, H), jnp.bfloat16),
        pltpu.VMEM((C2, H), jnp.bfloat16),
        pltpu.VMEM((C2,), jnp.float32),
        pltpu.VMEM((C2,), jnp.float32),
        pltpu.VMEM((C2,), jnp.float32),
        pltpu.VMEM((C2,), jnp.float32),
        pltpu.VMEM((H,), jnp.bfloat16),
        pltpu.SemaphoreType.DMA,
        pltpu.SemaphoreType.DMA,
        pltpu.SemaphoreType.DMA,
        pltpu.SemaphoreType.DMA,
        pltpu.SemaphoreType.DMA,
        pltpu.SemaphoreType.DMA,
    ],
    compiler_params=pltpu.CompilerParams(
        needs_layout_passes=False, use_tc_tiling_on_sc=False),
)
def _sc_edge_gate(a_hbm, b_hbm, meta_hbm, g_hbm, w2_hbm, out_hbm,
                  meta0, meta1, ar0, ar1, br0, br1, gv0, gv1, ov0, ov1, w2v,
                  semm0, semm1, semg0, semg1, semo0, semo1):
    metas = (meta0, meta1)
    ars = (ar0, ar1)
    brs = (br0, br1)
    gvs = (gv0, gv1)
    ovs = (ov0, ov1)
    semms = (semm0, semm1)
    semgs = (semg0, semg1)
    semos = (semo0, semo1)

    wid = lax.axis_index("s") * NC + lax.axis_index("c")
    cbase = wid * NCH
    ebase = wid * EPW

    pltpu.sync_copy(w2_hbm, w2v)
    w2r = [w2v[pl.ds(k * 32, 32)] for k in range(H // 32)]
    iot = lax.iota(jnp.int32, 16)

    pltpu.async_copy(meta_hbm.at[cbase], metas[0], semms[0])
    pltpu.async_copy(meta_hbm.at[cbase + 1], metas[1], semms[1])

    @pl.loop(0, NCH + 1, step=2)
    def _outer(i):
        for b in range(2):
            bp = 1 - b
            ci = i + b

            @pl.when(ci < NCH)
            def _fire():
                pltpu.make_async_copy(
                    meta_hbm.at[cbase + ci], metas[b], semms[b]).wait()
                for j in range(NSUB):
                    sl = pl.ds(j * SUB, SUB)
                    pltpu.async_copy(
                        a_hbm.at[metas[b].at[0, sl]], ars[b].at[sl], semgs[b])
                    pltpu.async_copy(
                        b_hbm.at[metas[b].at[1, sl]], brs[b].at[sl], semgs[b])
                pltpu.async_copy(
                    g_hbm.at[pl.ds(ebase + ci * C2, C2)], gvs[b], semgs[b])

            @pl.when(ci > 0)
            def _consume():
                cp = ci - 1
                for j in range(NSUB):
                    sl = pl.ds(j * SUB, SUB)
                    pltpu.make_async_copy(
                        a_hbm.at[metas[bp].at[0, sl]], ars[bp].at[sl],
                        semgs[bp]).wait()
                    pltpu.make_async_copy(
                        b_hbm.at[metas[bp].at[1, sl]], brs[bp].at[sl],
                        semgs[bp]).wait()
                pltpu.make_async_copy(
                    g_hbm.at[pl.ds(ebase + cp * C2, C2)], gvs[bp],
                    semgs[bp]).wait()

                @pl.when(ci + 1 < NCH)
                def _pref():
                    pltpu.async_copy(
                        meta_hbm.at[cbase + ci + 1], metas[bp], semms[bp])

                @pl.when(ci > 2)
                def _drain_out():
                    pltpu.make_async_copy(
                        g_hbm.at[pl.ds(0, C2)], ovs[bp], semos[bp]).wait()

                @pl.loop(0, GR)
                def _group(g):
                    base = g * 16
                    parts = []
                    for e in range(16):
                        row = base + e
                        v = None
                        for k in range(H // 32):
                            sk = pl.ds(k * 32, 32)
                            h = jnp.maximum(
                                ars[bp][row, sk] + brs[bp][row, sk],
                                jnp.bfloat16(0.0))
                            q0, q1 = plsc.unpack(
                                h * w2r[k], format=plsc.PackFormat.INTERLEAVED)
                            q = q0 + q1
                            v = q if v is None else v + q
                        parts.append(jnp.where(iot == e, jnp.sum(v), 0.0))
                    while len(parts) > 1:
                        parts = [parts[i] + parts[i + 1]
                                 for i in range(0, len(parts), 2)]
                    z = parts[0] + gvs[bp][pl.ds(base, 16)]
                    m = 1.0 / (1.0 + jnp.exp(-z))
                    ovs[bp][pl.ds(base, 16)] = jnp.maximum(m, 0.0)

                pltpu.async_copy(
                    ovs[bp], out_hbm.at[pl.ds(ebase + cp * C2, C2)], semos[bp])

    pltpu.make_async_copy(g_hbm.at[pl.ds(0, C2)], ovs[0], semos[0]).wait()
    pltpu.make_async_copy(g_hbm.at[pl.ds(0, C2)], ovs[1], semos[1]).wait()


def kernel(node_emb, edge_index, W1, b1, W2, b2, eps):
    w1s = W1[:D]
    w1d = W1[D:]
    b1r = b1.reshape(1, H)
    b2r = b2.reshape(1, 1)
    eps2d = eps.reshape(E // D, D)
    a_tab, b_tab, g2d = _tc_precompute(node_emb, w1s, w1d, b1r, eps2d, b2r)
    g_edge = g2d.reshape(E)
    meta = jnp.stack(
        [edge_index[0].reshape(NCHT, C2), edge_index[1].reshape(NCHT, C2)],
        axis=1)
    w2f = W2.reshape(H).astype(jnp.bfloat16)
    return _sc_edge_gate(a_tab, b_tab, meta, g_edge, w2f)

# --- scband reference (transcript-rebuilt; emitter-appended) ---
"""Pipeline reference for scband-view-learner-89292370084347 (READ-ONLY COPY).

The authoritative reference and input builder live on the scoring server;
editing this copy changes nothing except your own understanding.
"""

import jax, jax.numpy as jnp
import numpy as np

N = 10000
E = 320000
D = 128
H = 64


def setup_inputs(seed: int = 0) -> dict:
    key = jax.random.key(seed)
    ks = jax.random.split(key, 8)
    node_emb = jax.random.normal(ks[0], (N, D), dtype=jnp.float32)
    edge_index = jax.random.randint(ks[1], (2, E), 0, N, dtype=jnp.int32)
    # Linear(2*D, H) params (xavier-uniform init like torch)
    lim1 = float(np.sqrt(6.0 / (2 * D + H)))
    W1 = jax.random.uniform(ks[2], (2 * D, H), dtype=jnp.float32, minval=-lim1, maxval=lim1)
    b1 = jnp.zeros((H,), dtype=jnp.float32)
    # Linear(H, 1) params
    lim2 = float(np.sqrt(6.0 / (H + 1)))
    W2 = jax.random.uniform(ks[3], (H, 1), dtype=jnp.float32, minval=-lim2, maxval=lim2)
    b2 = jnp.zeros((1,), dtype=jnp.float32)
    # eps ~ Uniform in (bias, 1-bias) with bias = 0.0001, matching
    # eps = (bias - (1-bias)) * rand + (1 - bias)
    bias = 0.0001
    u = jax.random.uniform(ks[4], (E, 1), dtype=jnp.float32)
    eps = (bias - (1.0 - bias)) * u + (1.0 - bias)
    return {"node_emb": node_emb, "edge_index": edge_index, "W1": W1, "b1": b1, "W2": W2, "b2": b2, "eps": eps}


def reference(node_emb, edge_index, W1, b1, W2, b2, eps):
    src = edge_index[0]
    dst = edge_index[1]
    emb_src = jnp.take(node_emb, src, axis=0)
    emb_dst = jnp.take(node_emb, dst, axis=0)
    edge_emb = jnp.concatenate([emb_src, emb_dst], axis=1)  # [E, 2*D]
    h = jax.nn.relu(edge_emb @ W1 + b1)
    edge_logits = h @ W2 + b2  # [E, 1]
    temperature = 2.0
    gate_inputs = jnp.log(eps) - jnp.log(1.0 - eps)
    gate_inputs = (gate_inputs + edge_logits) / temperature
    edge_mask = jax.lax.stop_gradient(jnp.squeeze(jax.nn.sigmoid(gate_inputs)))  # .detach()
    edge_mask = jnp.where(edge_mask < 0.0, jnp.zeros_like(edge_mask), edge_mask)
    return edge_mask

if __name__ == "__main__":
    import jax
    _d = setup_inputs()
    print(jax.jit(kernel)(*tuple(_d.values())))

</pallas_src>

<mosaic_0001>
#map = affine_map<(d0, d1) -> (0, 0)>
#map1 = affine_map<(d0, d1) -> (0, 0, 0)>
#map2 = affine_map<(d0, d1) -> (0)>
module attributes {stable_mosaic.version = 14 : i64} {
  func.func @_sc_edge_gate(%arg0: i32, %arg1: i32, %arg2: memref<10000x64xbf16, #tpu.memory_space<hbm>>, %arg3: memref<10000x64xbf16, #tpu.memory_space<hbm>>, %arg4: memref<800x2x400xi32, #tpu.memory_space<hbm>>, %arg5: memref<320000xf32, #tpu.memory_space<hbm>>, %arg6: memref<64xbf16, #tpu.memory_space<hbm>>, %arg7: memref<320000xf32, #tpu.memory_space<hbm>>, %arg8: memref<2x400xi32, #tpu.memory_space<vmem>>, %arg9: memref<2x400xi32, #tpu.memory_space<vmem>>, %arg10: memref<400x64xbf16, #tpu.memory_space<vmem>>, %arg11: memref<400x64xbf16, #tpu.memory_space<vmem>>, %arg12: memref<400x64xbf16, #tpu.memory_space<vmem>>, %arg13: memref<400x64xbf16, #tpu.memory_space<vmem>>, %arg14: memref<400xf32, #tpu.memory_space<vmem>>, %arg15: memref<400xf32, #tpu.memory_space<vmem>>, %arg16: memref<400xf32, #tpu.memory_space<vmem>>, %arg17: memref<400xf32, #tpu.memory_space<vmem>>, %arg18: memref<64xbf16, #tpu.memory_space<vmem>>, %arg19: memref<!tpu.dma_semaphore, #tpu.memory_space<semaphore_mem>>, %arg20: memref<!tpu.dma_semaphore, #tpu.memory_space<semaphore_mem>>, %arg21: memref<!tpu.dma_semaphore, #tpu.memory_space<semaphore_mem>>, %arg22: memref<!tpu.dma_semaphore, #tpu.memory_space<semaphore_mem>>, %arg23: memref<!tpu.dma_semaphore, #tpu.memory_space<semaphore_mem>>, %arg24: memref<!tpu.dma_semaphore, #tpu.memory_space<semaphore_mem>>) attributes {dimension_semantics = [#tpu.dimension_semantics<core_parallel>, #tpu.dimension_semantics<subcore_parallel>], iteration_bounds = array<i64: 2, 16>, scalar_prefetch = 0 : i64, scratch_operands = 17 : i64, tpu.core_type = #tpu.core_type<sc_vector_subcore>, window_params = [{transform_indices = #map}, {transform_indices = #map}, {transform_indices = #map1}, {transform_indices = #map2}, {transform_indices = #map2}, {transform_indices = #map2}]} {
    %mul3A = arith.constant 2 : i32
    %mul3A_0 = arith.muli %arg1, %mul3A : i32
    %add3A = arith.addi %mul3A_0, %arg0 : i32
    %mul3A_1 = arith.constant 25 : i32
    %mul3A_2 = arith.muli %add3A, %mul3A_1 : i32
    %mul3A_3 = arith.constant 10000 : i32
    %mul3A_4 = arith.muli %add3A, %mul3A_3 : i32
    "tpu.region"() ({
      %run_scoped3A = tpu.sem_alloc : memref<!tpu.dma_semaphore, #tpu.memory_space<semaphore_mem>>
      tpu.enqueue_dma source(%arg6 : memref<64xbf16, #tpu.memory_space<hbm>>) target(%arg18 : memref<64xbf16, #tpu.memory_space<vmem>>) target_semaphore(%run_scoped3A : memref<!tpu.dma_semaphore, #tpu.memory_space<semaphore_mem>>)
      tpu.wait_dma2 semaphore(%run_scoped3A : memref<!tpu.dma_semaphore, #tpu.memory_space<semaphore_mem>>) src(%arg6 : memref<64xbf16, #tpu.memory_space<hbm>>) dst(%arg18 : memref<64xbf16, #tpu.memory_space<vmem>>)
      tpu.yield
    }) : () -> ()
    %get3A = arith.constant 0 : index
    %get3A_5 = tpu.vector_load %arg18[%get3A] {strides = array<i32>} : memref<64xbf16, #tpu.memory_space<vmem>>, vector<32xbf16>,
    %get3A_6 = arith.constant 32 : index
    %get3A_7 = tpu.vector_load %arg18[%get3A_6] {strides = array<i32>} : memref<64xbf16, #tpu.memory_space<vmem>>, vector<32xbf16>,
    %iota3A = tpu.iota {dimensions = array<i32: 0>} : vector<16xi32>
    %dma_start3A = arith.constant 0 : i32
    %dma_start3A_8 = arith.constant 0 : i32
    %dma_start3A_9 = tpu.memref_slice %arg4[%mul3A_2, %dma_start3A, %dma_start3A_8] : memref<800x2x400xi32, #tpu.memory_space<hbm>> -> memref<1x2x400xi32, #tpu.memory_space<hbm>>
    %dma_start3A_10 = tpu.memref_squeeze %dma_start3A_9 : memref<1x2x400xi32, #tpu.memory_space<hbm>> -> memref<2x400xi32, #tpu.memory_space<hbm>>
    %dma_start3A_11 = arith.constant 0 : i32
    %dma_start3A_12 = arith.constant 0 : i32
    %dma_start3A_13 = tpu.memref_slice %arg4[%mul3A_2, %dma_start3A_11, %dma_start3A_12] : memref<800x2x400xi32, #tpu.memory_space<hbm>> -> memref<1x2x400xi32, #tpu.memory_space<hbm>>
    %dma_start3A_14 = tpu.memref_squeeze %dma_start3A_13 : memref<1x2x400xi32, #tpu.memory_space<hbm>> -> memref<2x400xi32, #tpu.memory_space<hbm>>
    tpu.enqueue_dma source(%dma_start3A_14 : memref<2x400xi32, #tpu.memory_space<hbm>>) target(%arg8 : memref<2x400xi32, #tpu.memory_space<vmem>>) target_semaphore(%arg19 : memref<!tpu.dma_semaphore, #tpu.memory_space<semaphore_mem>>)
    %add3A_15 = arith.constant 1 : i32
    %add3A_16 = arith.addi %mul3A_2, %add3A_15 : i32
    %dma_start3A_17 = arith.constant 0 : i32
    %dma_start3A_18 = arith.constant 0 : i32
    %dma_start3A_19 = tpu.memref_slice %arg4[%add3A_16, %dma_start3A_17, %dma_start3A_18] : memref<800x2x400xi32, #tpu.memory_space<hbm>> -> memref<1x2x400xi32, #tpu.memory_space<hbm>>
    %dma_start3A_20 = tpu.memref_squeeze %dma_start3A_19 : memref<1x2x400xi32, #tpu.memory_space<hbm>> -> memref<2x400xi32, #tpu.memory_space<hbm>>
    %dma_start3A_21 = arith.constant 0 : i32
    %dma_start3A_22 = arith.constant 0 : i32
    %dma_start3A_23 = tpu.memref_slice %arg4[%add3A_16, %dma_start3A_21, %dma_start3A_22] : memref<800x2x400xi32, #tpu.memory_space<hbm>> -> memref<1x2x400xi32, #tpu.memory_space<hbm>>
    %dma_start3A_24 = tpu.memref_squeeze %dma_start3A_23 : memref<1x2x400xi32, #tpu.memory_space<hbm>> -> memref<2x400xi32, #tpu.memory_space<hbm>>
    tpu.enqueue_dma source(%dma_start3A_24 : memref<2x400xi32, #tpu.memory_space<hbm>>) target(%arg9 : memref<2x400xi32, #tpu.memory_space<vmem>>) target_semaphore(%arg20 : memref<!tpu.dma_semaphore, #tpu.memory_space<semaphore_mem>>)
    %scan3A = arith.constant 0 : i32
    %scan3A_25 = arith.constant 13 : i32
    %scan3A_26 = arith.addi %scan3A, %scan3A_25 : i32
    %scan3A_27 = arith.constant 1 : i32
    scf.for %scan3A_36 = %scan3A to %scan3A_26 step %scan3A_27  : i32 {
      %mul3A_37 = arith.constant 2 : i32
      %mul3A_38 = arith.muli %scan3A_36, %mul3A_37 : i32
      %add3A_39 = arith.constant 0 : i32
      %add3A_40 = arith.addi %add3A_39, %mul3A_38 : i32
      %add3A_41 = arith.constant 0 : i32
      %add3A_42 = arith.addi %add3A_40, %add3A_41 : i32
      %lt3A = arith.constant 25 : i32
      %lt3A_43 = arith.cmpi slt, %add3A_42, %lt3A : i32
      %convert_element_type3A = arith.extui %lt3A_43 : i1 to i32
      %cond3A = arith.constant 0 : i32
      %cond3A_44 = arith.cmpi ne, %convert_element_type3A, %cond3A : i32
      scf.if %cond3A_44 {
        %add3A_61 = arith.addi %mul3A_2, %add3A_42 : i32
        %dma_wait3A_62 = arith.constant 0 : i32
        %dma_wait3A_63 = arith.constant 0 : i32
        %dma_wait3A_64 = tpu.memref_slice %arg4[%add3A_61, %dma_wait3A_62, %dma_wait3A_63] : memref<800x2x400xi32, #tpu.memory_space<hbm>> -> memref<1x2x400xi32, #tpu.memory_space<hbm>>
        %dma_wait3A_65 = tpu.memref_squeeze %dma_wait3A_64 : memref<1x2x400xi32, #tpu.memory_space<hbm>> -> memref<2x400xi32, #tpu.memory_space<hbm>>
        %dma_wait3A_66 = arith.constant 0 : i32
        %dma_wait3A_67 = arith.constant 0 : i32
        %dma_wait3A_68 = tpu.memref_slice %arg4[%add3A_61, %dma_wait3A_66, %dma_wait3A_67] : memref<800x2x400xi32, #tpu.memory_space<hbm>> -> memref<1x2x400xi32, #tpu.memory_space<hbm>>
        %dma_wait3A_69 = tpu.memref_squeeze %dma_wait3A_68 : memref<1x2x400xi32, #tpu.memory_space<hbm>> -> memref<2x400xi32, #tpu.memory_space<hbm>>
        tpu.wait_dma2 semaphore(%arg19 : memref<!tpu.dma_semaphore, #tpu.memory_space<semaphore_mem>>) src(%dma_wait3A_69 : memref<2x400xi32, #tpu.memory_space<hbm>>) dst(%arg8 : memref<2x400xi32, #tpu.memory_space<vmem>>)
        %dma_start3A_70 = arith.constant 0 : i32
        %dma_start3A_71 = arith.constant 0 : i32
        %dma_start3A_72 = arith.constant 0 : i32
        %dma_start3A_73 = tpu.memref_slice %arg10[%dma_start3A_71, %dma_start3A_72] : memref<400x64xbf16, #tpu.memory_space<vmem>> -> memref<80x64xbf16, #tpu.memory_space<vmem>>
        %dma_start3A_74 = arith.constant 0 : i32
        %dma_start3A_75 = tpu.memref_slice %arg8[%dma_start3A_70, %dma_start3A_74] : memref<2x400xi32, #tpu.memory_space<vmem>> -> memref<1x80xi32, #tpu.memory_space<vmem>>
        %dma_start3A_76 = tpu.memref_squeeze %dma_start3A_75 : memref<1x80xi32, #tpu.memory_space<vmem>> -> memref<80xi32, #tpu.memory_space<vmem>>
        %dma_start3A_77 = arith.constant 0 : i32
        %dma_start3A_78 = arith.constant 0 : i32
        %dma_start3A_79 = tpu.memref_slice %arg2[%dma_start3A_77, %dma_start3A_78] : memref<10000x64xbf16, #tpu.memory_space<hbm>> -> memref<10000x64xbf16, #tpu.memory_space<hbm>>
        tpu.enqueue_indirect_dma source(%dma_start3A_79 : memref<10000x64xbf16, #tpu.memory_space<hbm>>) target(%dma_start3A_73 : memref<80x64xbf16, #tpu.memory_space<vmem>>) offsets(%dma_start3A_76 : memref<80xi32, #tpu.memory_space<vmem>>) semaphore(%arg21 : memref<!tpu.dma_semaphore, #tpu.memory_space<semaphore_mem>>)
        %dma_start3A_80 = arith.constant 1 : i32
        %dma_start3A_81 = arith.constant 0 : i32
        %dma_start3A_82 = arith.constant 0 : i32
        %dma_start3A_83 = tpu.memref_slice %arg12[%dma_start3A_81, %dma_start3A_82] : memref<400x64xbf16, #tpu.memory_space<vmem>> -> memref<80x64xbf16, #tpu.memory_space<vmem>>
        %dma_start3A_84 = arith.constant 0 : i32
        %dma_start3A_85 = tpu.memref_slice %arg8[%dma_start3A_80, %dma_start3A_84] : memref<2x400xi32, #tpu.memory_space<vmem>> -> memref<1x80xi32, #tpu.memory_space<vmem>>
        %dma_start3A_86 = tpu.memref_squeeze %dma_start3A_85 : memref<1x80xi32, #tpu.memory_space<vmem>> -> memref<80xi32, #tpu.memory_space<vmem>>
        %dma_start3A_87 = arith.constant 0 : i32
        %dma_start3A_88 = arith.constant 0 : i32
        %dma_start3A_89 = tpu.memref_slice %arg3[%dma_start3A_87, %dma_start3A_88] : memref<10000x64xbf16, #tpu.memory_space<hbm>> -> memref<10000x64xbf16, #tpu.memory_space<hbm>>
        tpu.enqueue_indirect_dma source(%dma_start3A_89 : memref<10000x64xbf16, #tpu.memory_space<hbm>>) target(%dma_start3A_83 : memref<80x64xbf16, #tpu.memory_space<vmem>>) offsets(%dma_start3A_86 : memref<80xi32, #tpu.memory_space<vmem>>) semaphore(%arg21 : memref<!tpu.dma_semaphore, #tpu.memory_space<semaphore_mem>>)
        %dma_start3A_90 = arith.constant 0 : i32
        %dma_start3A_91 = arith.constant 80 : i32
        %dma_start3A_92 = arith.constant 0 : i32
        %dma_start3A_93 = tpu.memref_slice %arg10[%dma_start3A_91, %dma_start3A_92] : memref<400x64xbf16, #tpu.memory_space<vmem>> -> memref<80x64xbf16, #tpu.memory_space<vmem>>
        %dma_start3A_94 = arith.constant 80 : i32
        %dma_start3A_95 = tpu.memref_slice %arg8[%dma_start3A_90, %dma_start3A_94] : memref<2x400xi32, #tpu.memory_space<vmem>> -> memref<1x80xi32, #tpu.memory_space<vmem>>
        %dma_start3A_96 = tpu.memref_squeeze %dma_start3A_95 : memref<1x80xi32, #tpu.memory_space<vmem>> -> memref<80xi32, #tpu.memory_space<vmem>>
        %dma_start3A_97 = arith.constant 0 : i32
        %dma_start3A_98 = arith.constant 0 : i32
        %dma_start3A_99 = tpu.memref_slice %arg2[%dma_start3A_97, %dma_start3A_98] : memref<10000x64xbf16, #tpu.memory_space<hbm>> -> memref<10000x64xbf16, #tpu.memory_space<hbm>>
        tpu.enqueue_indirect_dma source(%dma_start3A_99 : memref<10000x64xbf16, #tpu.memory_space<hbm>>) target(%dma_start3A_93 : memref<80x64xbf16, #tpu.memory_space<vmem>>) offsets(%dma_start3A_96 : memref<80xi32, #tpu.memory_space<vmem>>) semaphore(%arg21 : memref<!tpu.dma_semaphore, #tpu.memory_space<semaphore_mem>>)
        %dma_start3A_100 = arith.constant 1 : i32
        %dma_start3A_101 = arith.constant 80 : i32
        %dma_start3A_102 = arith.constant 0 : i32
        %dma_start3A_103 = tpu.memref_slice %arg12[%dma_start3A_101, %dma_start3A_102] : memref<400x64xbf16, #tpu.memory_space<vmem>> -> memref<80x64xbf16, #tpu.memory_space<vmem>>
        %dma_start3A_104 = arith.constant 80 : i32
        %dma_start3A_105 = tpu.memref_slice %arg8[%dma_start3A_100, %dma_start3A_104] : memref<2x400xi32, #tpu.memory_space<vmem>> -> memref<1x80xi32, #tpu.memory_space<vmem>>
        %dma_start3A_106 = tpu.memref_squeeze %dma_start3A_105 : memref<1x80xi32, #tpu.memory_space<vmem>> -> memref<80xi32, #tpu.memory_space<vmem>>
        %dma_start3A_107 = arith.constant 0 : i32
        %dma_start3A_108 = arith.constant 0 : i32
        %dma_start3A_109 = tpu.memref_slice %arg3[%dma_start3A_107, %dma_start3A_108] : memref<10000x64xbf16, #tpu.memory_space<hbm>> -> memref<10000x64xbf16, #tpu.memory_space<hbm>>
        tpu.enqueue_indirect_dma source(%dma_start3A_109 : memref<10000x64xbf16, #tpu.memory_space<hbm>>) target(%dma_start3A_103 : memref<80x64xbf16, #tpu.memory_space<vmem>>) offsets(%dma_start3A_106 : memref<80xi32, #tpu.memory_space<vmem>>) semaphore(%arg21 : memref<!tpu.dma_semaphore, #tpu.memory_space<semaphore_mem>>)
        %dma_start3A_110 = arith.constant 0 : i32
        %dma_start3A_111 = arith.constant 160 : i32
        %dma_start3A_112 = arith.constant 0 : i32
        %dma_start3A_113 = tpu.memref_slice %arg10[%dma_start3A_111, %dma_start3A_112] : memref<400x64xbf16, #tpu.memory_space<vmem>> -> memref<80x64xbf16, #tpu.memory_space<vmem>>
        %dma_start3A_114 = arith.constant 160 : i32
        %dma_start3A_115 = tpu.memref_slice %arg8[%dma_start3A_110, %dma_start3A_114] : memref<2x400xi32, #tpu.memory_space<vmem>> -> memref<1x80xi32, #tpu.memory_space<vmem>>
        %dma_start3A_116 = tpu.memref_squeeze %dma_start3A_115 : memref<1x80xi32, #tpu.memory_space<vmem>> -> memref<80xi32, #tpu.memory_space<vmem>>
        %dma_start3A_117 = arith.constant 0 : i32
        %dma_start3A_118 = arith.constant 0 : i32
        %dma_start3A_119 = tpu.memref_slice %arg2[%dma_start3A_117, %dma_start3A_118] : memref<10000x64xbf16, #tpu.memory_space<hbm>> -> memref<10000x64xbf16, #tpu.memory_space<hbm>>
        tpu.enqueue_indirect_dma source(%dma_start3A_119 : memref<10000x64xbf16, #tpu.memory_space<hbm>>) target(%dma_start3A_113 : memref<80x64xbf16, #tpu.memory_space<vmem>>) offsets(%dma_start3A_116 : memref<80xi32, #tpu.memory_space<vmem>>) semaphore(%arg21 : memref<!tpu.dma_semaphore, #tpu.memory_space<semaphore_mem>>)
        %dma_start3A_120 = arith.constant 1 : i32
        %dma_start3A_121 = arith.constant 160 : i32
        %dma_start3A_122 = arith.constant 0 : i32
        %dma_start3A_123 = tpu.memref_slice %arg12[%dma_start3A_121, %dma_start3A_122] : memref<400x64xbf16, #tpu.memory_space<vmem>> -> memref<80x64xbf16, #tpu.memory_space<vmem>>
        %dma_start3A_124 = arith.constant 160 : i32
        %dma_start3A_125 = tpu.memref_slice %arg8[%dma_start3A_120, %dma_start3A_124] : memref<2x400xi32, #tpu.memory_space<vmem>> -> memref<1x80xi32, #tpu.memory_space<vmem>>
        %dma_start3A_126 = tpu.memref_squeeze %dma_start3A_125 : memref<1x80xi32, #tpu.memory_space<vmem>> -> memref<80xi32, #tpu.memory_space<vmem>>
        %dma_start3A_127 = arith.constant 0 : i32
        %dma_start3A_128 = arith.constant 0 : i32
        %dma_start3A_129 = tpu.memref_slice %arg3[%dma_start3A_127, %dma_start3A_128] : memref<10000x64xbf16, #tpu.memory_space<hbm>> -> memref<10000x64xbf16, #tpu.memory_space<hbm>>
        tpu.enqueue_indirect_dma source(%dma_start3A_129 : memref<10000x64xbf16, #tpu.memory_space<hbm>>) target(%dma_start3A_123 : memref<80x64xbf16, #tpu.memory_space<vmem>>) offsets(%dma_start3A_126 : memref<80xi32, #tpu.memory_space<vmem>>) semaphore(%arg21 : memref<!tpu.dma_semaphore, #tpu.memory_space<semaphore_mem>>)
        %dma_start3A_130 = arith.constant 0 : i32
        %dma_start3A_131 = arith.constant 240 : i32
        %dma_start3A_132 = arith.constant 0 : i32
        %dma_start3A_133 = tpu.memref_slice %arg10[%dma_start3A_131, %dma_start3A_132] : memref<400x64xbf16, #tpu.memory_space<vmem>> -> memref<80x64xbf16, #tpu.memory_space<vmem>>
        %dma_start3A_134 = arith.constant 240 : i32
        %dma_start3A_135 = tpu.memref_slice %arg8[%dma_start3A_130, %dma_start3A_134] : memref<2x400xi32, #tpu.memory_space<vmem>> -> memref<1x80xi32, #tpu.memory_space<vmem>>
        %dma_start3A_136 = tpu.memref_squeeze %dma_start3A_135 : memref<1x80xi32, #tpu.memory_space<vmem>> -> memref<80xi32, #tpu.memory_space<vmem>>
        %dma_start3A_137 = arith.constant 0 : i32
        %dma_start3A_138 = arith.constant 0 : i32
        %dma_start3A_139 = tpu.memref_slice %arg2[%dma_start3A_137, %dma_start3A_138] : memref<10000x64xbf16, #tpu.memory_space<hbm>> -> memref<10000x64xbf16, #tpu.memory_space<hbm>>
        tpu.enqueue_indirect_dma source(%dma_start3A_139 : memref<10000x64xbf16, #tpu.memory_space<hbm>>) target(%dma_start3A_133 : memref<80x64xbf16, #tpu.memory_space<vmem>>) offsets(%dma_start3A_136 : memref<80xi32, #tpu.memory_space<vmem>>) semaphore(%arg21 : memref<!tpu.dma_semaphore, #tpu.memory_space<semaphore_mem>>)
        %dma_start3A_140 = arith.constant 1 : i32
        %dma_start3A_141 = arith.constant 240 : i32
        %dma_start3A_142 = arith.constant 0 : i32
        %dma_start3A_143 = tpu.memref_slice %arg12[%dma_start3A_141, %dma_start3A_142] : memref<400x64xbf16, #tpu.memory_space<vmem>> -> memref<80x64xbf16, #tpu.memory_space<vmem>>
        %dma_start3A_144 = arith.constant 240 : i32
        %dma_start3A_145 = tpu.memref_slice %arg8[%dma_start3A_140, %dma_start3A_144] : memref<2x400xi32, #tpu.memory_space<vmem>> -> memref<1x80xi32, #tpu.memory_space<vmem>>
        %dma_start3A_146 = tpu.memref_squeeze %dma_start3A_145 : memref<1x80xi32, #tpu.memory_space<vmem>> -> memref<80xi32, #tpu.memory_space<vmem>>
        %dma_start3A_147 = arith.constant 0 : i32
        %dma_start3A_148 = arith.constant 0 : i32
        %dma_start3A_149 = tpu.memref_slice %arg3[%dma_start3A_147, %dma_start3A_148] : memref<10000x64xbf16, #tpu.memory_space<hbm>> -> memref<10000x64xbf16, #tpu.memory_space<hbm>>
        tpu.enqueue_indirect_dma source(%dma_start3A_149 : memref<10000x64xbf16, #tpu.memory_space<hbm>>) target(%dma_start3A_143 : memref<80x64xbf16, #tpu.memory_space<vmem>>) offsets(%dma_start3A_146 : memref<80xi32, #tpu.memory_space<vmem>>) semaphore(%arg21 : memref<!tpu.dma_semaphore, #tpu.memory_space<semaphore_mem>>)
        %dma_start3A_150 = arith.constant 0 : i32
        %dma_start3A_151 = arith.constant 320 : i32
        %dma_start3A_152 = arith.constant 0 : i32
        %dma_start3A_153 = tpu.memref_slice %arg10[%dma_start3A_151, %dma_start3A_152] : memref<400x64xbf16, #tpu.memory_space<vmem>> -> memref<80x64xbf16, #tpu.memory_space<vmem>>
        %dma_start3A_154 = arith.constant 320 : i32
        %dma_start3A_155 = tpu.memref_slice %arg8[%dma_start3A_150, %dma_start3A_154] : memref<2x400xi32, #tpu.memory_space<vmem>> -> memref<1x80xi32, #tpu.memory_space<vmem>>
        %dma_start3A_156 = tpu.memref_squeeze %dma_start3A_155 : memref<1x80xi32, #tpu.memory_space<vmem>> -> memref<80xi32, #tpu.memory_space<vmem>>
        %dma_start3A_157 = arith.constant 0 : i32
        %dma_start3A_158 = arith.constant 0 : i32
        %dma_start3A_159 = tpu.memref_slice %arg2[%dma_start3A_157, %dma_start3A_158] : memref<10000x64xbf16, #tpu.memory_space<hbm>> -> memref<10000x64xbf16, #tpu.memory_space<hbm>>
        tpu.enqueue_indirect_dma source(%dma_start3A_159 : memref<10000x64xbf16, #tpu.memory_space<hbm>>) target(%dma_start3A_153 : memref<80x64xbf16, #tpu.memory_space<vmem>>) offsets(%dma_start3A_156 : memref<80xi32, #tpu.memory_space<vmem>>) semaphore(%arg21 : memref<!tpu.dma_semaphore, #tpu.memory_space<semaphore_mem>>)
        %dma_start3A_160 = arith.constant 1 : i32
        %dma_start3A_161 = arith.constant 320 : i32
        %dma_start3A_162 = arith.constant 0 : i32
        %dma_start3A_163 = tpu.memref_slice %arg12[%dma_start3A_161, %dma_start3A_162] : memref<400x64xbf16, #tpu.memory_space<vmem>> -> memref<80x64xbf16, #tpu.memory_space<vmem>>
        %dma_start3A_164 = arith.constant 320 : i32
        %dma_start3A_165 = tpu.memref_slice %arg8[%dma_start3A_160, %dma_start3A_164] : memref<2x400xi32, #tpu.memory_space<vmem>> -> memref<1x80xi32, #tpu.memory_space<vmem>>
        %dma_start3A_166 = tpu.memref_squeeze %dma_start3A_165 : memref<1x80xi32, #tpu.memory_space<vmem>> -> memref<80xi32, #tpu.memory_space<vmem>>
        %dma_start3A_167 = arith.constant 0 : i32
        %dma_start3A_168 = arith.constant 0 : i32
        %dma_start3A_169 = tpu.memref_slice %arg3[%dma_start3A_167, %dma_start3A_168] : memref<10000x64xbf16, #tpu.memory_space<hbm>> -> memref<10000x64xbf16, #tpu.memory_space<hbm>>
        tpu.enqueue_indirect_dma source(%dma_start3A_169 : memref<10000x64xbf16, #tpu.memory_space<hbm>>) target(%dma_start3A_163 : memref<80x64xbf16, #tpu.memory_space<vmem>>) offsets(%dma_start3A_166 : memref<80xi32, #tpu.memory_space<vmem>>) semaphore(%arg21 : memref<!tpu.dma_semaphore, #tpu.memory_space<semaphore_mem>>)
        %mul3A_170 = arith.constant 400 : i32
        %mul3A_171 = arith.muli %add3A_42, %mul3A_170 : i32
        %add3A_172 = arith.addi %mul3A_4, %mul3A_171 : i32
        %dma_start3A_173 = tpu.memref_slice %arg5[%add3A_172] : memref<320000xf32, #tpu.memory_space<hbm>> -> memref<400xf32, #tpu.memory_space<hbm>>
        %dma_start3A_174 = tpu.memref_slice %arg5[%add3A_172] : memref<320000xf32, #tpu.memory_space<hbm>> -> memref<400xf32, #tpu.memory_space<hbm>>
        tpu.enqueue_dma source(%dma_start3A_174 : memref<400xf32, #tpu.memory_space<hbm>>) target(%arg14 : memref<400xf32, #tpu.memory_space<vmem>>) target_semaphore(%arg21 : memref<!tpu.dma_semaphore, #tpu.memory_space<semaphore_mem>>)
      } else {
      }
      %gt3A = arith.constant 0 : i32
      %gt3A_45 = arith.cmpi sgt, %add3A_42, %gt3A : i32
      %convert_element_type3A_46 = arith.extui %gt3A_45 : i1 to i32
      %cond3A_47 = arith.constant 0 : i32
      %cond3A_48 = arith.cmpi ne, %convert_element_type3A_46, %cond3A_47 : i32
      scf.if %cond3A_48 {
        %sub3A = arith.constant 1 : i32
        %sub3A_61 = arith.subi %add3A_42, %sub3A : i32
        %dma_wait3A_62 = arith.constant 0 : i32
        %dma_wait3A_63 = arith.constant 0 : i32
        %dma_wait3A_64 = arith.constant 0 : i32
        %dma_wait3A_65 = tpu.memref_slice %arg11[%dma_wait3A_63, %dma_wait3A_64] : memref<400x64xbf16, #tpu.memory_space<vmem>> -> memref<80x64xbf16, #tpu.memory_space<vmem>>
        %dma_wait3A_66 = arith.constant 0 : i32
        %dma_wait3A_67 = tpu.memref_slice %arg9[%dma_wait3A_62, %dma_wait3A_66] : memref<2x400xi32, #tpu.memory_space<vmem>> -> memref<1x80xi32, #tpu.memory_space<vmem>>
        %dma_wait3A_68 = tpu.memref_squeeze %dma_wait3A_67 : memref<1x80xi32, #tpu.memory_space<vmem>> -> memref<80xi32, #tpu.memory_space<vmem>>
        %dma_wait3A_69 = arith.constant 0 : i32
        %dma_wait3A_70 = arith.constant 0 : i32
        %dma_wait3A_71 = tpu.memref_slice %arg2[%dma_wait3A_69, %dma_wait3A_70] : memref<10000x64xbf16, #tpu.memory_space<hbm>> -> memref<10000x64xbf16, #tpu.memory_space<hbm>>
        tpu.wait_indirect_dma semaphore(%arg22 : memref<!tpu.dma_semaphore, #tpu.memory_space<semaphore_mem>>) src(%dma_wait3A_71 : memref<10000x64xbf16, #tpu.memory_space<hbm>>) dst(%dma_wait3A_65 : memref<80x64xbf16, #tpu.memory_space<vmem>>)
        %dma_wait3A_72 = arith.constant 1 : i32
        %dma_wait3A_73 = arith.constant 0 : i32
        %dma_wait3A_74 = arith.constant 0 : i32
        %dma_wait3A_75 = tpu.memref_slice %arg13[%dma_wait3A_73, %dma_wait3A_74] : memref<400x64xbf16, #tpu.memory_space<vmem>> -> memref<80x64xbf16, #tpu.memory_space<vmem>>
        %dma_wait3A_76 = arith.constant 0 : i32
        %dma_wait3A_77 = tpu.memref_slice %arg9[%dma_wait3A_72, %dma_wait3A_76] : memref<2x400xi32, #tpu.memory_space<vmem>> -> memref<1x80xi32, #tpu.memory_space<vmem>>
        %dma_wait3A_78 = tpu.memref_squeeze %dma_wait3A_77 : memref<1x80xi32, #tpu.memory_space<vmem>> -> memref<80xi32, #tpu.memory_space<vmem>>
        %dma_wait3A_79 = arith.constant 0 : i32
        %dma_wait3A_80 = arith.constant 0 : i32
        %dma_wait3A_81 = tpu.memref_slice %arg3[%dma_wait3A_79, %dma_wait3A_80] : memref<10000x64xbf16, #tpu.memory_space<hbm>> -> memref<10000x64xbf16, #tpu.memory_space<hbm>>
        tpu.wait_indirect_dma semaphore(%arg22 : memref<!tpu.dma_semaphore, #tpu.memory_space<semaphore_mem>>) src(%dma_wait3A_81 : memref<10000x64xbf16, #tpu.memory_space<hbm>>) dst(%dma_wait3A_75 : memref<80x64xbf16, #tpu.memory_space<vmem>>)
        %dma_wait3A_82 = arith.constant 0 : i32
        %dma_wait3A_83 = arith.constant 80 : i32
        %dma_wait3A_84 = arith.constant 0 : i32
        %dma_wait3A_85 = tpu.memref_slice %arg11[%dma_wait3A_83, %dma_wait3A_84] : memref<400x64xbf16, #tpu.memory_space<vmem>> -> memref<80x64xbf16, #tpu.memory_space<vmem>>
        %dma_wait3A_86 = arith.constant 80 : i32
        %dma_wait3A_87 = tpu.memref_slice %arg9[%dma_wait3A_82, %dma_wait3A_86] : memref<2x400xi32, #tpu.memory_space<vmem>> -> memref<1x80xi32, #tpu.memory_space<vmem>>
        %dma_wait3A_88 = tpu.memref_squeeze %dma_wait3A_87 : memref<1x80xi32, #tpu.memory_space<vmem>> -> memref<80xi32, #tpu.memory_space<vmem>>
        %dma_wait3A_89 = arith.constant 0 : i32
        %dma_wait3A_90 = arith.constant 0 : i32
        %dma_wait3A_91 = tpu.memref_slice %arg2[%dma_wait3A_89, %dma_wait3A_90] : memref<10000x64xbf16, #tpu.memory_space<hbm>> -> memref<10000x64xbf16, #tpu.memory_space<hbm>>
        tpu.wait_indirect_dma semaphore(%arg22 : memref<!tpu.dma_semaphore, #tpu.memory_space<semaphore_mem>>) src(%dma_wait3A_91 : memref<10000x64xbf16, #tpu.memory_space<hbm>>) dst(%dma_wait3A_85 : memref<80x64xbf16, #tpu.memory_space<vmem>>)
        %dma_wait3A_92 = arith.constant 1 : i32
        %dma_wait3A_93 = arith.constant 80 : i32
        %dma_wait3A_94 = arith.constant 0 : i32
        %dma_wait3A_95 = tpu.memref_slice %arg13[%dma_wait3A_93, %dma_wait3A_94] : memref<400x64xbf16, #tpu.memory_space<vmem>> -> memref<80x64xbf16, #tpu.memory_space<vmem>>
        %dma_wait3A_96 = arith.constant 80 : i32
        %dma_wait3A_97 = tpu.memref_slice %arg9[%dma_wait3A_92, %dma_wait3A_96] : memref<2x400xi32, #tpu.memory_space<vmem>> -> memref<1x80xi32, #tpu.memory_space<vmem>>
        %dma_wait3A_98 = tpu.memref_squeeze %dma_wait3A_97 : memref<1x80xi32, #tpu.memory_space<vmem>> -> memref<80xi32, #tpu.memory_space<vmem>>
        %dma_wait3A_99 = arith.constant 0 : i32
        %dma_wait3A_100 = arith.constant 0 : i32
        %dma_wait3A_101 = tpu.memref_slice %arg3[%dma_wait3A_99, %dma_wait3A_100] : memref<10000x64xbf16, #tpu.memory_space<hbm>> -> memref<10000x64xbf16, #tpu.memory_space<hbm>>
        tpu.wait_indirect_dma semaphore(%arg22 : memref<!tpu.dma_semaphore, #tpu.memory_space<semaphore_mem>>) src(%dma_wait3A_101 : memref<10000x64xbf16, #tpu.memory_space<hbm>>) dst(%dma_wait3A_95 : memref<80x64xbf16, #tpu.memory_space<vmem>>)
        %dma_wait3A_102 = arith.constant 0 : i32
        %dma_wait3A_103 = arith.constant 160 : i32
        %dma_wait3A_104 = arith.constant 0 : i32
        %dma_wait3A_105 = tpu.memref_slice %arg11[%dma_wait3A_103, %dma_wait3A_104] : memref<400x64xbf16, #tpu.memory_space<vmem>> -> memref<80x64xbf16, #tpu.memory_space<vmem>>
        %dma_wait3A_106 = arith.constant 160 : i32
        %dma_wait3A_107 = tpu.memref_slice %arg9[%dma_wait3A_102, %dma_wait3A_106] : memref<2x400xi32, #tpu.memory_space<vmem>> -> memref<1x80xi32, #tpu.memory_space<vmem>>
        %dma_wait3A_108 = tpu.memref_squeeze %dma_wait3A_107 : memref<1x80xi32, #tpu.memory_space<vmem>> -> memref<80xi32, #tpu.memory_space<vmem>>
        %dma_wait3A_109 = arith.constant 0 : i32
        %dma_wait3A_110 = arith.constant 0 : i32
        %dma_wait3A_111 = tpu.memref_slice %arg2[%dma_wait3A_109, %dma_wait3A_110] : memref<10000x64xbf16, #tpu.memory_space<hbm>> -> memref<10000x64xbf16, #tpu.memory_space<hbm>>
        tpu.wait_indirect_dma semaphore(%arg22 : memref<!tpu.dma_semaphore, #tpu.memory_space<semaphore_mem>>) src(%dma_wait3A_111 : memref<10000x64xbf16, #tpu.memory_space<hbm>>) dst(%dma_wait3A_105 : memref<80x64xbf16, #tpu.memory_space<vmem>>)
        %dma_wait3A_112 = arith.constant 1 : i32
        %dma_wait3A_113 = arith.constant 160 : i32
        %dma_wait3A_114 = arith.constant 0 : i32
        %dma_wait3A_115 = tpu.memref_slice %arg13[%dma_wait3A_113, %dma_wait3A_114] : memref<400x64xbf16, #tpu.memory_space<vmem>> -> memref<80x64xbf16, #tpu.memory_space<vmem>>
        %dma_wait3A_116 = arith.constant 160 : i32
        %dma_wait3A_117 = tpu.memref_slice %arg9[%dma_wait3A_112, %dma_wait3A_116] : memref<2x400xi32, #tpu.memory_space<vmem>> -> memref<1x80xi32, #tpu.memory_space<vmem>>
        %dma_wait3A_118 = tpu.memref_squeeze %dma_wait3A_117 : memref<1x80xi32, #tpu.memory_space<vmem>> -> memref<80xi32, #tpu.memory_space<vmem>>
        %dma_wait3A_119 = arith.constant 0 : i32
        %dma_wait3A_120 = arith.constant 0 : i32
        %dma_wait3A_121 = tpu.memref_slice %arg3[%dma_wait3A_119, %dma_wait3A_120] : memref<10000x64xbf16, #tpu.memory_space<hbm>> -> memref<10000x64xbf16, #tpu.memory_space<hbm>>
        tpu.wait_indirect_dma semaphore(%arg22 : memref<!tpu.dma_semaphore, #tpu.memory_space<semaphore_mem>>) src(%dma_wait3A_121 : memref<10000x64xbf16, #tpu.memory_space<hbm>>) dst(%dma_wait3A_115 : memref<80x64xbf16, #tpu.memory_space<vmem>>)
        %dma_wait3A_122 = arith.constant 0 : i32
        %dma_wait3A_123 = arith.constant 240 : i32
        %dma_wait3A_124 = arith.constant 0 : i32
        %dma_wait3A_125 = tpu.memref_slice %arg11[%dma_wait3A_123, %dma_wait3A_124] : memref<400x64xbf16, #tpu.memory_space<vmem>> -> memref<80x64xbf16, #tpu.memory_space<vmem>>
        %dma_wait3A_126 = arith.constant 240 : i32
        %dma_wait3A_127 = tpu.memref_slice %arg9[%dma_wait3A_122, %dma_wait3A_126] : memref<2x400xi32, #tpu.memory_space<vmem>> -> memref<1x80xi32, #tpu.memory_space<vmem>>
        %dma_wait3A_128 = tpu.memref_squeeze %dma_wait3A_127 : memref<1x80xi32, #tpu.memory_space<vmem>> -> memref<80xi32, #tpu.memory_space<vmem>>
        %dma_wait3A_129 = arith.constant 0 : i32
        %dma_wait3A_130 = arith.constant 0 : i32
        %dma_wait3A_131 = tpu.memref_slice %arg2[%dma_wait3A_129, %dma_wait3A_130] : memref<10000x64xbf16, #tpu.memory_space<hbm>> -> memref<10000x64xbf16, #tpu.memory_space<hbm>>
        tpu.wait_indirect_dma semaphore(%arg22 : memref<!tpu.dma_semaphore, #tpu.memory_space<semaphore_mem>>) src(%dma_wait3A_131 : memref<10000x64xbf16, #tpu.memory_space<hbm>>) dst(%dma_wait3A_125 : memref<80x64xbf16, #tpu.memory_space<vmem>>)
        %dma_wait3A_132 = arith.constant 1 : i32
        %dma_wait3A_133 = arith.constant 240 : i32
        %dma_wait3A_134 = arith.constant 0 : i32
        %dma_wait3A_135 = tpu.memref_slice %arg13[%dma_wait3A_133, %dma_wait3A_134] : memref<400x64xbf16, #tpu.memory_space<vmem>> -> memref<80x64xbf16, #tpu.memory_space<vmem>>
        %dma_wait3A_136 = arith.constant 240 : i32
        %dma_wait3A_137 = tpu.memref_slice %arg9[%dma_wait3A_132, %dma_wait3A_136] : memref<2x400xi32, #tpu.memory_space<vmem>> -> memref<1x80xi32, #tpu.memory_space<vmem>>
        %dma_wait3A_138 = tpu.memref_squeeze %dma_wait3A_137 : memref<1x80xi32, #tpu.memory_space<vmem>> -> memref<80xi32, #tpu.memory_space<vmem>>
        %dma_wait3A_139 = arith.constant 0 : i32
        %dma_wait3A_140 = arith.constant 0 : i32
        %dma_wait3A_141 = tpu.memref_slice %arg3[%dma_wait3A_139, %dma_wait3A_140] : memref<10000x64xbf16, #tpu.memory_space<hbm>> -> memref<10000x64xbf16, #tpu.memory_space<hbm>>
        tpu.wait_indirect_dma semaphore(%arg22 : memref<!tpu.dma_semaphore, #tpu.memory_space<semaphore_mem>>) src(%dma_wait3A_141 : memref<10000x64xbf16, #tpu.memory_space<hbm>>) dst(%dma_wait3A_135 : memref<80x64xbf16, #tpu.memory_space<vmem>>)
        %dma_wait3A_142 = arith.constant 0 : i32
        %dma_wait3A_143 = arith.constant 320 : i32
        %dma_wait3A_144 = arith.constant 0 : i32
        %dma_wait3A_145 = tpu.memref_slice %arg11[%dma_wait3A_143, %dma_wait3A_144] : memref<400x64xbf16, #tpu.memory_space<vmem>> -> memref<80x64xbf16, #tpu.memory_space<vmem>>
        %dma_wait3A_146 = arith.constant 320 : i32
        %dma_wait3A_147 = tpu.memref_slice %arg9[%dma_wait3A_142, %dma_wait3A_146] : memref<2x400xi32, #tpu.memory_space<vmem>> -> memref<1x80xi32, #tpu.memory_space<vmem>>
        %dma_wait3A_148 = tpu.memref_squeeze %dma_wait3A_147 : memref<1x80xi32, #tpu.memory_space<vmem>> -> memref<80xi32, #tpu.memory_space<vmem>>
        %dma_wait3A_149 = arith.constant 0 : i32
        %dma_wait3A_150 = arith.constant 0 : i32
        %dma_wait3A_151 = tpu.memref_slice %arg2[%dma_wait3A_149, %dma_wait3A_150] : memref<10000x64xbf16, #tpu.memory_space<hbm>> -> memref<10000x64xbf16, #tpu.memory_space<hbm>>
        tpu.wait_indirect_dma semaphore(%arg22 : memref<!tpu.dma_semaphore, #tpu.memory_space<semaphore_mem>>) src(%dma_wait3A_151 : memref<10000x64xbf16, #tpu.memory_space<hbm>>) dst(%dma_wait3A_145 : memref<80x64xbf16, #tpu.memory_space<vmem>>)
        %dma_wait3A_152 = arith.constant 1 : i32
        %dma_wait3A_153 = arith.constant 320 : i32
        %dma_wait3A_154 = arith.constant 0 : i32
        %dma_wait3A_155 = tpu.memref_slice %arg13[%dma_wait3A_153, %dma_wait3A_154] : memref<400x64xbf16, #tpu.memory_space<vmem>> -> memref<80x64xbf16, #tpu.memory_space<vmem>>
        %dma_wait3A_156 = arith.constant 320 : i32
        %dma_wait3A_157 = tpu.memref_slice %arg9[%dma_wait3A_152, %dma_wait3A_156] : memref<2x400xi32, #tpu.memory_space<vmem>> -> memref<1x80xi32, #tpu.memory_space<vmem>>
        %dma_wait3A_158 = tpu.memref_squeeze %dma_wait3A_157 : memref<1x80xi32, #tpu.memory_space<vmem>> -> memref<80xi32, #tpu.memory_space<vmem>>
        %dma_wait3A_159 = arith.constant 0 : i32
        %dma_wait3A_160 = arith.constant 0 : i32
        %dma_wait3A_161 = tpu.memref_slice %arg3[%dma_wait3A_159, %dma_wait3A_160] : memref<10000x64xbf16, #tpu.memory_space<hbm>> -> memref<10000x64xbf16, #tpu.memory_space<hbm>>
        tpu.wait_indirect_dma semaphore(%arg22 : memref<!tpu.dma_semaphore, #tpu.memory_space<semaphore_mem>>) src(%dma_wait3A_161 : memref<10000x64xbf16, #tpu.memory_space<hbm>>) dst(%dma_wait3A_155 : memref<80x64xbf16, #tpu.memory_space<vmem>>)
        %mul3A_162 = arith.constant 400 : i32
        %mul3A_163 = arith.muli %sub3A_61, %mul3A_162 : i32
        %add3A_164 = arith.addi %mul3A_4, %mul3A_163 : i32
        %dma_wait3A_165 = tpu.memref_slice %arg5[%add3A_164] : memref<320000xf32, #tpu.memory_space<hbm>> -> memref<400xf32, #tpu.memory_space<hbm>>
        %dma_wait3A_166 = tpu.memref_slice %arg5[%add3A_164] : memref<320000xf32, #tpu.memory_space<hbm>> -> memref<400xf32, #tpu.memory_space<hbm>>
        tpu.wait_dma2 semaphore(%arg22 : memref<!tpu.dma_semaphore, #tpu.memory_space<semaphore_mem>>) src(%dma_wait3A_166 : memref<400xf32, #tpu.memory_space<hbm>>) dst(%arg15 : memref<400xf32, #tpu.memory_space<vmem>>)
        %add3A_167 = arith.constant 1 : i32
        %add3A_168 = arith.addi %add3A_42, %add3A_167 : i32
        %lt3A_169 = arith.constant 25 : i32
        %lt3A_170 = arith.cmpi slt, %add3A_168, %lt3A_169 : i32
        %convert_element_type3A_171 = arith.extui %lt3A_170 : i1 to i32
        %cond3A_172 = arith.constant 0 : i32
        %cond3A_173 = arith.cmpi ne, %convert_element_type3A_171, %cond3A_172 : i32
        scf.if %cond3A_173 {
          %add3A_189 = arith.addi %mul3A_2, %add3A_42 : i32
          %add3A_190 = arith.constant 1 : i32
          %add3A_191 = arith.addi %add3A_189, %add3A_190 : i32
          %dma_start3A_192 = arith.constant 0 : i32
          %dma_start3A_193 = arith.constant 0 : i32
          %dma_start3A_194 = tpu.memref_slice %arg4[%add3A_191, %dma_start3A_192, %dma_start3A_193] : memref<800x2x400xi32, #tpu.memory_space<hbm>> -> memref<1x2x400xi32, #tpu.memory_space<hbm>>
          %dma_start3A_195 = tpu.memref_squeeze %dma_start3A_194 : memref<1x2x400xi32, #tpu.memory_space<hbm>> -> memref<2x400xi32, #tpu.memory_space<hbm>>
          %dma_start3A_196 = arith.constant 0 : i32
          %dma_start3A_197 = arith.constant 0 : i32
          %dma_start3A_198 = tpu.memref_slice %arg4[%add3A_191, %dma_start3A_196, %dma_start3A_197] : memref<800x2x400xi32, #tpu.memory_space<hbm>> -> memref<1x2x400xi32, #tpu.memory_space<hbm>>
          %dma_start3A_199 = tpu.memref_squeeze %dma_start3A_198 : memref<1x2x400xi32, #tpu.memory_space<hbm>> -> memref<2x400xi32, #tpu.memory_space<hbm>>
          tpu.enqueue_dma source(%dma_start3A_199 : memref<2x400xi32, #tpu.memory_space<hbm>>) target(%arg9 : memref<2x400xi32, #tpu.memory_space<vmem>>) target_semaphore(%arg20 : memref<!tpu.dma_semaphore, #tpu.memory_space<semaphore_mem>>)
        } else {
        }
        %gt3A_174 = arith.constant 2 : i32
        %gt3A_175 = arith.cmpi sgt, %add3A_42, %gt3A_174 : i32
        %convert_element_type3A_176 = arith.extui %gt3A_175 : i1 to i32
        %cond3A_177 = arith.constant 0 : i32
        %cond3A_178 = arith.cmpi ne, %convert_element_type3A_176, %cond3A_177 : i32
        scf.if %cond3A_178 {
          %dma_wait3A_189 = arith.constant 0 : i32
          %dma_wait3A_190 = tpu.memref_slice %arg5[%dma_wait3A_189] : memref<320000xf32, #tpu.memory_space<hbm>> -> memref<400xf32, #tpu.memory_space<hbm>>
          %dma_wait3A_191 = arith.constant 0 : i32
          %dma_wait3A_192 = tpu.memref_slice %arg5[%dma_wait3A_191] : memref<320000xf32, #tpu.memory_space<hbm>> -> memref<400xf32, #tpu.memory_space<hbm>>
          tpu.wait_dma2 semaphore(%arg24 : memref<!tpu.dma_semaphore, #tpu.memory_space<semaphore_mem>>) src(%dma_wait3A_192 : memref<400xf32, #tpu.memory_space<hbm>>) dst(%arg17 : memref<400xf32, #tpu.memory_space<vmem>>)
        } else {
        }
        %scan3A_179 = arith.constant 0 : i32
        %scan3A_180 = arith.constant 25 : i32
        %scan3A_181 = arith.addi %scan3A_179, %scan3A_180 : i32
        %scan3A_182 = arith.constant 1 : i32
        scf.for %scan3A_189 = %scan3A_179 to %scan3A_181 step %scan3A_182  : i32 {
          %mul3A_190 = arith.constant 1 : i32
          %mul3A_191 = arith.muli %scan3A_189, %mul3A_190 : i32
          %add3A_192 = arith.constant 0 : i32
          %add3A_193 = arith.addi %add3A_192, %mul3A_191 : i32
          %mul3A_194 = arith.constant 16 : i32
          %mul3A_195 = arith.muli %add3A_193, %mul3A_194 : i32
          %add3A_196 = arith.constant 0 : i32
          %add3A_197 = arith.addi %mul3A_195, %add3A_196 : i32
          %get3A_198 = arith.index_cast %add3A_197 : i32 to index
          %get3A_199 = arith.constant 0 : index
          %get3A_200 = tpu.vector_load %arg11[%get3A_198, %get3A_199] {strides = array<i32>} : memref<400x64xbf16, #tpu.memory_space<vmem>>, vector<32xbf16>,
          %get3A_201 = arith.index_cast %add3A_197 : i32 to index
          %get3A_202 = arith.constant 0 : index
          %get3A_203 = tpu.vector_load %arg13[%get3A_201, %get3A_202] {strides = array<i32>} : memref<400x64xbf16, #tpu.memory_space<vmem>>, vector<32xbf16>,
          %add3A_204 = arith.addf %get3A_200, %get3A_203 : vector<32xbf16>
          %max3A = arith.constant 0.000000e+00 : bf16
          %max3A_205 = vector.broadcast %max3A : bf16 to vector<32xbf16>
          %max3A_206 = arith.maximumf %add3A_204, %max3A_205 : vector<32xbf16>
          %mul3A_207 = arith.mulf %max3A_206, %get3A_5 : vector<32xbf16>
          %unpack3A = tpu.unpack_subelements %mul3A_207, 0 {pack_format = #tpu.pack_format<interleaved>} : vector<32xbf16> -> vector<16xf32>
          %unpack3A_208 = tpu.unpack_subelements %mul3A_207, 1 {pack_format = #tpu.pack_format<interleaved>} : vector<32xbf16> -> vector<16xf32>
          %add3A_209 = arith.addf %unpack3A, %unpack3A_208 : vector<16xf32>
          %get3A_210 = arith.index_cast %add3A_197 : i32 to index
          %get3A_211 = arith.constant 32 : index
          %get3A_212 = tpu.vector_load %arg11[%get3A_210, %get3A_211] {strides = array<i32>} : memref<400x64xbf16, #tpu.memory_space<vmem>>, vector<32xbf16>,
          %get3A_213 = arith.index_cast %add3A_197 : i32 to index
          %get3A_214 = arith.constant 32 : index
          %get3A_215 = tpu.vector_load %arg13[%get3A_213, %get3A_214] {strides = array<i32>} : memref<400x64xbf16, #tpu.memory_space<vmem>>, vector<32xbf16>,
          %add3A_216 = arith.addf %get3A_212, %get3A_215 : vector<32xbf16>
          %max3A_217 = arith.constant 0.000000e+00 : bf16
          %max3A_218 = vector.broadcast %max3A_217 : bf16 to vector<32xbf16>
          %max3A_219 = arith.maximumf %add3A_216, %max3A_218 : vector<32xbf16>
          %mul3A_220 = arith.mulf %max3A_219, %get3A_7 : vector<32xbf16>
          %unpack3A_221 = tpu.unpack_subelements %mul3A_220, 0 {pack_format = #tpu.pack_format<interleaved>} : vector<32xbf16> -> vector<16xf32>
          %unpack3A_222 = tpu.unpack_subelements %mul3A_220, 1 {pack_format = #tpu.pack_format<interleaved>} : vector<32xbf16> -> vector<16xf32>
          %add3A_223 = arith.addf %unpack3A_221, %unpack3A_222 : vector<16xf32>
          %add3A_224 = arith.addf %add3A_209, %add3A_223 : vector<16xf32>
          %eq3A = arith.constant 0 : i32
          %eq3A_225 = vector.broadcast %eq3A : i32 to vector<16xi32>
          %eq3A_226 = arith.cmpi eq, %iota3A, %eq3A_225 : vector<16xi32>
          %reduce_sum3A = arith.constant true
          %reduce_sum3A_227 = vector.broadcast %reduce_sum3A : i1 to vector<16xi1>
          %reduce_sum3A_228 = tpu.scan <sum>, %add3A_224 masked %reduce_sum3A_227 : vector<16xf32>, vector<16xi1> -> vector<16xf32>
          %reduce_sum3A_229 = vector.extract %reduce_sum3A_228[15] : f32 from vector<16xf32>
          %jit3A = arith.constant 0.000000e+00 : f32
          %broadcast_in_dim3A = vector.broadcast %reduce_sum3A_229 : f32 to vector<16xf32>
          %broadcast_in_dim3A_230 = vector.broadcast %jit3A : f32 to vector<16xf32>
          %select_n3A = arith.select %eq3A_226, %broadcast_in_dim3A, %broadcast_in_dim3A_230 : vector<16xi1>, vector<16xf32>
          %add3A_231 = arith.constant 1 : i32
          %add3A_232 = arith.addi %mul3A_195, %add3A_231 : i32
          %get3A_233 = arith.index_cast %add3A_232 : i32 to index
          %get3A_234 = arith.constant 0 : index
          %get3A_235 = tpu.vector_load %arg11[%get3A_233, %get3A_234] {strides = array<i32>} : memref<400x64xbf16, #tpu.memory_space<vmem>>, vector<32xbf16>,
          %get3A_236 = arith.index_cast %add3A_232 : i32 to index
          %get3A_237 = arith.constant 0 : index
          %get3A_238 = tpu.vector_load %arg13[%get3A_236, %get3A_237] {strides = array<i32>} : memref<400x64xbf16, #tpu.memory_space<vmem>>, vector<32xbf16>,
          %add3A_239 = arith.addf %get3A_235, %get3A_238 : vector<32xbf16>
          %max3A_240 = arith.constant 0.000000e+00 : bf16
          %max3A_241 = vector.broadcast %max3A_240 : bf16 to vector<32xbf16>
          %max3A_242 = arith.maximumf %add3A_239, %max3A_241 : vector<32xbf16>
          %mul3A_243 = arith.mulf %max3A_242, %get3A_5 : vector<32xbf16>
          %unpack3A_244 = tpu.unpack_subelements %mul3A_243, 0 {pack_format = #tpu.pack_format<interleaved>} : vector<32xbf16> -> vector<16xf32>
          %unpack3A_245 = tpu.unpack_subelements %mul3A_243, 1 {pack_format = #tpu.pack_format<interleaved>} : vector<32xbf16> -> vector<16xf32>
          %add3A_246 = arith.addf %unpack3A_244, %unpack3A_245 : vector<16xf32>
          %get3A_247 = arith.index_cast %add3A_232 : i32 to index
          %get3A_248 = arith.constant 32 : index
          %get3A_249 = tpu.vector_load %arg11[%get3A_247, %get3A_248] {strides = array<i32>} : memref<400x64xbf16, #tpu.memory_space<vmem>>, vector<32xbf16>,
          %get3A_250 = arith.index_cast %add3A_232 : i32 to index
          %get3A_251 = arith.constant 32 : index
          %get3A_252 = tpu.vector_load %arg13[%get3A_250, %get3A_251] {strides = array<i32>} : memref<400x64xbf16, #tpu.memory_space<vmem>>, vector<32xbf16>,
          %add3A_253 = arith.addf %get3A_249, %get3A_252 : vector<32xbf16>
          %max3A_254 = arith.constant 0.000000e+00 : bf16
          %max3A_255 = vector.broadcast %max3A_254 : bf16 to vector<32xbf16>
          %max3A_256 = arith.maximumf %add3A_253, %max3A_255 : vector<32xbf16>
          %mul3A_257 = arith.mulf %max3A_256, %get3A_7 : vector<32xbf16>
          %unpack3A_258 = tpu.unpack_subelements %mul3A_257, 0 {pack_format = #tpu.pack_format<interleaved>} : vector<32xbf16> -> vector<16xf32>
          %unpack3A_259 = tpu.unpack_subelements %mul3A_257, 1 {pack_format = #tpu.pack_format<interleaved>} : vector<32xbf16> -> vector<16xf32>
          %add3A_260 = arith.addf %unpack3A_258, %unpack3A_259 : vector<16xf32>
          %add3A_261 = arith.addf %add3A_246, %add3A_260 : vector<16xf32>
          %eq3A_262 = arith.constant 1 : i32
          %eq3A_263 = vector.broadcast %eq3A_262 : i32 to vector<16xi32>
          %eq3A_264 = arith.cmpi eq, %iota3A, %eq3A_263 : vector<16xi32>
          %reduce_sum3A_265 = arith.constant true
          %reduce_sum3A_266 = vector.broadcast %reduce_sum3A_265 : i1 to vector<16xi1>
          %reduce_sum3A_267 = tpu.scan <sum>, %add3A_261 masked %reduce_sum3A_266 : vector<16xf32>, vector<16xi1> -> vector<16xf32>
          %reduce_sum3A_268 = vector.extract %reduce_sum3A_267[15] : f32 from vector<16xf32>
          %jit3A_269 = arith.constant 0.000000e+00 : f32
          %broadcast_in_dim3A_270 = vector.broadcast %reduce_sum3A_268 : f32 to vector<16xf32>
          %broadcast_in_dim3A_271 = vector.broadcast %jit3A_269 : f32 to vector<16xf32>
          %select_n3A_272 = arith.select %eq3A_264, %broadcast_in_dim3A_270, %broadcast_in_dim3A_271 : vector<16xi1>, vector<16xf32>
          %add3A_273 = arith.constant 2 : i32
          %add3A_274 = arith.addi %mul3A_195, %add3A_273 : i32
          %get3A_275 = arith.index_cast %add3A_274 : i32 to index
          %get3A_276 = arith.constant 0 : index
          %get3A_277 = tpu.vector_load %arg11[%get3A_275, %get3A_276] {strides = array<i32>} : memref<400x64xbf16, #tpu.memory_space<vmem>>, vector<32xbf16>,
          %get3A_278 = arith.index_cast %add3A_274 : i32 to index
          %get3A_279 = arith.constant 0 : index
          %get3A_280 = tpu.vector_load %arg13[%get3A_278, %get3A_279] {strides = array<i32>} : memref<400x64xbf16, #tpu.memory_space<vmem>>, vector<32xbf16>,
          %add3A_281 = arith.addf %get3A_277, %get3A_280 : vector<32xbf16>
          %max3A_282 = arith.constant 0.000000e+00 : bf16
          %max3A_283 = vector.broadcast %max3A_282 : bf16 to vector<32xbf16>
          %max3A_284 = arith.maximumf %add3A_281, %max3A_283 : vector<32xbf16>
          %mul3A_285 = arith.mulf %max3A_284, %get3A_5 : vector<32xbf16>
          %unpack3A_286 = tpu.unpack_subelements %mul3A_285, 0 {pack_format = #tpu.pack_format<interleaved>} : vector<32xbf16> -> vector<16xf32>
          %unpack3A_287 = tpu.unpack_subelements %mul3A_285, 1 {pack_format = #tpu.pack_format<interleaved>} : vector<32xbf16> -> vector<16xf32>
          %add3A_288 = arith.addf %unpack3A_286, %unpack3A_287 : vector<16xf32>
          %get3A_289 = arith.index_cast %add3A_274 : i32 to index
          %get3A_290 = arith.constant 32 : index
          %get3A_291 = tpu.vector_load %arg11[%get3A_289, %get3A_290] {strides = array<i32>} : memref<400x64xbf16, #tpu.memory_space<vmem>>, vector<32xbf16>,
          %get3A_292 = arith.index_cast %add3A_274 : i32 to index
          %get3A_293 = arith.constant 32 : index
          %get3A_294 = tpu.vector_load %arg13[%get3A_292, %get3A_293] {strides = array<i32>} : memref<400x64xbf16, #tpu.memory_space<vmem>>, vector<32xbf16>,
          %add3A_295 = arith.addf %get3A_291, %get3A_294 : vector<32xbf16>
          %max3A_296 = arith.constant 0.000000e+00 : bf16
          %max3A_297 = vector.broadcast %max3A_296 : bf16 to vector<32xbf16>
          %max3A_298 = arith.maximumf %add3A_295, %max3A_297 : vector<32xbf16>
          %mul3A_299 = arith.mulf %max3A_298, %get3A_7 : vector<32xbf16>
          %unpack3A_300 = tpu.unpack_subelements %mul3A_299, 0 {pack_format = #tpu.pack_format<interleaved>} : vector<32xbf16> -> vector<16xf32>
          %unpack3A_301 = tpu.unpack_subelements %mul3A_299, 1 {pack_format = #tpu.pack_format<interleaved>} : vector<32xbf16> -> vector<16xf32>
          %add3A_302 = arith.addf %unpack3A_300, %unpack3A_301 : vector<16xf32>
          %add3A_303 = arith.addf %add3A_288, %add3A_302 : vector<16xf32>
          %eq3A_304 = arith.constant 2 : i32
          %eq3A_305 = vector.broadcast %eq3A_304 : i32 to vector<16xi32>
          %eq3A_306 = arith.cmpi eq, %iota3A, %eq3A_305 : vector<16xi32>
          %reduce_sum3A_307 = arith.constant true
          %reduce_sum3A_308 = vector.broadcast %reduce_sum3A_307 : i1 to vector<16xi1>
          %reduce_sum3A_309 = tpu.scan <sum>, %add3A_303 masked %reduce_sum3A_308 : vector<16xf32>, vector<16xi1> -> vector<16xf32>
          %reduce_sum3A_310 = vector.extract %reduce_sum3A_309[15] : f32 from vector<16xf32>
          %jit3A_311 = arith.constant 0.000000e+00 : f32
          %broadcast_in_dim3A_312 = vector.broadcast %reduce_sum3A_310 : f32 to vector<16xf32>
          %broadcast_in_dim3A_313 = vector.broadcast %jit3A_311 : f32 to vector<16xf32>
          %select_n3A_314 = arith.select %eq3A_306, %broadcast_in_dim3A_312, %broadcast_in_dim3A_313 : vector<16xi1>, vector<16xf32>
          %add3A_315 = arith.constant 3 : i32
          %add3A_316 = arith.addi %mul3A_195, %add3A_315 : i32
          %get3A_317 = arith.index_cast %add3A_316 : i32 to index
          %get3A_318 = arith.constant 0 : index
          %get3A_319 = tpu.vector_load %arg11[%get3A_317, %get3A_318] {strides = array<i32>} : memref<400x64xbf16, #tpu.memory_space<vmem>>, vector<32xbf16>,
          %get3A_320 = arith.index_cast %add3A_316 : i32 to index
          %get3A_321 = arith.constant 0 : index
          %get3A_322 = tpu.vector_load %arg13[%get3A_320, %get3A_321] {strides = array<i32>} : memref<400x64xbf16, #tpu.memory_space<vmem>>, vector<32xbf16>,
          %add3A_323 = arith.addf %get3A_319, %get3A_322 : vector<32xbf16>
          %max3A_324 = arith.constant 0.000000e+00 : bf16
          %max3A_325 = vector.broadcast %max3A_324 : bf16 to vector<32xbf16>
          %max3A_326 = arith.maximumf %add3A_323, %max3A_325 : vector<32xbf16>
          %mul3A_327 = arith.mulf %max3A_326, %get3A_5 : vector<32xbf16>
          %unpack3A_328 = tpu.unpack_subelements %mul3A_327, 0 {pack_format = #tpu.pack_format<interleaved>} : vector<32xbf16> -> vector<16xf32>
          %unpack3A_329 = tpu.unpack_subelements %mul3A_327, 1 {pack_format = #tpu.pack_format<interleaved>} : vector<32xbf16> -> vector<16xf32>
          %add3A_330 = arith.addf %unpack3A_328, %unpack3A_329 : vector<16xf32>
          %get3A_331 = arith.index_cast %add3A_316 : i32 to index
          %get3A_332 = arith.constant 32 : index
          %get3A_333 = tpu.vector_load %arg11[%get3A_331, %get3A_332] {strides = array<i32>} : memref<400x64xbf16, #tpu.memory_space<vmem>>, vector<32xbf16>,
          %get3A_334 = arith.index_cast %add3A_316 : i32 to index
          %get3A_335 = arith.constant 32 : index
          %get3A_336 = tpu.vector_load %arg13[%get3A_334, %get3A_335] {strides = array<i32>} : memref<400x64xbf16, #tpu.memory_space<vmem>>, vector<32xbf16>,
          %add3A_337 = arith.addf %get3A_333, %get3A_336 : vector<32xbf16>
          %max3A_338 = arith.constant 0.000000e+00 : bf16
          %max3A_339 = vector.broadcast %max3A_338 : bf16 to vector<32xbf16>
          %max3A_340 = arith.maximumf %add3A_337, %max3A_339 : vector<32xbf16>
          %mul3A_341 = arith.mulf %max3A_340, %get3A_7 : vector<32xbf16>
          %unpack3A_342 = tpu.unpack_subelements %mul3A_341, 0 {pack_format = #tpu.pack_format<interleaved>} : vector<32xbf16> -> vector<16xf32>
          %unpack3A_343 = tpu.unpack_subelements %mul3A_341, 1 {pack_format = #tpu.pack_format<interleaved>} : vector<32xbf16> -> vector<16xf32>
          %add3A_344 = arith.addf %unpack3A_342, %unpack3A_343 : vector<16xf32>
          %add3A_345 = arith.addf %add3A_330, %add3A_344 : vector<16xf32>
          %eq3A_346 = arith.constant 3 : i32
          %eq3A_347 = vector.broadcast %eq3A_346 : i32 to vector<16xi32>
          %eq3A_348 = arith.cmpi eq, %iota3A, %eq3A_347 : vector<16xi32>
          %reduce_sum3A_349 = arith.constant true
          %reduce_sum3A_350 = vector.broadcast %reduce_sum3A_349 : i1 to vector<16xi1>
          %reduce_sum3A_351 = tpu.scan <sum>, %add3A_345 masked %reduce_sum3A_350 : vector<16xf32>, vector<16xi1> -> vector<16xf32>
          %reduce_sum3A_352 = vector.extract %reduce_sum3A_351[15] : f32 from vector<16xf32>
          %jit3A_353 = arith.constant 0.000000e+00 : f32
          %broadcast_in_dim3A_354 = vector.broadcast %reduce_sum3A_352 : f32 to vector<16xf32>
          %broadcast_in_dim3A_355 = vector.broadcast %jit3A_353 : f32 to vector<16xf32>
          %select_n3A_356 = arith.select %eq3A_348, %broadcast_in_dim3A_354, %broadcast_in_dim3A_355 : vector<16xi1>, vector<16xf32>
          %add3A_357 = arith.constant 4 : i32
          %add3A_358 = arith.addi %mul3A_195, %add3A_357 : i32
          %get3A_359 = arith.index_cast %add3A_358 : i32 to index
          %get3A_360 = arith.constant 0 : index
          %get3A_361 = tpu.vector_load %arg11[%get3A_359, %get3A_360] {strides = array<i32>} : memref<400x64xbf16, #tpu.memory_space<vmem>>, vector<32xbf16>,
          %get3A_362 = arith.index_cast %add3A_358 : i32 to index
          %get3A_363 = arith.constant 0 : index
          %get3A_364 = tpu.vector_load %arg13[%get3A_362, %get3A_363] {strides = array<i32>} : memref<400x64xbf16, #tpu.memory_space<vmem>>, vector<32xbf16>,
          %add3A_365 = arith.addf %get3A_361, %get3A_364 : vector<32xbf16>
          %max3A_366 = arith.constant 0.000000e+00 : bf16
          %max3A_367 = vector.broadcast %max3A_366 : bf16 to vector<32xbf16>
          %max3A_368 = arith.maximumf %add3A_365, %max3A_367 : vector<32xbf16>
          %mul3A_369 = arith.mulf %max3A_368, %get3A_5 : vector<32xbf16>
          %unpack3A_370 = tpu.unpack_subelements %mul3A_369, 0 {pack_format = #tpu.pack_format<interleaved>} : vector<32xbf16> -> vector<16xf32>
          %unpack3A_371 = tpu.unpack_subelements %mul3A_369, 1 {pack_format = #tpu.pack_format<interleaved>} : vector<32xbf16> -> vector<16xf32>
          %add3A_372 = arith.addf %unpack3A_370, %unpack3A_371 : vector<16xf32>
          %get3A_373 = arith.index_cast %add3A_358 : i32 to index
          %get3A_374 = arith.constant 32 : index
          %get3A_375 = tpu.vector_load %arg11[%get3A_373, %get3A_374] {strides = array<i32>} : memref<400x64xbf16, #tpu.memory_space<vmem>>, vector<32xbf16>,
          %get3A_376 = arith.index_cast %add3A_358 : i32 to index
          %get3A_377 = arith.constant 32 : index
          %get3A_378 = tpu.vector_load %arg13[%get3A_376, %get3A_377] {strides = array<i32>} : memref<400x64xbf16, #tpu.memory_space<vmem>>, vector<32xbf16>,
          %add3A_379 = arith.addf %get3A_375, %get3A_378 : vector<32xbf16>
          %max3A_380 = arith.constant 0.000000e+00 : bf16
          %max3A_381 = vector.broadcast %max3A_380 : bf16 to vector<32xbf16>
          %max3A_382 = arith.maximumf %add3A_379, %max3A_381 : vector<32xbf16>
          %mul3A_383 = arith.mulf %max3A_382, %get3A_7 : vector<32xbf16>
          %unpack3A_384 = tpu.unpack_subelements %mul3A_383, 0 {pack_format = #tpu.pack_format<interleaved>} : vector<32xbf16> -> vector<16xf32>
          %unpack3A_385 = tpu.unpack_subelements %mul3A_383, 1 {pack_format = #tpu.pack_format<interleaved>} : vector<32xbf16> -> vector<16xf32>
          %add3A_386 = arith.addf %unpack3A_384, %unpack3A_385 : vector<16xf32>
          %add3A_387 = arith.addf %add3A_372, %add3A_386 : vector<16xf32>
          %eq3A_388 = arith.constant 4 : i32
          %eq3A_389 = vector.broadcast %eq3A_388 : i32 to vector<16xi32>
          %eq3A_390 = arith.cmpi eq, %iota3A, %eq3A_389 : vector<16xi32>
          %reduce_sum3A_391 = arith.constant true
          %reduce_sum3A_392 = vector.broadcast %reduce_sum3A_391 : i1 to vector<16xi1>
          %reduce_sum3A_393 = tpu.scan <sum>, %add3A_387 masked %reduce_sum3A_392 : vector<16xf32>, vector<16xi1> -> vector<16xf32>
          %reduce_sum3A_394 = vector.extract %reduce_sum3A_393[15] : f32 from vector<16xf32>
          %jit3A_395 = arith.constant 0.000000e+00 : f32
          %broadcast_in_dim3A_396 = vector.broadcast %reduce_sum3A_394 : f32 to vector<16xf32>
          %broadcast_in_dim3A_397 = vector.broadcast %jit3A_395 : f32 to vector<16xf32>
          %select_n3A_398 = arith.select %eq3A_390, %broadcast_in_dim3A_396, %broadcast_in_dim3A_397 : vector<16xi1>, vector<16xf32>
          %add3A_399 = arith.constant 5 : i32
          %add3A_400 = arith.addi %mul3A_195, %add3A_399 : i32
          %get3A_401 = arith.index_cast %add3A_400 : i32 to index
          %get3A_402 = arith.constant 0 : index
          %get3A_403 = tpu.vector_load %arg11[%get3A_401, %get3A_402] {strides = array<i32>} : memref<400x64xbf16, #tpu.memory_space<vmem>>, vector<32xbf16>,
          %get3A_404 = arith.index_cast %add3A_400 : i32 to index
          %get3A_405 = arith.constant 0 : index
          %get3A_406 = tpu.vector_load %arg13[%get3A_404, %get3A_405] {strides = array<i32>} : memref<400x64xbf16, #tpu.memory_space<vmem>>, vector<32xbf16>,
          %add3A_407 = arith.addf %get3A_403, %get3A_406 : vector<32xbf16>
          %max3A_408 = arith.constant 0.000000e+00 : bf16
          %max3A_409 = vector.broadcast %max3A_408 : bf16 to vector<32xbf16>
          %max3A_410 = arith.maximumf %add3A_407, %max3A_409 : vector<32xbf16>
          %mul3A_411 = arith.mulf %max3A_410, %get3A_5 : vector<32xbf16>
          %unpack3A_412 = tpu.unpack_subelements %mul3A_411, 0 {pack_format = #tpu.pack_format<interleaved>} : vector<32xbf16> -> vector<16xf32>
          %unpack3A_413 = tpu.unpack_subelements %mul3A_411, 1 {pack_format = #tpu.pack_format<interleaved>} : vector<32xbf16> -> vector<16xf32>
          %add3A_414 = arith.addf %unpack3A_412, %unpack3A_413 : vector<16xf32>
          %get3A_415 = arith.index_cast %add3A_400 : i32 to index
          %get3A_416 = arith.constant 32 : index
          %get3A_417 = tpu.vector_load %arg11[%get3A_415, %get3A_416] {strides = array<i32>} : memref<400x64xbf16, #tpu.memory_space<vmem>>, vector<32xbf16>,
          %get3A_418 = arith.index_cast %add3A_400 : i32 to index
          %get3A_419 = arith.constant 32 : index
          %get3A_420 = tpu.vector_load %arg13[%get3A_418, %get3A_419] {strides = array<i32>} : memref<400x64xbf16, #tpu.memory_space<vmem>>, vector<32xbf16>,
          %add3A_421 = arith.addf %get3A_417, %get3A_420 : vector<32xbf16>
          %max3A_422 = arith.constant 0.000000e+00 : bf16
          %max3A_423 = vector.broadcast %max3A_422 : bf16 to vector<32xbf16>
          %max3A_424 = arith.maximumf %add3A_421, %max3A_423 : vector<32xbf16>
          %mul3A_425 = arith.mulf %max3A_424, %get3A_7 : vector<32xbf16>
          %unpack3A_426 = tpu.unpack_subelements %mul3A_425, 0 {pack_format = #tpu.pack_format<interleaved>} : vector<32xbf16> -> vector<16xf32>
          %unpack3A_427 = tpu.unpack_subelements %mul3A_425, 1 {pack_format = #tpu.pack_format<interleaved>} : vector<32xbf16> -> vector<16xf32>
          %add3A_428 = arith.addf %unpack3A_426, %unpack3A_427 : vector<16xf32>
          %add3A_429 = arith.addf %add3A_414, %add3A_428 : vector<16xf32>
          %eq3A_430 = arith.constant 5 : i32
          %eq3A_431 = vector.broadcast %eq3A_430 : i32 to vector<16xi32>
          %eq3A_432 = arith.cmpi eq, %iota3A, %eq3A_431 : vector<16xi32>
          %reduce_sum3A_433 = arith.constant true
          %reduce_sum3A_434 = vector.broadcast %reduce_sum3A_433 : i1 to vector<16xi1>
          %reduce_sum3A_435 = tpu.scan <sum>, %add3A_429 masked %reduce_sum3A_434 : vector<16xf32>, vector<16xi1> -> vector<16xf32>
          %reduce_sum3A_436 = vector.extract %reduce_sum3A_435[15] : f32 from vector<16xf32>
          %jit3A_437 = arith.constant 0.000000e+00 : f32
          %broadcast_in_dim3A_438 = vector.broadcast %reduce_sum3A_436 : f32 to vector<16xf32>
          %broadcast_in_dim3A_439 = vector.broadcast %jit3A_437 : f32 to vector<16xf32>
          %select_n3A_440 = arith.select %eq3A_432, %broadcast_in_dim3A_438, %broadcast_in_dim3A_439 : vector<16xi1>, vector<16xf32>
          %add3A_441 = arith.constant 6 : i32
          %add3A_442 = arith.addi %mul3A_195, %add3A_441 : i32
          %get3A_443 = arith.index_cast %add3A_442 : i32 to index
          %get3A_444 = arith.constant 0 : index
          %get3A_445 = tpu.vector_load %arg11[%get3A_443, %get3A_444] {strides = array<i32>} : memref<400x64xbf16, #tpu.memory_space<vmem>>, vector<32xbf16>,
          %get3A_446 = arith.index_cast %add3A_442 : i32 to index
          %get3A_447 = arith.constant 0 : index
          %get3A_448 = tpu.vector_load %arg13[%get3A_446, %get3A_447] {strides = array<i32>} : memref<400x64xbf16, #tpu.memory_space<vmem>>, vector<32xbf16>,
          %add3A_449 = arith.addf %get3A_445, %get3A_448 : vector<32xbf16>
          %max3A_450 = arith.constant 0.000000e+00 : bf16
          %max3A_451 = vector.broadcast %max3A_450 : bf16 to vector<32xbf16>
          %max3A_452 = arith.maximumf %add3A_449, %max3A_451 : vector<32xbf16>
          %mul3A_453 = arith.mulf %max3A_452, %get3A_5 : vector<32xbf16>
          %unpack3A_454 = tpu.unpack_subelements %mul3A_453, 0 {pack_format = #tpu.pack_format<interleaved>} : vector<32xbf16> -> vector<16xf32>
          %unpack3A_455 = tpu.unpack_subelements %mul3A_453, 1 {pack_format = #tpu.pack_format<interleaved>} : vector<32xbf16> -> vector<16xf32>
          %add3A_456 = arith.addf %unpack3A_454, %unpack3A_455 : vector<16xf32>
          %get3A_457 = arith.index_cast %add3A_442 : i32 to index
          %get3A_458 = arith.constant 32 : index
          %get3A_459 = tpu.vector_load %arg11[%get3A_457, %get3A_458] {strides = array<i32>} : memref<400x64xbf16, #tpu.memory_space<vmem>>, vector<32xbf16>,
          %get3A_460 = arith.index_cast %add3A_442 : i32 to index
          %get3A_461 = arith.constant 32 : index
          %get3A_462 = tpu.vector_load %arg13[%get3A_460, %get3A_461] {strides = array<i32>} : memref<400x64xbf16, #tpu.memory_space<vmem>>, vector<32xbf16>,
          %add3A_463 = arith.addf %get3A_459, %get3A_462 : vector<32xbf16>
          %max3A_464 = arith.constant 0.000000e+00 : bf16
          %max3A_465 = vector.broadcast %max3A_464 : bf16 to vector<32xbf16>
          %max3A_466 = arith.maximumf %add3A_463, %max3A_465 : vector<32xbf16>
          %mul3A_467 = arith.mulf %max3A_466, %get3A_7 : vector<32xbf16>
          %unpack3A_468 = tpu.unpack_subelements %mul3A_467, 0 {pack_format = #tpu.pack_format<interleaved>} : vector<32xbf16> -> vector<16xf32>
          %unpack3A_469 = tpu.unpack_subelements %mul3A_467, 1 {pack_format = #tpu.pack_format<interleaved>} : vector<32xbf16> -> vector<16xf32>
          %add3A_470 = arith.addf %unpack3A_468, %unpack3A_469 : vector<16xf32>
          %add3A_471 = arith.addf %add3A_456, %add3A_470 : vector<16xf32>
          %eq3A_472 = arith.constant 6 : i32
          %eq3A_473 = vector.broadcast %eq3A_472 : i32 to vector<16xi32>
          %eq3A_474 = arith.cmpi eq, %iota3A, %eq3A_473 : vector<16xi32>
          %reduce_sum3A_475 = arith.constant true
          %reduce_sum3A_476 = vector.broadcast %reduce_sum3A_475 : i1 to vector<16xi1>
          %reduce_sum3A_477 = tpu.scan <sum>, %add3A_471 masked %reduce_sum3A_476 : vector<16xf32>, vector<16xi1> -> vector<16xf32>
          %reduce_sum3A_478 = vector.extract %reduce_sum3A_477[15] : f32 from vector<16xf32>
          %jit3A_479 = arith.constant 0.000000e+00 : f32
          %broadcast_in_dim3A_480 = vector.broadcast %reduce_sum3A_478 : f32 to vector<16xf32>
          %broadcast_in_dim3A_481 = vector.broadcast %jit3A_479 : f32 to vector<16xf32>
          %select_n3A_482 = arith.select %eq3A_474, %broadcast_in_dim3A_480, %broadcast_in_dim3A_481 : vector<16xi1>, vector<16xf32>
          %add3A_483 = arith.constant 7 : i32
          %add3A_484 = arith.addi %mul3A_195, %add3A_483 : i32
          %get3A_485 = arith.index_cast %add3A_484 : i32 to index
          %get3A_486 = arith.constant 0 : index
          %get3A_487 = tpu.vector_load %arg11[%get3A_485, %get3A_486] {strides = array<i32>} : memref<400x64xbf16, #tpu.memory_space<vmem>>, vector<32xbf16>,
          %get3A_488 = arith.index_cast %add3A_484 : i32 to index
          %get3A_489 = arith.constant 0 : index
          %get3A_490 = tpu.vector_load %arg13[%get3A_488, %get3A_489] {strides = array<i32>} : memref<400x64xbf16, #tpu.memory_space<vmem>>, vector<32xbf16>,
          %add3A_491 = arith.addf %get3A_487, %get3A_490 : vector<32xbf16>
          %max3A_492 = arith.constant 0.000000e+00 : bf16
          %max3A_493 = vector.broadcast %max3A_492 : bf16 to vector<32xbf16>
          %max3A_494 = arith.maximumf %add3A_491, %max3A_493 : vector<32xbf16>
          %mul3A_495 = arith.mulf %max3A_494, %get3A_5 : vector<32xbf16>
          %unpack3A_496 = tpu.unpack_subelements %mul3A_495, 0 {pack_format = #tpu.pack_format<interleaved>} : vector<32xbf16> -> vector<16xf32>
          %unpack3A_497 = tpu.unpack_subelements %mul3A_495, 1 {pack_format = #tpu.pack_format<interleaved>} : vector<32xbf16> -> vector<16xf32>
          %add3A_498 = arith.addf %unpack3A_496, %unpack3A_497 : vector<16xf32>
          %get3A_499 = arith.index_cast %add3A_484 : i32 to index
          %get3A_500 = arith.constant 32 : index
          %get3A_501 = tpu.vector_load %arg11[%get3A_499, %get3A_500] {strides = array<i32>} : memref<400x64xbf16, #tpu.memory_space<vmem>>, vector<32xbf16>,
          %get3A_502 = arith.index_cast %add3A_484 : i32 to index
          %get3A_503 = arith.constant 32 : index
          %get3A_504 = tpu.vector_load %arg13[%get3A_502, %get3A_503] {strides = array<i32>} : memref<400x64xbf16, #tpu.memory_space<vmem>>, vector<32xbf16>,
          %add3A_505 = arith.addf %get3A_501, %get3A_504 : vector<32xbf16>
          %max3A_506 = arith.constant 0.000000e+00 : bf16
          %max3A_507 = vector.broadcast %max3A_506 : bf16 to vector<32xbf16>
          %max3A_508 = arith.maximumf %add3A_505, %max3A_507 : vector<32xbf16>
          %mul3A_509 = arith.mulf %max3A_508, %get3A_7 : vector<32xbf16>
          %unpack3A_510 = tpu.unpack_subelements %mul3A_509, 0 {pack_format = #tpu.pack_format<interleaved>} : vector<32xbf16> -> vector<16xf32>
          %unpack3A_511 = tpu.unpack_subelements %mul3A_509, 1 {pack_format = #tpu.pack_format<interleaved>} : vector<32xbf16> -> vector<16xf32>
          %add3A_512 = arith.addf %unpack3A_510, %unpack3A_511 : vector<16xf32>
          %add3A_513 = arith.addf %add3A_498, %add3A_512 : vector<16xf32>
          %eq3A_514 = arith.constant 7 : i32
          %eq3A_515 = vector.broadcast %eq3A_514 : i32 to vector<16xi32>
          %eq3A_516 = arith.cmpi eq, %iota3A, %eq3A_515 : vector<16xi32>
          %reduce_sum3A_517 = arith.constant true
          %reduce_sum3A_518 = vector.broadcast %reduce_sum3A_517 : i1 to vector<16xi1>
          %reduce_sum3A_519 = tpu.scan <sum>, %add3A_513 masked %reduce_sum3A_518 : vector<16xf32>, vector<16xi1> -> vector<16xf32>
          %reduce_sum3A_520 = vector.extract %reduce_sum3A_519[15] : f32 from vector<16xf32>
          %jit3A_521 = arith.constant 0.000000e+00 : f32
          %broadcast_in_dim3A_522 = vector.broadcast %reduce_sum3A_520 : f32 to vector<16xf32>
          %broadcast_in_dim3A_523 = vector.broadcast %jit3A_521 : f32 to vector<16xf32>
          %select_n3A_524 = arith.select %eq3A_516, %broadcast_in_dim3A_522, %broadcast_in_dim3A_523 : vector<16xi1>, vector<16xf32>
          %add3A_525 = arith.constant 8 : i32
          %add3A_526 = arith.addi %mul3A_195, %add3A_525 : i32
          %get3A_527 = arith.index_cast %add3A_526 : i32 to index
          %get3A_528 = arith.constant 0 : index
          %get3A_529 = tpu.vector_load %arg11[%get3A_527, %get3A_528] {strides = array<i32>} : memref<400x64xbf16, #tpu.memory_space<vmem>>, vector<32xbf16>,
          %get3A_530 = arith.index_cast %add3A_526 : i32 to index
          %get3A_531 = arith.constant 0 : index
          %get3A_532 = tpu.vector_load %arg13[%get3A_530, %get3A_531] {strides = array<i32>} : memref<400x64xbf16, #tpu.memory_space<vmem>>, vector<32xbf16>,
          %add3A_533 = arith.addf %get3A_529, %get3A_532 : vector<32xbf16>
          %max3A_534 = arith.constant 0.000000e+00 : bf16
          %max3A_535 = vector.broadcast %max3A_534 : bf16 to vector<32xbf16>
          %max3A_536 = arith.maximumf %add3A_533, %max3A_535 : vector<32xbf16>
          %mul3A_537 = arith.mulf %max3A_536, %get3A_5 : vector<32xbf16>
          %unpack3A_538 = tpu.unpack_subelements %mul3A_537, 0 {pack_format = #tpu.pack_format<interleaved>} : vector<32xbf16> -> vector<16xf32>
          %unpack3A_539 = tpu.unpack_subelements %mul3A_537, 1 {pack_format = #tpu.pack_format<interleaved>} : vector<32xbf16> -> vector<16xf32>
          %add3A_540 = arith.addf %unpack3A_538, %unpack3A_539 : vector<16xf32>
          %get3A_541 = arith.index_cast %add3A_526 : i32 to index
          %get3A_542 = arith.constant 32 : index
          %get3A_543 = tpu.vector_load %arg11[%get3A_541, %get3A_542] {strides = array<i32>} : memref<400x64xbf16, #tpu.memory_space<vmem>>, vector<32xbf16>,
          %get3A_544 = arith.index_cast %add3A_526 : i32 to index
          %get3A_545 = arith.constant 32 : index
          %get3A_546 = tpu.vector_load %arg13[%get3A_544, %get3A_545] {strides = array<i32>} : memref<400x64xbf16, #tpu.memory_space<vmem>>, vector<32xbf16>,
          %add3A_547 = arith.addf %get3A_543, %get3A_546 : vector<32xbf16>
          %max3A_548 = arith.constant 0.000000e+00 : bf16
          %max3A_549 = vector.broadcast %max3A_548 : bf16 to vector<32xbf16>
          %max3A_550 = arith.maximumf %add3A_547, %max3A_549 : vector<32xbf16>
          %mul3A_551 = arith.mulf %max3A_550, %get3A_7 : vector<32xbf16>
          %unpack3A_552 = tpu.unpack_subelements %mul3A_551, 0 {pack_format = #tpu.pack_format<interleaved>} : vector<32xbf16> -> vector<16xf32>
          %unpack3A_553 = tpu.unpack_subelements %mul3A_551, 1 {pack_format = #tpu.pack_format<interleaved>} : vector<32xbf16> -> vector<16xf32>
          %add3A_554 = arith.addf %unpack3A_552, %unpack3A_553 : vector<16xf32>
          %add3A_555 = arith.addf %add3A_540, %add3A_554 : vector<16xf32>
          %eq3A_556 = arith.constant 8 : i32
          %eq3A_557 = vector.broadcast %eq3A_556 : i32 to vector<16xi32>
          %eq3A_558 = arith.cmpi eq, %iota3A, %eq3A_557 : vector<16xi32>
          %reduce_sum3A_559 = arith.constant true
          %reduce_sum3A_560 = vector.broadcast %reduce_sum3A_559 : i1 to vector<16xi1>
          %reduce_sum3A_561 = tpu.scan <sum>, %add3A_555 masked %reduce_sum3A_560 : vector<16xf32>, vector<16xi1> -> vector<16xf32>
          %reduce_sum3A_562 = vector.extract %reduce_sum3A_561[15] : f32 from vector<16xf32>
          %jit3A_563 = arith.constant 0.000000e+00 : f32
          %broadcast_in_dim3A_564 = vector.broadcast %reduce_sum3A_562 : f32 to vector<16xf32>
          %broadcast_in_dim3A_565 = vector.broadcast %jit3A_563 : f32 to vector<16xf32>
          %select_n3A_566 = arith.select %eq3A_558, %broadcast_in_dim3A_564, %broadcast_in_dim3A_565 : vector<16xi1>, vector<16xf32>
          %add3A_567 = arith.constant 9 : i32
          %add3A_568 = arith.addi %mul3A_195, %add3A_567 : i32
          %get3A_569 = arith.index_cast %add3A_568 : i32 to index
          %get3A_570 = arith.constant 0 : index
          %get3A_571 = tpu.vector_load %arg11[%get3A_569, %get3A_570] {strides = array<i32>} : memref<400x64xbf16, #tpu.memory_space<vmem>>, vector<32xbf16>,
          %get3A_572 = arith.index_cast %add3A_568 : i32 to index
          %get3A_573 = arith.constant 0 : index
          %get3A_574 = tpu.vector_load %arg13[%get3A_572, %get3A_573] {strides = array<i32>} : memref<400x64xbf16, #tpu.memory_space<vmem>>, vector<32xbf16>,
          %add3A_575 = arith.addf %get3A_571, %get3A_574 : vector<32xbf16>
          %max3A_576 = arith.constant 0.000000e+00 : bf16
          %max3A_577 = vector.broadcast %max3A_576 : bf16 to vector<32xbf16>
          %max3A_578 = arith.maximumf %add3A_575, %max3A_577 : vector<32xbf16>
          %mul3A_579 = arith.mulf %max3A_578, %get3A_5 : vector<32xbf16>
          %unpack3A_580 = tpu.unpack_subelements %mul3A_579, 0 {pack_format = #tpu.pack_format<interleaved>} : vector<32xbf16> -> vector<16xf32>
          %unpack3A_581 = tpu.unpack_subelements %mul3A_579, 1 {pack_format = #tpu.pack_format<interleaved>} : vector<32xbf16> -> vector<16xf32>
          %add3A_582 = arith.addf %unpack3A_580, %unpack3A_581 : vector<16xf32>
          %get3A_583 = arith.index_cast %add3A_568 : i32 to index
          %get3A_584 = arith.constant 32 : index
          %get3A_585 = tpu.vector_load %arg11[%get3A_583, %get3A_584] {strides = array<i32>} : memref<400x64xbf16, #tpu.memory_space<vmem>>, vector<32xbf16>,
          %get3A_586 = arith.index_cast %add3A_568 : i32 to index
          %get3A_587 = arith.constant 32 : index
          %get3A_588 = tpu.vector_load %arg13[%get3A_586, %get3A_587] {strides = array<i32>} : memref<400x64xbf16, #tpu.memory_space<vmem>>, vector<32xbf16>,
          %add3A_589 = arith.addf %get3A_585, %get3A_588 : vector<32xbf16>
          %max3A_590 = arith.constant 0.000000e+00 : bf16
          %max3A_591 = vector.broadcast %max3A_590 : bf16 to vector<32xbf16>
          %max3A_592 = arith.maximumf %add3A_589, %max3A_591 : vector<32xbf16>
          %mul3A_593 = arith.mulf %max3A_592, %get3A_7 : vector<32xbf16>
          %unpack3A_594 = tpu.unpack_subelements %mul3A_593, 0 {pack_format = #tpu.pack_format<interleaved>} : vector<32xbf16> -> vector<16xf32>
          %unpack3A_595 = tpu.unpack_subelements %mul3A_593, 1 {pack_format = #tpu.pack_format<interleaved>} : vector<32xbf16> -> vector<16xf32>
          %add3A_596 = arith.addf %unpack3A_594, %unpack3A_595 : vector<16xf32>
          %add3A_597 = arith.addf %add3A_582, %add3A_596 : vector<16xf32>
          %eq3A_598 = arith.constant 9 : i32
          %eq3A_599 = vector.broadcast %eq3A_598 : i32 to vector<16xi32>
          %eq3A_600 = arith.cmpi eq, %iota3A, %eq3A_599 : vector<16xi32>
          %reduce_sum3A_601 = arith.constant true
          %reduce_sum3A_602 = vector.broadcast %reduce_sum3A_601 : i1 to vector<16xi1>
          %reduce_sum3A_603 = tpu.scan <sum>, %add3A_597 masked %reduce_sum3A_602 : vector<16xf32>, vector<16xi1> -> vector<16xf32>
          %reduce_sum3A_604 = vector.extract %reduce_sum3A_603[15] : f32 from vector<16xf32>
          %jit3A_605 = arith.constant 0.000000e+00 : f32
          %broadcast_in_dim3A_606 = vector.broadcast %reduce_sum3A_604 : f32 to vector<16xf32>
          %broadcast_in_dim3A_607 = vector.broadcast %jit3A_605 : f32 to vector<16xf32>
          %select_n3A_608 = arith.select %eq3A_600, %broadcast_in_dim3A_606, %broadcast_in_dim3A_607 : vector<16xi1>, vector<16xf32>
          %add3A_609 = arith.constant 10 : i32
          %add3A_610 = arith.addi %mul3A_195, %add3A_609 : i32
          %get3A_611 = arith.index_cast %add3A_610 : i32 to index
          %get3A_612 = arith.constant 0 : index
          %get3A_613 = tpu.vector_load %arg11[%get3A_611, %get3A_612] {strides = array<i32>} : memref<400x64xbf16, #tpu.memory_space<vmem>>, vector<32xbf16>,
          %get3A_614 = arith.index_cast %add3A_610 : i32 to index
          %get3A_615 = arith.constant 0 : index
          %get3A_616 = tpu.vector_load %arg13[%get3A_614, %get3A_615] {strides = array<i32>} : memref<400x64xbf16, #tpu.memory_space<vmem>>, vector<32xbf16>,
          %add3A_617 = arith.addf %get3A_613, %get3A_616 : vector<32xbf16>
          %max3A_618 = arith.constant 0.000000e+00 : bf16
          %max3A_619 = vector.broadcast %max3A_618 : bf16 to vector<32xbf16>
          %max3A_620 = arith.maximumf %add3A_617, %max3A_619 : vector<32xbf16>
          %mul3A_621 = arith.mulf %max3A_620, %get3A_5 : vector<32xbf16>
          %unpack3A_622 = tpu.unpack_subelements %mul3A_621, 0 {pack_format = #tpu.pack_format<interleaved>} : vector<32xbf16> -> vector<16xf32>
          %unpack3A_623 = tpu.unpack_subelements %mul3A_621, 1 {pack_format = #tpu.pack_format<interleaved>} : vector<32xbf16> -> vector<16xf32>
          %add3A_624 = arith.addf %unpack3A_622, %unpack3A_623 : vector<16xf32>
          %get3A_625 = arith.index_cast %add3A_610 : i32 to index
          %get3A_626 = arith.constant 32 : index
          %get3A_627 = tpu.vector_load %arg11[%get3A_625, %get3A_626] {strides = array<i32>} : memref<400x64xbf16, #tpu.memory_space<vmem>>, vector<32xbf16>,
          %get3A_628 = arith.index_cast %add3A_610 : i32 to index
          %get3A_629 = arith.constant 32 : index
          %get3A_630 = tpu.vector_load %arg13[%get3A_628, %get3A_629] {strides = array<i32>} : memref<400x64xbf16, #tpu.memory_space<vmem>>, vector<32xbf16>,
          %add3A_631 = arith.addf %get3A_627, %get3A_630 : vector<32xbf16>
          %max3A_632 = arith.constant 0.000000e+00 : bf16
          %max3A_633 = vector.broadcast %max3A_632 : bf16 to vector<32xbf16>
          %max3A_634 = arith.maximumf %add3A_631, %max3A_633 : vector<32xbf16>
          %mul3A_635 = arith.mulf %max3A_634, %get3A_7 : vector<32xbf16>
          %unpack3A_636 = tpu.unpack_subelements %mul3A_635, 0 {pack_format = #tpu.pack_format<interleaved>} : vector<32xbf16> -> vector<16xf32>
          %unpack3A_637 = tpu.unpack_subelements %mul3A_635, 1 {pack_format = #tpu.pack_format<interleaved>} : vector<32xbf16> -> vector<16xf32>
          %add3A_638 = arith.addf %unpack3A_636, %unpack3A_637 : vector<16xf32>
          %add3A_639 = arith.addf %add3A_624, %add3A_638 : vector<16xf32>
          %eq3A_640 = arith.constant 10 : i32
          %eq3A_641 = vector.broadcast %eq3A_640 : i32 to vector<16xi32>
          %eq3A_642 = arith.cmpi eq, %iota3A, %eq3A_641 : vector<16xi32>
          %reduce_sum3A_643 = arith.constant true
          %reduce_sum3A_644 = vector.broadcast %reduce_sum3A_643 : i1 to vector<16xi1>
          %reduce_sum3A_645 = tpu.scan <sum>, %add3A_639 masked %reduce_sum3A_644 : vector<16xf32>, vector<16xi1> -> vector<16xf32>
          %reduce_sum3A_646 = vector.extract %reduce_sum3A_645[15] : f32 from vector<16xf32>
          %jit3A_647 = arith.constant 0.000000e+00 : f32
          %broadcast_in_dim3A_648 = vector.broadcast %reduce_sum3A_646 : f32 to vector<16xf32>
          %broadcast_in_dim3A_649 = vector.broadcast %jit3A_647 : f32 to vector<16xf32>
          %select_n3A_650 = arith.select %eq3A_642, %broadcast_in_dim3A_648, %broadcast_in_dim3A_649 : vector<16xi1>, vector<16xf32>
          %add3A_651 = arith.constant 11 : i32
          %add3A_652 = arith.addi %mul3A_195, %add3A_651 : i32
          %get3A_653 = arith.index_cast %add3A_652 : i32 to index
          %get3A_654 = arith.constant 0 : index
          %get3A_655 = tpu.vector_load %arg11[%get3A_653, %get3A_654] {strides = array<i32>} : memref<400x64xbf16, #tpu.memory_space<vmem>>, vector<32xbf16>,
          %get3A_656 = arith.index_cast %add3A_652 : i32 to index
          %get3A_657 = arith.constant 0 : index
          %get3A_658 = tpu.vector_load %arg13[%get3A_656, %get3A_657] {strides = array<i32>} : memref<400x64xbf16, #tpu.memory_space<vmem>>, vector<32xbf16>,
          %add3A_659 = arith.addf %get3A_655, %get3A_658 : vector<32xbf16>
          %max3A_660 = arith.constant 0.000000e+00 : bf16
          %max3A_661 = vector.broadcast %max3A_660 : bf16 to vector<32xbf16>
          %max3A_662 = arith.maximumf %add3A_659, %max3A_661 : vector<32xbf16>
          %mul3A_663 = arith.mulf %max3A_662, %get3A_5 : vector<32xbf16>
          %unpack3A_664 = tpu.unpack_subelements %mul3A_663, 0 {pack_format = #tpu.pack_format<interleaved>} : vector<32xbf16> -> vector<16xf32>
          %unpack3A_665 = tpu.unpack_subelements %mul3A_663, 1 {pack_format = #tpu.pack_format<interleaved>} : vector<32xbf16> -> vector<16xf32>
          %add3A_666 = arith.addf %unpack3A_664, %unpack3A_665 : vector<16xf32>
          %get3A_667 = arith.index_cast %add3A_652 : i32 to index
          %get3A_668 = arith.constant 32 : index
          %get3A_669 = tpu.vector_load %arg11[%get3A_667, %get3A_668] {strides = array<i32>} : memref<400x64xbf16, #tpu.memory_space<vmem>>, vector<32xbf16>,
          %get3A_670 = arith.index_cast %add3A_652 : i32 to index
          %get3A_671 = arith.constant 32 : index
          %get3A_672 = tpu.vector_load %arg13[%get3A_670, %get3A_671] {strides = array<i32>} : memref<400x64xbf16, #tpu.memory_space<vmem>>, vector<32xbf16>,
          %add3A_673 = arith.addf %get3A_669, %get3A_672 : vector<32xbf16>
          %max3A_674 = arith.constant 0.000000e+00 : bf16
          %max3A_675 = vector.broadcast %max3A_674 : bf16 to vector<32xbf16>
          %max3A_676 = arith.maximumf %add3A_673, %max3A_675 : vector<32xbf16>
          %mul3A_677 = arith.mulf %max3A_676, %get3A_7 : vector<32xbf16>
          %unpack3A_678 = tpu.unpack_subelements %mul3A_677, 0 {pack_format = #tpu.pack_format<interleaved>} : vector<32xbf16> -> vector<16xf32>
          %unpack3A_679 = tpu.unpack_subelements %mul3A_677, 1 {pack_format = #tpu.pack_format<interleaved>} : vector<32xbf16> -> vector<16xf32>
          %add3A_680 = arith.addf %unpack3A_678, %unpack3A_679 : vector<16xf32>
          %add3A_681 = arith.addf %add3A_666, %add3A_680 : vector<16xf32>
          %eq3A_682 = arith.constant 11 : i32
          %eq3A_683 = vector.broadcast %eq3A_682 : i32 to vector<16xi32>
          %eq3A_684 = arith.cmpi eq, %iota3A, %eq3A_683 : vector<16xi32>
          %reduce_sum3A_685 = arith.constant true
          %reduce_sum3A_686 = vector.broadcast %reduce_sum3A_685 : i1 to vector<16xi1>
          %reduce_sum3A_687 = tpu.scan <sum>, %add3A_681 masked %reduce_sum3A_686 : vector<16xf32>, vector<16xi1> -> vector<16xf32>
          %reduce_sum3A_688 = vector.extract %reduce_sum3A_687[15] : f32 from vector<16xf32>
          %jit3A_689 = arith.constant 0.000000e+00 : f32
          %broadcast_in_dim3A_690 = vector.broadcast %reduce_sum3A_688 : f32 to vector<16xf32>
          %broadcast_in_dim3A_691 = vector.broadcast %jit3A_689 : f32 to vector<16xf32>
          %select_n3A_692 = arith.select %eq3A_684, %broadcast_in_dim3A_690, %broadcast_in_dim3A_691 : vector<16xi1>, vector<16xf32>
          %add3A_693 = arith.constant 12 : i32
          %add3A_694 = arith.addi %mul3A_195, %add3A_693 : i32
          %get3A_695 = arith.index_cast %add3A_694 : i32 to index
          %get3A_696 = arith.constant 0 : index
          %get3A_697 = tpu.vector_load %arg11[%get3A_695, %get3A_696] {strides = array<i32>} : memref<400x64xbf16, #tpu.memory_space<vmem>>, vector<32xbf16>,
          %get3A_698 = arith.index_cast %add3A_694 : i32 to index
          %get3A_699 = arith.constant 0 : index
          %get3A_700 = tpu.vector_load %arg13[%get3A_698, %get3A_699] {strides = array<i32>} : memref<400x64xbf16, #tpu.memory_space<vmem>>, vector<32xbf16>,
          %add3A_701 = arith.addf %get3A_697, %get3A_700 : vector<32xbf16>
          %max3A_702 = arith.constant 0.000000e+00 : bf16
          %max3A_703 = vector.broadcast %max3A_702 : bf16 to vector<32xbf16>
          %max3A_704 = arith.maximumf %add3A_701, %max3A_703 : vector<32xbf16>
          %mul3A_705 = arith.mulf %max3A_704, %get3A_5 : vector<32xbf16>
          %unpack3A_706 = tpu.unpack_subelements %mul3A_705, 0 {pack_format = #tpu.pack_format<interleaved>} : vector<32xbf16> -> vector<16xf32>
          %unpack3A_707 = tpu.unpack_subelements %mul3A_705, 1 {pack_format = #tpu.pack_format<interleaved>} : vector<32xbf16> -> vector<16xf32>
          %add3A_708 = arith.addf %unpack3A_706, %unpack3A_707 : vector<16xf32>
          %get3A_709 = arith.index_cast %add3A_694 : i32 to index
          %get3A_710 = arith.constant 32 : index
          %get3A_711 = tpu.vector_load %arg11[%get3A_709, %get3A_710] {strides = array<i32>} : memref<400x64xbf16, #tpu.memory_space<vmem>>, vector<32xbf16>,
          %get3A_712 = arith.index_cast %add3A_694 : i32 to index
          %get3A_713 = arith.constant 32 : index
          %get3A_714 = tpu.vector_load %arg13[%get3A_712, %get3A_713] {strides = array<i32>} : memref<400x64xbf16, #tpu.memory_space<vmem>>, vector<32xbf16>,
          %add3A_715 = arith.addf %get3A_711, %get3A_714 : vector<32xbf16>
          %max3A_716 = arith.constant 0.000000e+00 : bf16
          %max3A_717 = vector.broadcast %max3A_716 : bf16 to vector<32xbf16>
          %max3A_718 = arith.maximumf %add3A_715, %max3A_717 : vector<32xbf16>
          %mul3A_719 = arith.mulf %max3A_718, %get3A_7 : vector<32xbf16>
          %unpack3A_720 = tpu.unpack_subelements %mul3A_719, 0 {pack_format = #tpu.pack_format<interleaved>} : vector<32xbf16> -> vector<16xf32>
          %unpack3A_721 = tpu.unpack_subelements %mul3A_719, 1 {pack_format = #tpu.pack_format<interleaved>} : vector<32xbf16> -> vector<16xf32>
          %add3A_722 = arith.addf %unpack3A_720, %unpack3A_721 : vector<16xf32>
          %add3A_723 = arith.addf %add3A_708, %add3A_722 : vector<16xf32>
          %eq3A_724 = arith.constant 12 : i32
          %eq3A_725 = vector.broadcast %eq3A_724 : i32 to vector<16xi32>
          %eq3A_726 = arith.cmpi eq, %iota3A, %eq3A_725 : vector<16xi32>
          %reduce_sum3A_727 = arith.constant true
          %reduce_sum3A_728 = vector.broadcast %reduce_sum3A_727 : i1 to vector<16xi1>
          %reduce_sum3A_729 = tpu.scan <sum>, %add3A_723 masked %reduce_sum3A_728 : vector<16xf32>, vector<16xi1> -> vector<16xf32>
          %reduce_sum3A_730 = vector.extract %reduce_sum3A_729[15] : f32 from vector<16xf32>
          %jit3A_731 = arith.constant 0.000000e+00 : f32
          %broadcast_in_dim3A_732 = vector.broadcast %reduce_sum3A_730 : f32 to vector<16xf32>
          %broadcast_in_dim3A_733 = vector.broadcast %jit3A_731 : f32 to vector<16xf32>
          %select_n3A_734 = arith.select %eq3A_726, %broadcast_in_dim3A_732, %broadcast_in_dim3A_733 : vector<16xi1>, vector<16xf32>
          %add3A_735 = arith.constant 13 : i32
          %add3A_736 = arith.addi %mul3A_195, %add3A_735 : i32
          %get3A_737 = arith.index_cast %add3A_736 : i32 to index
          %get3A_738 = arith.constant 0 : index
          %get3A_739 = tpu.vector_load %arg11[%get3A_737, %get3A_738] {strides = array<i32>} : memref<400x64xbf16, #tpu.memory_space<vmem>>, vector<32xbf16>,
          %get3A_740 = arith.index_cast %add3A_736 : i32 to index
          %get3A_741 = arith.constant 0 : index
          %get3A_742 = tpu.vector_load %arg13[%get3A_740, %get3A_741] {strides = array<i32>} : memref<400x64xbf16, #tpu.memory_space<vmem>>, vector<32xbf16>,
          %add3A_743 = arith.addf %get3A_739, %get3A_742 : vector<32xbf16>
          %max3A_744 = arith.constant 0.000000e+00 : bf16
          %max3A_745 = vector.broadcast %max3A_744 : bf16 to vector<32xbf16>
          %max3A_746 = arith.maximumf %add3A_743, %max3A_745 : vector<32xbf16>
          %mul3A_747 = arith.mulf %max3A_746, %get3A_5 : vector<32xbf16>
          %unpack3A_748 = tpu.unpack_subelements %mul3A_747, 0 {pack_format = #tpu.pack_format<interleaved>} : vector<32xbf16> -> vector<16xf32>
          %unpack3A_749 = tpu.unpack_subelements %mul3A_747, 1 {pack_format = #tpu.pack_format<interleaved>} : vector<32xbf16> -> vector<16xf32>
          %add3A_750 = arith.addf %unpack3A_748, %unpack3A_749 : vector<16xf32>
          %get3A_751 = arith.index_cast %add3A_736 : i32 to index
          %get3A_752 = arith.constant 32 : index
          %get3A_753 = tpu.vector_load %arg11[%get3A_751, %get3A_752] {strides = array<i32>} : memref<400x64xbf16, #tpu.memory_space<vmem>>, vector<32xbf16>,
          %get3A_754 = arith.index_cast %add3A_736 : i32 to index
          %get3A_755 = arith.constant 32 : index
          %get3A_756 = tpu.vector_load %arg13[%get3A_754, %get3A_755] {strides = array<i32>} : memref<400x64xbf16, #tpu.memory_space<vmem>>, vector<32xbf16>,
          %add3A_757 = arith.addf %get3A_753, %get3A_756 : vector<32xbf16>
          %max3A_758 = arith.constant 0.000000e+00 : bf16
          %max3A_759 = vector.broadcast %max3A_758 : bf16 to vector<32xbf16>
          %max3A_760 = arith.maximumf %add3A_757, %max3A_759 : vector<32xbf16>
          %mul3A_761 = arith.mulf %max3A_760, %get3A_7 : vector<32xbf16>
          %unpack3A_762 = tpu.unpack_subelements %mul3A_761, 0 {pack_format = #tpu.pack_format<interleaved>} : vector<32xbf16> -> vector<16xf32>
          %unpack3A_763 = tpu.unpack_subelements %mul3A_761, 1 {pack_format = #tpu.pack_format<interleaved>} : vector<32xbf16> -> vector<16xf32>
          %add3A_764 = arith.addf %unpack3A_762, %unpack3A_763 : vector<16xf32>
          %add3A_765 = arith.addf %add3A_750, %add3A_764 : vector<16xf32>
          %eq3A_766 = arith.constant 13 : i32
          %eq3A_767 = vector.broadcast %eq3A_766 : i32 to vector<16xi32>
          %eq3A_768 = arith.cmpi eq, %iota3A, %eq3A_767 : vector<16xi32>
          %reduce_sum3A_769 = arith.constant true
          %reduce_sum3A_770 = vector.broadcast %reduce_sum3A_769 : i1 to vector<16xi1>
          %reduce_sum3A_771 = tpu.scan <sum>, %add3A_765 masked %reduce_sum3A_770 : vector<16xf32>, vector<16xi1> -> vector<16xf32>
          %reduce_sum3A_772 = vector.extract %reduce_sum3A_771[15] : f32 from vector<16xf32>
          %jit3A_773 = arith.constant 0.000000e+00 : f32
          %broadcast_in_dim3A_774 = vector.broadcast %reduce_sum3A_772 : f32 to vector<16xf32>
          %broadcast_in_dim3A_775 = vector.broadcast %jit3A_773 : f32 to vector<16xf32>
          %select_n3A_776 = arith.select %eq3A_768, %broadcast_in_dim3A_774, %broadcast_in_dim3A_775 : vector<16xi1>, vector<16xf32>
          %add3A_777 = arith.constant 14 : i32
          %add3A_778 = arith.addi %mul3A_195, %add3A_777 : i32
          %get3A_779 = arith.index_cast %add3A_778 : i32 to index
          %get3A_780 = arith.constant 0 : index
          %get3A_781 = tpu.vector_load %arg11[%get3A_779, %get3A_780] {strides = array<i32>} : memref<400x64xbf16, #tpu.memory_space<vmem>>, vector<32xbf16>,
          %get3A_782 = arith.index_cast %add3A_778 : i32 to index
          %get3A_783 = arith.constant 0 : index
          %get3A_784 = tpu.vector_load %arg13[%get3A_782, %get3A_783] {strides = array<i32>} : memref<400x64xbf16, #tpu.memory_space<vmem>>, vector<32xbf16>,
          %add3A_785 = arith.addf %get3A_781, %get3A_784 : vector<32xbf16>
          %max3A_786 = arith.constant 0.000000e+00 : bf16
          %max3A_787 = vector.broadcast %max3A_786 : bf16 to vector<32xbf16>
          %max3A_788 = arith.maximumf %add3A_785, %max3A_787 : vector<32xbf16>
          %mul3A_789 = arith.mulf %max3A_788, %get3A_5 : vector<32xbf16>
          %unpack3A_790 = tpu.unpack_subelements %mul3A_789, 0 {pack_format = #tpu.pack_format<interleaved>} : vector<32xbf16> -> vector<16xf32>
          %unpack3A_791 = tpu.unpack_subelements %mul3A_789, 1 {pack_format = #tpu.pack_format<interleaved>} : vector<32xbf16> -> vector<16xf32>
          %add3A_792 = arith.addf %unpack3A_790, %unpack3A_791 : vector<16xf32>
          %get3A_793 = arith.index_cast %add3A_778 : i32 to index
          %get3A_794 = arith.constant 32 : index
          %get3A_795 = tpu.vector_load %arg11[%get3A_793, %get3A_794] {strides = array<i32>} : memref<400x64xbf16, #tpu.memory_space<vmem>>, vector<32xbf16>,
          %get3A_796 = arith.index_cast %add3A_778 : i32 to index
          %get3A_797 = arith.constant 32 : index
          %get3A_798 = tpu.vector_load %arg13[%get3A_796, %get3A_797] {strides = array<i32>} : memref<400x64xbf16, #tpu.memory_space<vmem>>, vector<32xbf16>,
          %add3A_799 = arith.addf %get3A_795, %get3A_798 : vector<32xbf16>
          %max3A_800 = arith.constant 0.000000e+00 : bf16
          %max3A_801 = vector.broadcast %max3A_800 : bf16 to vector<32xbf16>
          %max3A_802 = arith.maximumf %add3A_799, %max3A_801 : vector<32xbf16>
          %mul3A_803 = arith.mulf %max3A_802, %get3A_7 : vector<32xbf16>
          %unpack3A_804 = tpu.unpack_subelements %mul3A_803, 0 {pack_format = #tpu.pack_format<interleaved>} : vector<32xbf16> -> vector<16xf32>
          %unpack3A_805 = tpu.unpack_subelements %mul3A_803, 1 {pack_format = #tpu.pack_format<interleaved>} : vector<32xbf16> -> vector<16xf32>
          %add3A_806 = arith.addf %unpack3A_804, %unpack3A_805 : vector<16xf32>
          %add3A_807 = arith.addf %add3A_792, %add3A_806 : vector<16xf32>
          %eq3A_808 = arith.constant 14 : i32
          %eq3A_809 = vector.broadcast %eq3A_808 : i32 to vector<16xi32>
          %eq3A_810 = arith.cmpi eq, %iota3A, %eq3A_809 : vector<16xi32>
          %reduce_sum3A_811 = arith.constant true
          %reduce_sum3A_812 = vector.broadcast %reduce_sum3A_811 : i1 to vector<16xi1>
          %reduce_sum3A_813 = tpu.scan <sum>, %add3A_807 masked %reduce_sum3A_812 : vector<16xf32>, vector<16xi1> -> vector<16xf32>
          %reduce_sum3A_814 = vector.extract %reduce_sum3A_813[15] : f32 from vector<16xf32>
          %jit3A_815 = arith.constant 0.000000e+00 : f32
          %broadcast_in_dim3A_816 = vector.broadcast %reduce_sum3A_814 : f32 to vector<16xf32>
          %broadcast_in_dim3A_817 = vector.broadcast %jit3A_815 : f32 to vector<16xf32>
          %select_n3A_818 = arith.select %eq3A_810, %broadcast_in_dim3A_816, %broadcast_in_dim3A_817 : vector<16xi1>, vector<16xf32>
          %add3A_819 = arith.constant 15 : i32
          %add3A_820 = arith.addi %mul3A_195, %add3A_819 : i32
          %get3A_821 = arith.index_cast %add3A_820 : i32 to index
          %get3A_822 = arith.constant 0 : index
          %get3A_823 = tpu.vector_load %arg11[%get3A_821, %get3A_822] {strides = array<i32>} : memref<400x64xbf16, #tpu.memory_space<vmem>>, vector<32xbf16>,
          %get3A_824 = arith.index_cast %add3A_820 : i32 to index
          %get3A_825 = arith.constant 0 : index
          %get3A_826 = tpu.vector_load %arg13[%get3A_824, %get3A_825] {strides = array<i32>} : memref<400x64xbf16, #tpu.memory_space<vmem>>, vector<32xbf16>,
          %add3A_827 = arith.addf %get3A_823, %get3A_826 : vector<32xbf16>
          %max3A_828 = arith.constant 0.000000e+00 : bf16
          %max3A_829 = vector.broadcast %max3A_828 : bf16 to vector<32xbf16>
          %max3A_830 = arith.maximumf %add3A_827, %max3A_829 : vector<32xbf16>
          %mul3A_831 = arith.mulf %max3A_830, %get3A_5 : vector<32xbf16>
          %unpack3A_832 = tpu.unpack_subelements %mul3A_831, 0 {pack_format = #tpu.pack_format<interleaved>} : vector<32xbf16> -> vector<16xf32>
          %unpack3A_833 = tpu.unpack_subelements %mul3A_831, 1 {pack_format = #tpu.pack_format<interleaved>} : vector<32xbf16> -> vector<16xf32>
          %add3A_834 = arith.addf %unpack3A_832, %unpack3A_833 : vector<16xf32>
          %get3A_835 = arith.index_cast %add3A_820 : i32 to index
          %get3A_836 = arith.constant 32 : index
          %get3A_837 = tpu.vector_load %arg11[%get3A_835, %get3A_836] {strides = array<i32>} : memref<400x64xbf16, #tpu.memory_space<vmem>>, vector<32xbf16>,
          %get3A_838 = arith.index_cast %add3A_820 : i32 to index
          %get3A_839 = arith.constant 32 : index
          %get3A_840 = tpu.vector_load %arg13[%get3A_838, %get3A_839] {strides = array<i32>} : memref<400x64xbf16, #tpu.memory_space<vmem>>, vector<32xbf16>,
          %add3A_841 = arith.addf %get3A_837, %get3A_840 : vector<32xbf16>
          %max3A_842 = arith.constant 0.000000e+00 : bf16
          %max3A_843 = vector.broadcast %max3A_842 : bf16 to vector<32xbf16>
          %max3A_844 = arith.maximumf %add3A_841, %max3A_843 : vector<32xbf16>
          %mul3A_845 = arith.mulf %max3A_844, %get3A_7 : vector<32xbf16>
          %unpack3A_846 = tpu.unpack_subelements %mul3A_845, 0 {pack_format = #tpu.pack_format<interleaved>} : vector<32xbf16> -> vector<16xf32>
          %unpack3A_847 = tpu.unpack_subelements %mul3A_845, 1 {pack_format = #tpu.pack_format<interleaved>} : vector<32xbf16> -> vector<16xf32>
          %add3A_848 = arith.addf %unpack3A_846, %unpack3A_847 : vector<16xf32>
          %add3A_849 = arith.addf %add3A_834, %add3A_848 : vector<16xf32>
          %eq3A_850 = arith.constant 15 : i32
          %eq3A_851 = vector.broadcast %eq3A_850 : i32 to vector<16xi32>
          %eq3A_852 = arith.cmpi eq, %iota3A, %eq3A_851 : vector<16xi32>
          %reduce_sum3A_853 = arith.constant true
          %reduce_sum3A_854 = vector.broadcast %reduce_sum3A_853 : i1 to vector<16xi1>
          %reduce_sum3A_855 = tpu.scan <sum>, %add3A_849 masked %reduce_sum3A_854 : vector<16xf32>, vector<16xi1> -> vector<16xf32>
          %reduce_sum3A_856 = vector.extract %reduce_sum3A_855[15] : f32 from vector<16xf32>
          %jit3A_857 = arith.constant 0.000000e+00 : f32
          %broadcast_in_dim3A_858 = vector.broadcast %reduce_sum3A_856 : f32 to vector<16xf32>
          %broadcast_in_dim3A_859 = vector.broadcast %jit3A_857 : f32 to vector<16xf32>
          %select_n3A_860 = arith.select %eq3A_852, %broadcast_in_dim3A_858, %broadcast_in_dim3A_859 : vector<16xi1>, vector<16xf32>
          %add3A_861 = arith.addf %select_n3A, %select_n3A_272 : vector<16xf32>
          %add3A_862 = arith.addf %select_n3A_314, %select_n3A_356 : vector<16xf32>
          %add3A_863 = arith.addf %select_n3A_398, %select_n3A_440 : vector<16xf32>
          %add3A_864 = arith.addf %select_n3A_482, %select_n3A_524 : vector<16xf32>
          %add3A_865 = arith.addf %select_n3A_566, %select_n3A_608 : vector<16xf32>
          %add3A_866 = arith.addf %select_n3A_650, %select_n3A_692 : vector<16xf32>
          %add3A_867 = arith.addf %select_n3A_734, %select_n3A_776 : vector<16xf32>
          %add3A_868 = arith.addf %select_n3A_818, %select_n3A_860 : vector<16xf32>
          %add3A_869 = arith.addf %add3A_861, %add3A_862 : vector<16xf32>
          %add3A_870 = arith.addf %add3A_863, %add3A_864 : vector<16xf32>
          %add3A_871 = arith.addf %add3A_865, %add3A_866 : vector<16xf32>
          %add3A_872 = arith.addf %add3A_867, %add3A_868 : vector<16xf32>
          %add3A_873 = arith.addf %add3A_869, %add3A_870 : vector<16xf32>
          %add3A_874 = arith.addf %add3A_871, %add3A_872 : vector<16xf32>
          %add3A_875 = arith.addf %add3A_873, %add3A_874 : vector<16xf32>
          %get3A_876 = arith.index_cast %mul3A_195 : i32 to index
          %get3A_877 = tpu.vector_load %arg15[%get3A_876] {strides = array<i32>} : memref<400xf32, #tpu.memory_space<vmem>>, vector<16xf32>,
          %add3A_878 = arith.addf %add3A_875, %get3A_877 : vector<16xf32>
          %neg3A = arith.constant 0.000000e+00 : f32
          %neg3A_879 = vector.broadcast %neg3A : f32 to vector<16xf32>
          %neg3A_880 = arith.subf %neg3A_879, %add3A_878 : vector<16xf32>
          %exp3A = math.exp %neg3A_880 : vector<16xf32>
          %add3A_881 = arith.constant 1.000000e+00 : f32
          %add3A_882 = vector.broadcast %add3A_881 : f32 to vector<16xf32>
          %add3A_883 = arith.addf %add3A_882, %exp3A : vector<16xf32>
          %div3A = arith.constant 1.000000e+00 : f32
          %div3A_884 = vector.broadcast %div3A : f32 to vector<16xf32>
          %div3A_885 = arith.divf %div3A_884, %add3A_883 : vector<16xf32>
          %max3A_886 = arith.constant 0.000000e+00 : f32
          %max3A_887 = vector.broadcast %max3A_886 : f32 to vector<16xf32>
          %max3A_888 = arith.maximumf %div3A_885, %max3A_887 : vector<16xf32>
          %swap3A = arith.index_cast %mul3A_195 : i32 to index
          %swap3A_889 = tpu.vector_load %arg17[%swap3A] {strides = array<i32>} : memref<400xf32, #tpu.memory_space<vmem>>, vector<16xf32>,
          tpu.vector_store %arg17[%swap3A], %max3A_888 {strides = array<i32>} : memref<400xf32, #tpu.memory_space<vmem>>, vector<16xf32>,
        }
        %scan3A_183 = arith.constant 25 : i32
        %mul3A_184 = arith.constant 400 : i32
        %mul3A_185 = arith.muli %sub3A_61, %mul3A_184 : i32
        %add3A_186 = arith.addi %mul3A_4, %mul3A_185 : i32
        %dma_start3A_187 = tpu.memref_slice %arg7[%add3A_186] : memref<320000xf32, #tpu.memory_space<hbm>> -> memref<400xf32, #tpu.memory_space<hbm>>
        %dma_start3A_188 = tpu.memref_slice %arg7[%add3A_186] : memref<320000xf32, #tpu.memory_space<hbm>> -> memref<400xf32, #tpu.memory_space<hbm>>
        tpu.enqueue_dma source(%arg17 : memref<400xf32, #tpu.memory_space<vmem>>) target(%dma_start3A_188 : memref<400xf32, #tpu.memory_space<hbm>>) target_semaphore(%arg24 : memref<!tpu.dma_semaphore, #tpu.memory_space<semaphore_mem>>)
      } else {
      }
      %add3A_49 = arith.constant 1 : i32
      %add3A_50 = arith.addi %add3A_40, %add3A_49 : i32
      %lt3A_51 = arith.constant 25 : i32
      %lt3A_52 = arith.cmpi slt, %add3A_50, %lt3A_51 : i32
      %convert_element_type3A_53 = arith.extui %lt3A_52 : i1 to i32
      %cond3A_54 = arith.constant 0 : i32
      %cond3A_55 = arith.cmpi ne, %convert_element_type3A_53, %cond3A_54 : i32
      scf.if %cond3A_55 {
        %add3A_61 = arith.addi %mul3A_2, %add3A_50 : i32
        %dma_wait3A_62 = arith.constant 0 : i32
        %dma_wait3A_63 = arith.constant 0 : i32
        %dma_wait3A_64 = tpu.memref_slice %arg4[%add3A_61, %dma_wait3A_62, %dma_wait3A_63] : memref<800x2x400xi32, #tpu.memory_space<hbm>> -> memref<1x2x400xi32, #tpu.memory_space<hbm>>
        %dma_wait3A_65 = tpu.memref_squeeze %dma_wait3A_64 : memref<1x2x400xi32, #tpu.memory_space<hbm>> -> memref<2x400xi32, #tpu.memory_space<hbm>>
        %dma_wait3A_66 = arith.constant 0 : i32
        %dma_wait3A_67 = arith.constant 0 : i32
        %dma_wait3A_68 = tpu.memref_slice %arg4[%add3A_61, %dma_wait3A_66, %dma_wait3A_67] : memref<800x2x400xi32, #tpu.memory_space<hbm>> -> memref<1x2x400xi32, #tpu.memory_space<hbm>>
        %dma_wait3A_69 = tpu.memref_squeeze %dma_wait3A_68 : memref<1x2x400xi32, #tpu.memory_space<hbm>> -> memref<2x400xi32, #tpu.memory_space<hbm>>
        tpu.wait_dma2 semaphore(%arg20 : memref<!tpu.dma_semaphore, #tpu.memory_space<semaphore_mem>>) src(%dma_wait3A_69 : memref<2x400xi32, #tpu.memory_space<hbm>>) dst(%arg9 : memref<2x400xi32, #tpu.memory_space<vmem>>)
        %dma_start3A_70 = arith.constant 0 : i32
        %dma_start3A_71 = arith.constant 0 : i32
        %dma_start3A_72 = arith.constant 0 : i32
        %dma_start3A_73 = tpu.memref_slice %arg11[%dma_start3A_71, %dma_start3A_72] : memref<400x64xbf16, #tpu.memory_space<vmem>> -> memref<80x64xbf16, #tpu.memory_space<vmem>>
        %dma_start3A_74 = arith.constant 0 : i32
        %dma_start3A_75 = tpu.memref_slice %arg9[%dma_start3A_70, %dma_start3A_74] : memref<2x400xi32, #tpu.memory_space<vmem>> -> memref<1x80xi32, #tpu.memory_space<vmem>>
        %dma_start3A_76 = tpu.memref_squeeze %dma_start3A_75 : memref<1x80xi32, #tpu.memory_space<vmem>> -> memref<80xi32, #tpu.memory_space<vmem>>
        %dma_start3A_77 = arith.constant 0 : i32
        %dma_start3A_78 = arith.constant 0 : i32
        %dma_start3A_79 = tpu.memref_slice %arg2[%dma_start3A_77, %dma_start3A_78] : memref<10000x64xbf16, #tpu.memory_space<hbm>> -> memref<10000x64xbf16, #tpu.memory_space<hbm>>
        tpu.enqueue_indirect_dma source(%dma_start3A_79 : memref<10000x64xbf16, #tpu.memory_space<hbm>>) target(%dma_start3A_73 : memref<80x64xbf16, #tpu.memory_space<vmem>>) offsets(%dma_start3A_76 : memref<80xi32, #tpu.memory_space<vmem>>) semaphore(%arg22 : memref<!tpu.dma_semaphore, #tpu.memory_space<semaphore_mem>>)
        %dma_start3A_80 = arith.constant 1 : i32
        %dma_start3A_81 = arith.constant 0 : i32
        %dma_start3A_82 = arith.constant 0 : i32
        %dma_start3A_83 = tpu.memref_slice %arg13[%dma_start3A_81, %dma_start3A_82] : memref<400x64xbf16, #tpu.memory_space<vmem>> -> memref<80x64xbf16, #tpu.memory_space<vmem>>
        %dma_start3A_84 = arith.constant 0 : i32
        %dma_start3A_85 = tpu.memref_slice %arg9[%dma_start3A_80, %dma_start3A_84] : memref<2x400xi32, #tpu.memory_space<vmem>> -> memref<1x80xi32, #tpu.memory_space<vmem>>
        %dma_start3A_86 = tpu.memref_squeeze %dma_start3A_85 : memref<1x80xi32, #tpu.memory_space<vmem>> -> memref<80xi32, #tpu.memory_space<vmem>>
        %dma_start3A_87 = arith.constant 0 : i32
        %dma_start3A_88 = arith.constant 0 : i32
        %dma_start3A_89 = tpu.memref_slice %arg3[%dma_start3A_87, %dma_start3A_88] : memref<10000x64xbf16, #tpu.memory_space<hbm>> -> memref<10000x64xbf16, #tpu.memory_space<hbm>>
        tpu.enqueue_indirect_dma source(%dma_start3A_89 : memref<10000x64xbf16, #tpu.memory_space<hbm>>) target(%dma_start3A_83 : memref<80x64xbf16, #tpu.memory_space<vmem>>) offsets(%dma_start3A_86 : memref<80xi32, #tpu.memory_space<vmem>>) semaphore(%arg22 : memref<!tpu.dma_semaphore, #tpu.memory_space<semaphore_mem>>)
        %dma_start3A_90 = arith.constant 0 : i32
        %dma_start3A_91 = arith.constant 80 : i32
        %dma_start3A_92 = arith.constant 0 : i32
        %dma_start3A_93 = tpu.memref_slice %arg11[%dma_start3A_91, %dma_start3A_92] : memref<400x64xbf16, #tpu.memory_space<vmem>> -> memref<80x64xbf16, #tpu.memory_space<vmem>>
        %dma_start3A_94 = arith.constant 80 : i32
        %dma_start3A_95 = tpu.memref_slice %arg9[%dma_start3A_90, %dma_start3A_94] : memref<2x400xi32, #tpu.memory_space<vmem>> -> memref<1x80xi32, #tpu.memory_space<vmem>>
        %dma_start3A_96 = tpu.memref_squeeze %dma_start3A_95 : memref<1x80xi32, #tpu.memory_space<vmem>> -> memref<80xi32, #tpu.memory_space<vmem>>
        %dma_start3A_97 = arith.constant 0 : i32
        %dma_start3A_98 = arith.constant 0 : i32
        %dma_start3A_99 = tpu.memref_slice %arg2[%dma_start3A_97, %dma_start3A_98] : memref<10000x64xbf16, #tpu.memory_space<hbm>> -> memref<10000x64xbf16, #tpu.memory_space<hbm>>
        tpu.enqueue_indirect_dma source(%dma_start3A_99 : memref<10000x64xbf16, #tpu.memory_space<hbm>>) target(%dma_start3A_93 : memref<80x64xbf16, #tpu.memory_space<vmem>>) offsets(%dma_start3A_96 : memref<80xi32, #tpu.memory_space<vmem>>) semaphore(%arg22 : memref<!tpu.dma_semaphore, #tpu.memory_space<semaphore_mem>>)
        %dma_start3A_100 = arith.constant 1 : i32
        %dma_start3A_101 = arith.constant 80 : i32
        %dma_start3A_102 = arith.constant 0 : i32
        %dma_start3A_103 = tpu.memref_slice %arg13[%dma_start3A_101, %dma_start3A_102] : memref<400x64xbf16, #tpu.memory_space<vmem>> -> memref<80x64xbf16, #tpu.memory_space<vmem>>
        %dma_start3A_104 = arith.constant 80 : i32
        %dma_start3A_105 = tpu.memref_slice %arg9[%dma_start3A_100, %dma_start3A_104] : memref<2x400xi32, #tpu.memory_space<vmem>> -> memref<1x80xi32, #tpu.memory_space<vmem>>
        %dma_start3A_106 = tpu.memref_squeeze %dma_start3A_105 : memref<1x80xi32, #tpu.memory_space<vmem>> -> memref<80xi32, #tpu.memory_space<vmem>>
        %dma_start3A_107 = arith.constant 0 : i32
        %dma_start3A_108 = arith.constant 0 : i32
        %dma_start3A_109 = tpu.memref_slice %arg3[%dma_start3A_107, %dma_start3A_108] : memref<10000x64xbf16, #tpu.memory_space<hbm>> -> memref<10000x64xbf16, #tpu.memory_space<hbm>>
        tpu.enqueue_indirect_dma source(%dma_start3A_109 : memref<10000x64xbf16, #tpu.memory_space<hbm>>) target(%dma_start3A_103 : memref<80x64xbf16, #tpu.memory_space<vmem>>) offsets(%dma_start3A_106 : memref<80xi32, #tpu.memory_space<vmem>>) semaphore(%arg22 : memref<!tpu.dma_semaphore, #tpu.memory_space<semaphore_mem>>)
        %dma_start3A_110 = arith.constant 0 : i32
        %dma_start3A_111 = arith.constant 160 : i32
        %dma_start3A_112 = arith.constant 0 : i32
        %dma_start3A_113 = tpu.memref_slice %arg11[%dma_start3A_111, %dma_start3A_112] : memref<400x64xbf16, #tpu.memory_space<vmem>> -> memref<80x64xbf16, #tpu.memory_space<vmem>>
        %dma_start3A_114 = arith.constant 160 : i32
        %dma_start3A_115 = tpu.memref_slice %arg9[%dma_start3A_110, %dma_start3A_114] : memref<2x400xi32, #tpu.memory_space<vmem>> -> memref<1x80xi32, #tpu.memory_space<vmem>>
        %dma_start3A_116 = tpu.memref_squeeze %dma_start3A_115 : memref<1x80xi32, #tpu.memory_space<vmem>> -> memref<80xi32, #tpu.memory_space<vmem>>
        %dma_start3A_117 = arith.constant 0 : i32
        %dma_start3A_118 = arith.constant 0 : i32
        %dma_start3A_119 = tpu.memref_slice %arg2[%dma_start3A_117, %dma_start3A_118] : memref<10000x64xbf16, #tpu.memory_space<hbm>> -> memref<10000x64xbf16, #tpu.memory_space<hbm>>
        tpu.enqueue_indirect_dma source(%dma_start3A_119 : memref<10000x64xbf16, #tpu.memory_space<hbm>>) target(%dma_start3A_113 : memref<80x64xbf16, #tpu.memory_space<vmem>>) offsets(%dma_start3A_116 : memref<80xi32, #tpu.memory_space<vmem>>) semaphore(%arg22 : memref<!tpu.dma_semaphore, #tpu.memory_space<semaphore_mem>>)
        %dma_start3A_120 = arith.constant 1 : i32
        %dma_start3A_121 = arith.constant 160 : i32
        %dma_start3A_122 = arith.constant 0 : i32
        %dma_start3A_123 = tpu.memref_slice %arg13[%dma_start3A_121, %dma_start3A_122] : memref<400x64xbf16, #tpu.memory_space<vmem>> -> memref<80x64xbf16, #tpu.memory_space<vmem>>
        %dma_start3A_124 = arith.constant 160 : i32
        %dma_start3A_125 = tpu.memref_slice %arg9[%dma_start3A_120, %dma_start3A_124] : memref<2x400xi32, #tpu.memory_space<vmem>> -> memref<1x80xi32, #tpu.memory_space<vmem>>
        %dma_start3A_126 = tpu.memref_squeeze %dma_start3A_125 : memref<1x80xi32, #tpu.memory_space<vmem>> -> memref<80xi32, #tpu.memory_space<vmem>>
        %dma_start3A_127 = arith.constant 0 : i32
        %dma_start3A_128 = arith.constant 0 : i32
        %dma_start3A_129 = tpu.memref_slice %arg3[%dma_start3A_127, %dma_start3A_128] : memref<10000x64xbf16, #tpu.memory_space<hbm>> -> memref<10000x64xbf16, #tpu.memory_space<hbm>>
        tpu.enqueue_indirect_dma source(%dma_start3A_129 : memref<10000x64xbf16, #tpu.memory_space<hbm>>) target(%dma_start3A_123 : memref<80x64xbf16, #tpu.memory_space<vmem>>) offsets(%dma_start3A_126 : memref<80xi32, #tpu.memory_space<vmem>>) semaphore(%arg22 : memref<!tpu.dma_semaphore, #tpu.memory_space<semaphore_mem>>)
        %dma_start3A_130 = arith.constant 0 : i32
        %dma_start3A_131 = arith.constant 240 : i32
        %dma_start3A_132 = arith.constant 0 : i32
        %dma_start3A_133 = tpu.memref_slice %arg11[%dma_start3A_131, %dma_start3A_132] : memref<400x64xbf16, #tpu.memory_space<vmem>> -> memref<80x64xbf16, #tpu.memory_space<vmem>>
        %dma_start3A_134 = arith.constant 240 : i32
        %dma_start3A_135 = tpu.memref_slice %arg9[%dma_start3A_130, %dma_start3A_134] : memref<2x400xi32, #tpu.memory_space<vmem>> -> memref<1x80xi32, #tpu.memory_space<vmem>>
        %dma_start3A_136 = tpu.memref_squeeze %dma_start3A_135 : memref<1x80xi32, #tpu.memory_space<vmem>> -> memref<80xi32, #tpu.memory_space<vmem>>
        %dma_start3A_137 = arith.constant 0 : i32
        %dma_start3A_138 = arith.constant 0 : i32
        %dma_start3A_139 = tpu.memref_slice %arg2[%dma_start3A_137, %dma_start3A_138] : memref<10000x64xbf16, #tpu.memory_space<hbm>> -> memref<10000x64xbf16, #tpu.memory_space<hbm>>
        tpu.enqueue_indirect_dma source(%dma_start3A_139 : memref<10000x64xbf16, #tpu.memory_space<hbm>>) target(%dma_start3A_133 : memref<80x64xbf16, #tpu.memory_space<vmem>>) offsets(%dma_start3A_136 : memref<80xi32, #tpu.memory_space<vmem>>) semaphore(%arg22 : memref<!tpu.dma_semaphore, #tpu.memory_space<semaphore_mem>>)
        %dma_start3A_140 = arith.constant 1 : i32
        %dma_start3A_141 = arith.constant 240 : i32
        %dma_start3A_142 = arith.constant 0 : i32
        %dma_start3A_143 = tpu.memref_slice %arg13[%dma_start3A_141, %dma_start3A_142] : memref<400x64xbf16, #tpu.memory_space<vmem>> -> memref<80x64xbf16, #tpu.memory_space<vmem>>
        %dma_start3A_144 = arith.constant 240 : i32
        %dma_start3A_145 = tpu.memref_slice %arg9[%dma_start3A_140, %dma_start3A_144] : memref<2x400xi32, #tpu.memory_space<vmem>> -> memref<1x80xi32, #tpu.memory_space<vmem>>
        %dma_start3A_146 = tpu.memref_squeeze %dma_start3A_145 : memref<1x80xi32, #tpu.memory_space<vmem>> -> memref<80xi32, #tpu.memory_space<vmem>>
        %dma_start3A_147 = arith.constant 0 : i32
        %dma_start3A_148 = arith.constant 0 : i32
        %dma_start3A_149 = tpu.memref_slice %arg3[%dma_start3A_147, %dma_start3A_148] : memref<10000x64xbf16, #tpu.memory_space<hbm>> -> memref<10000x64xbf16, #tpu.memory_space<hbm>>
        tpu.enqueue_indirect_dma source(%dma_start3A_149 : memref<10000x64xbf16, #tpu.memory_space<hbm>>) target(%dma_start3A_143 : memref<80x64xbf16, #tpu.memory_space<vmem>>) offsets(%dma_start3A_146 : memref<80xi32, #tpu.memory_space<vmem>>) semaphore(%arg22 : memref<!tpu.dma_semaphore, #tpu.memory_space<semaphore_mem>>)
        %dma_start3A_150 = arith.constant 0 : i32
        %dma_start3A_151 = arith.constant 320 : i32
        %dma_start3A_152 = arith.constant 0 : i32
        %dma_start3A_153 = tpu.memref_slice %arg11[%dma_start3A_151, %dma_start3A_152] : memref<400x64xbf16, #tpu.memory_space<vmem>> -> memref<80x64xbf16, #tpu.memory_space<vmem>>
        %dma_start3A_154 = arith.constant 320 : i32
        %dma_start3A_155 = tpu.memref_slice %arg9[%dma_start3A_150, %dma_start3A_154] : memref<2x400xi32, #tpu.memory_space<vmem>> -> memref<1x80xi32, #tpu.memory_space<vmem>>
        %dma_start3A_156 = tpu.memref_squeeze %dma_start3A_155 : memref<1x80xi32, #tpu.memory_space<vmem>> -> memref<80xi32, #tpu.memory_space<vmem>>
        %dma_start3A_157 = arith.constant 0 : i32
        %dma_start3A_158 = arith.constant 0 : i32
        %dma_start3A_159 = tpu.memref_slice %arg2[%dma_start3A_157, %dma_start3A_158] : memref<10000x64xbf16, #tpu.memory_space<hbm>> -> memref<10000x64xbf16, #tpu.memory_space<hbm>>
        tpu.enqueue_indirect_dma source(%dma_start3A_159 : memref<10000x64xbf16, #tpu.memory_space<hbm>>) target(%dma_start3A_153 : memref<80x64xbf16, #tpu.memory_space<vmem>>) offsets(%dma_start3A_156 : memref<80xi32, #tpu.memory_space<vmem>>) semaphore(%arg22 : memref<!tpu.dma_semaphore, #tpu.memory_space<semaphore_mem>>)
        %dma_start3A_160 = arith.constant 1 : i32
        %dma_start3A_161 = arith.constant 320 : i32
        %dma_start3A_162 = arith.constant 0 : i32
        %dma_start3A_163 = tpu.memref_slice %arg13[%dma_start3A_161, %dma_start3A_162] : memref<400x64xbf16, #tpu.memory_space<vmem>> -> memref<80x64xbf16, #tpu.memory_space<vmem>>
        %dma_start3A_164 = arith.constant 320 : i32
        %dma_start3A_165 = tpu.memref_slice %arg9[%dma_start3A_160, %dma_start3A_164] : memref<2x400xi32, #tpu.memory_space<vmem>> -> memref<1x80xi32, #tpu.memory_space<vmem>>
        %dma_start3A_166 = tpu.memref_squeeze %dma_start3A_165 : memref<1x80xi32, #tpu.memory_space<vmem>> -> memref<80xi32, #tpu.memory_space<vmem>>
        %dma_start3A_167 = arith.constant 0 : i32
        %dma_start3A_168 = arith.constant 0 : i32
        %dma_start3A_169 = tpu.memref_slice %arg3[%dma_start3A_167, %dma_start3A_168] : memref<10000x64xbf16, #tpu.memory_space<hbm>> -> memref<10000x64xbf16, #tpu.memory_space<hbm>>
        tpu.enqueue_indirect_dma source(%dma_start3A_169 : memref<10000x64xbf16, #tpu.memory_space<hbm>>) target(%dma_start3A_163 : memref<80x64xbf16, #tpu.memory_space<vmem>>) offsets(%dma_start3A_166 : memref<80xi32, #tpu.memory_space<vmem>>) semaphore(%arg22 : memref<!tpu.dma_semaphore, #tpu.memory_space<semaphore_mem>>)
        %mul3A_170 = arith.constant 400 : i32
        %mul3A_171 = arith.muli %add3A_50, %mul3A_170 : i32
        %add3A_172 = arith.addi %mul3A_4, %mul3A_171 : i32
        %dma_start3A_173 = tpu.memref_slice %arg5[%add3A_172] : memref<320000xf32, #tpu.memory_space<hbm>> -> memref<400xf32, #tpu.memory_space<hbm>>
        %dma_start3A_174 = tpu.memref_slice %arg5[%add3A_172] : memref<320000xf32, #tpu.memory_space<hbm>> -> memref<400xf32, #tpu.memory_space<hbm>>
        tpu.enqueue_dma source(%dma_start3A_174 : memref<400xf32, #tpu.memory_space<hbm>>) target(%arg15 : memref<400xf32, #tpu.memory_space<vmem>>) target_semaphore(%arg22 : memref<!tpu.dma_semaphore, #tpu.memory_space<semaphore_mem>>)
      } else {
      }
      %gt3A_56 = arith.constant 0 : i32
      %gt3A_57 = arith.cmpi sgt, %add3A_50, %gt3A_56 : i32
      %convert_element_type3A_58 = arith.extui %gt3A_57 : i1 to i32
      %cond3A_59 = arith.constant 0 : i32
      %cond3A_60 = arith.cmpi ne, %convert_element_type3A_58, %cond3A_59 : i32
      scf.if %cond3A_60 {
        %sub3A = arith.constant 1 : i32
        %sub3A_61 = arith.subi %add3A_50, %sub3A : i32
        %dma_wait3A_62 = arith.constant 0 : i32
        %dma_wait3A_63 = arith.constant 0 : i32
        %dma_wait3A_64 = arith.constant 0 : i32
        %dma_wait3A_65 = tpu.memref_slice %arg10[%dma_wait3A_63, %dma_wait3A_64] : memref<400x64xbf16, #tpu.memory_space<vmem>> -> memref<80x64xbf16, #tpu.memory_space<vmem>>
        %dma_wait3A_66 = arith.constant 0 : i32
        %dma_wait3A_67 = tpu.memref_slice %arg8[%dma_wait3A_62, %dma_wait3A_66] : memref<2x400xi32, #tpu.memory_space<vmem>> -> memref<1x80xi32, #tpu.memory_space<vmem>>
        %dma_wait3A_68 = tpu.memref_squeeze %dma_wait3A_67 : memref<1x80xi32, #tpu.memory_space<vmem>> -> memref<80xi32, #tpu.memory_space<vmem>>
        %dma_wait3A_69 = arith.constant 0 : i32
        %dma_wait3A_70 = arith.constant 0 : i32
        %dma_wait3A_71 = tpu.memref_slice %arg2[%dma_wait3A_69, %dma_wait3A_70] : memref<10000x64xbf16, #tpu.memory_space<hbm>> -> memref<10000x64xbf16, #tpu.memory_space<hbm>>
        tpu.wait_indirect_dma semaphore(%arg21 : memref<!tpu.dma_semaphore, #tpu.memory_space<semaphore_mem>>) src(%dma_wait3A_71 : memref<10000x64xbf16, #tpu.memory_space<hbm>>) dst(%dma_wait3A_65 : memref<80x64xbf16, #tpu.memory_space<vmem>>)
        %dma_wait3A_72 = arith.constant 1 : i32
        %dma_wait3A_73 = arith.constant 0 : i32
        %dma_wait3A_74 = arith.constant 0 : i32
        %dma_wait3A_75 = tpu.memref_slice %arg12[%dma_wait3A_73, %dma_wait3A_74] : memref<400x64xbf16, #tpu.memory_space<vmem>> -> memref<80x64xbf16, #tpu.memory_space<vmem>>
        %dma_wait3A_76 = arith.constant 0 : i32
        %dma_wait3A_77 = tpu.memref_slice %arg8[%dma_wait3A_72, %dma_wait3A_76] : memref<2x400xi32, #tpu.memory_space<vmem>> -> memref<1x80xi32, #tpu.memory_space<vmem>>
        %dma_wait3A_78 = tpu.memref_squeeze %dma_wait3A_77 : memref<1x80xi32, #tpu.memory_space<vmem>> -> memref<80xi32, #tpu.memory_space<vmem>>
        %dma_wait3A_79 = arith.constant 0 : i32
        %dma_wait3A_80 = arith.constant 0 : i32
        %dma_wait3A_81 = tpu.memref_slice %arg3[%dma_wait3A_79, %dma_wait3A_80] : memref<10000x64xbf16, #tpu.memory_space<hbm>> -> memref<10000x64xbf16, #tpu.memory_space<hbm>>
        tpu.wait_indirect_dma semaphore(%arg21 : memref<!tpu.dma_semaphore, #tpu.memory_space<semaphore_mem>>) src(%dma_wait3A_81 : memref<10000x64xbf16, #tpu.memory_space<hbm>>) dst(%dma_wait3A_75 : memref<80x64xbf16, #tpu.memory_space<vmem>>)
        %dma_wait3A_82 = arith.constant 0 : i32
        %dma_wait3A_83 = arith.constant 80 : i32
        %dma_wait3A_84 = arith.constant 0 : i32
        %dma_wait3A_85 = tpu.memref_slice %arg10[%dma_wait3A_83, %dma_wait3A_84] : memref<400x64xbf16, #tpu.memory_space<vmem>> -> memref<80x64xbf16, #tpu.memory_space<vmem>>
        %dma_wait3A_86 = arith.constant 80 : i32
        %dma_wait3A_87 = tpu.memref_slice %arg8[%dma_wait3A_82, %dma_wait3A_86] : memref<2x400xi32, #tpu.memory_space<vmem>> -> memref<1x80xi32, #tpu.memory_space<vmem>>
        %dma_wait3A_88 = tpu.memref_squeeze %dma_wait3A_87 : memref<1x80xi32, #tpu.memory_space<vmem>> -> memref<80xi32, #tpu.memory_space<vmem>>
        %dma_wait3A_89 = arith.constant 0 : i32
        %dma_wait3A_90 = arith.constant 0 : i32
        %dma_wait3A_91 = tpu.memref_slice %arg2[%dma_wait3A_89, %dma_wait3A_90] : memref<10000x64xbf16, #tpu.memory_space<hbm>> -> memref<10000x64xbf16, #tpu.memory_space<hbm>>
        tpu.wait_indirect_dma semaphore(%arg21 : memref<!tpu.dma_semaphore, #tpu.memory_space<semaphore_mem>>) src(%dma_wait3A_91 : memref<10000x64xbf16, #tpu.memory_space<hbm>>) dst(%dma_wait3A_85 : memref<80x64xbf16, #tpu.memory_space<vmem>>)
        %dma_wait3A_92 = arith.constant 1 : i32
        %dma_wait3A_93 = arith.constant 80 : i32
        %dma_wait3A_94 = arith.constant 0 : i32
        %dma_wait3A_95 = tpu.memref_slice %arg12[%dma_wait3A_93, %dma_wait3A_94] : memref<400x64xbf16, #tpu.memory_space<vmem>> -> memref<80x64xbf16, #tpu.memory_space<vmem>>
        %dma_wait3A_96 = arith.constant 80 : i32
        %dma_wait3A_97 = tpu.memref_slice %arg8[%dma_wait3A_92, %dma_wait3A_96] : memref<2x400xi32, #tpu.memory_space<vmem>> -> memref<1x80xi32, #tpu.memory_space<vmem>>
        %dma_wait3A_98 = tpu.memref_squeeze %dma_wait3A_97 : memref<1x80xi32, #tpu.memory_space<vmem>> -> memref<80xi32, #tpu.memory_space<vmem>>
        %dma_wait3A_99 = arith.constant 0 : i32
        %dma_wait3A_100 = arith.constant 0 : i32
        %dma_wait3A_101 = tpu.memref_slice %arg3[%dma_wait3A_99, %dma_wait3A_100] : memref<10000x64xbf16, #tpu.memory_space<hbm>> -> memref<10000x64xbf16, #tpu.memory_space<hbm>>
        tpu.wait_indirect_dma semaphore(%arg21 : memref<!tpu.dma_semaphore, #tpu.memory_space<semaphore_mem>>) src(%dma_wait3A_101 : memref<10000x64xbf16, #tpu.memory_space<hbm>>) dst(%dma_wait3A_95 : memref<80x64xbf16, #tpu.memory_space<vmem>>)
        %dma_wait3A_102 = arith.constant 0 : i32
        %dma_wait3A_103 = arith.constant 160 : i32
        %dma_wait3A_104 = arith.constant 0 : i32
        %dma_wait3A_105 = tpu.memref_slice %arg10[%dma_wait3A_103, %dma_wait3A_104] : memref<400x64xbf16, #tpu.memory_space<vmem>> -> memref<80x64xbf16, #tpu.memory_space<vmem>>
        %dma_wait3A_106 = arith.constant 160 : i32
        %dma_wait3A_107 = tpu.memref_slice %arg8[%dma_wait3A_102, %dma_wait3A_106] : memref<2x400xi32, #tpu.memory_space<vmem>> -> memref<1x80xi32, #tpu.memory_space<vmem>>
        %dma_wait3A_108 = tpu.memref_squeeze %dma_wait3A_107 : memref<1x80xi32, #tpu.memory_space<vmem>> -> memref<80xi32, #tpu.memory_space<vmem>>
        %dma_wait3A_109 = arith.constant 0 : i32
        %dma_wait3A_110 = arith.constant 0 : i32
        %dma_wait3A_111 = tpu.memref_slice %arg2[%dma_wait3A_109, %dma_wait3A_110] : memref<10000x64xbf16, #tpu.memory_space<hbm>> -> memref<10000x64xbf16, #tpu.memory_space<hbm>>
        tpu.wait_indirect_dma semaphore(%arg21 : memref<!tpu.dma_semaphore, #tpu.memory_space<semaphore_mem>>) src(%dma_wait3A_111 : memref<10000x64xbf16, #tpu.memory_space<hbm>>) dst(%dma_wait3A_105 : memref<80x64xbf16, #tpu.memory_space<vmem>>)
        %dma_wait3A_112 = arith.constant 1 : i32
        %dma_wait3A_113 = arith.constant 160 : i32
        %dma_wait3A_114 = arith.constant 0 : i32
        %dma_wait3A_115 = tpu.memref_slice %arg12[%dma_wait3A_113, %dma_wait3A_114] : memref<400x64xbf16, #tpu.memory_space<vmem>> -> memref<80x64xbf16, #tpu.memory_space<vmem>>
        %dma_wait3A_116 = arith.constant 160 : i32
        %dma_wait3A_117 = tpu.memref_slice %arg8[%dma_wait3A_112, %dma_wait3A_116] : memref<2x400xi32, #tpu.memory_space<vmem>> -> memref<1x80xi32, #tpu.memory_space<vmem>>
        %dma_wait3A_118 = tpu.memref_squeeze %dma_wait3A_117 : memref<1x80xi32, #tpu.memory_space<vmem>> -> memref<80xi32, #tpu.memory_space<vmem>>
        %dma_wait3A_119 = arith.constant 0 : i32
        %dma_wait3A_120 = arith.constant 0 : i32
        %dma_wait3A_121 = tpu.memref_slice %arg3[%dma_wait3A_119, %dma_wait3A_120] : memref<10000x64xbf16, #tpu.memory_space<hbm>> -> memref<10000x64xbf16, #tpu.memory_space<hbm>>
        tpu.wait_indirect_dma semaphore(%arg21 : memref<!tpu.dma_semaphore, #tpu.memory_space<semaphore_mem>>) src(%dma_wait3A_121 : memref<10000x64xbf16, #tpu.memory_space<hbm>>) dst(%dma_wait3A_115 : memref<80x64xbf16, #tpu.memory_space<vmem>>)
        %dma_wait3A_122 = arith.constant 0 : i32
        %dma_wait3A_123 = arith.constant 240 : i32
        %dma_wait3A_124 = arith.constant 0 : i32
        %dma_wait3A_125 = tpu.memref_slice %arg10[%dma_wait3A_123, %dma_wait3A_124] : memref<400x64xbf16, #tpu.memory_space<vmem>> -> memref<80x64xbf16, #tpu.memory_space<vmem>>
        %dma_wait3A_126 = arith.constant 240 : i32
        %dma_wait3A_127 = tpu.memref_slice %arg8[%dma_wait3A_122, %dma_wait3A_126] : memref<2x400xi32, #tpu.memory_space<vmem>> -> memref<1x80xi32, #tpu.memory_space<vmem>>
        %dma_wait3A_128 = tpu.memref_squeeze %dma_wait3A_127 : memref<1x80xi32, #tpu.memory_space<vmem>> -> memref<80xi32, #tpu.memory_space<vmem>>
        %dma_wait3A_129 = arith.constant 0 : i32
        %dma_wait3A_130 = arith.constant 0 : i32
        %dma_wait3A_131 = tpu.memref_slice %arg2[%dma_wait3A_129, %dma_wait3A_130] : memref<10000x64xbf16, #tpu.memory_space<hbm>> -> memref<10000x64xbf16, #tpu.memory_space<hbm>>
        tpu.wait_indirect_dma semaphore(%arg21 : memref<!tpu.dma_semaphore, #tpu.memory_space<semaphore_mem>>) src(%dma_wait3A_131 : memref<10000x64xbf16, #tpu.memory_space<hbm>>) dst(%dma_wait3A_125 : memref<80x64xbf16, #tpu.memory_space<vmem>>)
        %dma_wait3A_132 = arith.constant 1 : i32
        %dma_wait3A_133 = arith.constant 240 : i32
        %dma_wait3A_134 = arith.constant 0 : i32
        %dma_wait3A_135 = tpu.memref_slice %arg12[%dma_wait3A_133, %dma_wait3A_134] : memref<400x64xbf16, #tpu.memory_space<vmem>> -> memref<80x64xbf16, #tpu.memory_space<vmem>>
        %dma_wait3A_136 = arith.constant 240 : i32
        %dma_wait3A_137 = tpu.memref_slice %arg8[%dma_wait3A_132, %dma_wait3A_136] : memref<2x400xi32, #tpu.memory_space<vmem>> -> memref<1x80xi32, #tpu.memory_space<vmem>>
        %dma_wait3A_138 = tpu.memref_squeeze %dma_wait3A_137 : memref<1x80xi32, #tpu.memory_space<vmem>> -> memref<80xi32, #tpu.memory_space<vmem>>
        %dma_wait3A_139 = arith.constant 0 : i32
        %dma_wait3A_140 = arith.constant 0 : i32
        %dma_wait3A_141 = tpu.memref_slice %arg3[%dma_wait3A_139, %dma_wait3A_140] : memref<10000x64xbf16, #tpu.memory_space<hbm>> -> memref<10000x64xbf16, #tpu.memory_space<hbm>>
        tpu.wait_indirect_dma semaphore(%arg21 : memref<!tpu.dma_semaphore, #tpu.memory_space<semaphore_mem>>) src(%dma_wait3A_141 : memref<10000x64xbf16, #tpu.memory_space<hbm>>) dst(%dma_wait3A_135 : memref<80x64xbf16, #tpu.memory_space<vmem>>)
        %dma_wait3A_142 = arith.constant 0 : i32
        %dma_wait3A_143 = arith.constant 320 : i32
        %dma_wait3A_144 = arith.constant 0 : i32
        %dma_wait3A_145 = tpu.memref_slice %arg10[%dma_wait3A_143, %dma_wait3A_144] : memref<400x64xbf16, #tpu.memory_space<vmem>> -> memref<80x64xbf16, #tpu.memory_space<vmem>>
        %dma_wait3A_146 = arith.constant 320 : i32
        %dma_wait3A_147 = tpu.memref_slice %arg8[%dma_wait3A_142, %dma_wait3A_146] : memref<2x400xi32, #tpu.memory_space<vmem>> -> memref<1x80xi32, #tpu.memory_space<vmem>>
        %dma_wait3A_148 = tpu.memref_squeeze %dma_wait3A_147 : memref<1x80xi32, #tpu.memory_space<vmem>> -> memref<80xi32, #tpu.memory_space<vmem>>
        %dma_wait3A_149 = arith.constant 0 : i32
        %dma_wait3A_150 = arith.constant 0 : i32
        %dma_wait3A_151 = tpu.memref_slice %arg2[%dma_wait3A_149, %dma_wait3A_150] : memref<10000x64xbf16, #tpu.memory_space<hbm>> -> memref<10000x64xbf16, #tpu.memory_space<hbm>>
        tpu.wait_indirect_dma semaphore(%arg21 : memref<!tpu.dma_semaphore, #tpu.memory_space<semaphore_mem>>) src(%dma_wait3A_151 : memref<10000x64xbf16, #tpu.memory_space<hbm>>) dst(%dma_wait3A_145 : memref<80x64xbf16, #tpu.memory_space<vmem>>)
        %dma_wait3A_152 = arith.constant 1 : i32
        %dma_wait3A_153 = arith.constant 320 : i32
        %dma_wait3A_154 = arith.constant 0 : i32
        %dma_wait3A_155 = tpu.memref_slice %arg12[%dma_wait3A_153, %dma_wait3A_154] : memref<400x64xbf16, #tpu.memory_space<vmem>> -> memref<80x64xbf16, #tpu.memory_space<vmem>>
        %dma_wait3A_156 = arith.constant 320 : i32
        %dma_wait3A_157 = tpu.memref_slice %arg8[%dma_wait3A_152, %dma_wait3A_156] : memref<2x400xi32, #tpu.memory_space<vmem>> -> memref<1x80xi32, #tpu.memory_space<vmem>>
        %dma_wait3A_158 = tpu.memref_squeeze %dma_wait3A_157 : memref<1x80xi32, #tpu.memory_space<vmem>> -> memref<80xi32, #tpu.memory_space<vmem>>
        %dma_wait3A_159 = arith.constant 0 : i32
        %dma_wait3A_160 = arith.constant 0 : i32
        %dma_wait3A_161 = tpu.memref_slice %arg3[%dma_wait3A_159, %dma_wait3A_160] : memref<10000x64xbf16, #tpu.memory_space<hbm>> -> memref<10000x64xbf16, #tpu.memory_space<hbm>>
        tpu.wait_indirect_dma semaphore(%arg21 : memref<!tpu.dma_semaphore, #tpu.memory_space<semaphore_mem>>) src(%dma_wait3A_161 : memref<10000x64xbf16, #tpu.memory_space<hbm>>) dst(%dma_wait3A_155 : memref<80x64xbf16, #tpu.memory_space<vmem>>)
        %mul3A_162 = arith.constant 400 : i32
        %mul3A_163 = arith.muli %sub3A_61, %mul3A_162 : i32
        %add3A_164 = arith.addi %mul3A_4, %mul3A_163 : i32
        %dma_wait3A_165 = tpu.memref_slice %arg5[%add3A_164] : memref<320000xf32, #tpu.memory_space<hbm>> -> memref<400xf32, #tpu.memory_space<hbm>>
        %dma_wait3A_166 = tpu.memref_slice %arg5[%add3A_164] : memref<320000xf32, #tpu.memory_space<hbm>> -> memref<400xf32, #tpu.memory_space<hbm>>
        tpu.wait_dma2 semaphore(%arg21 : memref<!tpu.dma_semaphore, #tpu.memory_space<semaphore_mem>>) src(%dma_wait3A_166 : memref<400xf32, #tpu.memory_space<hbm>>) dst(%arg14 : memref<400xf32, #tpu.memory_space<vmem>>)
        %add3A_167 = arith.constant 1 : i32
        %add3A_168 = arith.addi %add3A_50, %add3A_167 : i32
        %lt3A_169 = arith.constant 25 : i32
        %lt3A_170 = arith.cmpi slt, %add3A_168, %lt3A_169 : i32
        %convert_element_type3A_171 = arith.extui %lt3A_170 : i1 to i32
        %cond3A_172 = arith.constant 0 : i32
        %cond3A_173 = arith.cmpi ne, %convert_element_type3A_171, %cond3A_172 : i32
        scf.if %cond3A_173 {
          %add3A_189 = arith.addi %mul3A_2, %add3A_50 : i32
          %add3A_190 = arith.constant 1 : i32
          %add3A_191 = arith.addi %add3A_189, %add3A_190 : i32
          %dma_start3A_192 = arith.constant 0 : i32
          %dma_start3A_193 = arith.constant 0 : i32
          %dma_start3A_194 = tpu.memref_slice %arg4[%add3A_191, %dma_start3A_192, %dma_start3A_193] : memref<800x2x400xi32, #tpu.memory_space<hbm>> -> memref<1x2x400xi32, #tpu.memory_space<hbm>>
          %dma_start3A_195 = tpu.memref_squeeze %dma_start3A_194 : memref<1x2x400xi32, #tpu.memory_space<hbm>> -> memref<2x400xi32, #tpu.memory_space<hbm>>
          %dma_start3A_196 = arith.constant 0 : i32
          %dma_start3A_197 = arith.constant 0 : i32
          %dma_start3A_198 = tpu.memref_slice %arg4[%add3A_191, %dma_start3A_196, %dma_start3A_197] : memref<800x2x400xi32, #tpu.memory_space<hbm>> -> memref<1x2x400xi32, #tpu.memory_space<hbm>>
          %dma_start3A_199 = tpu.memref_squeeze %dma_start3A_198 : memref<1x2x400xi32, #tpu.memory_space<hbm>> -> memref<2x400xi32, #tpu.memory_space<hbm>>
          tpu.enqueue_dma source(%dma_start3A_199 : memref<2x400xi32, #tpu.memory_space<hbm>>) target(%arg8 : memref<2x400xi32, #tpu.memory_space<vmem>>) target_semaphore(%arg19 : memref<!tpu.dma_semaphore, #tpu.memory_space<semaphore_mem>>)
        } else {
        }
        %gt3A_174 = arith.constant 2 : i32
        %gt3A_175 = arith.cmpi sgt, %add3A_50, %gt3A_174 : i32
        %convert_element_type3A_176 = arith.extui %gt3A_175 : i1 to i32
        %cond3A_177 = arith.constant 0 : i32
        %cond3A_178 = arith.cmpi ne, %convert_element_type3A_176, %cond3A_177 : i32
        scf.if %cond3A_178 {
          %dma_wait3A_189 = arith.constant 0 : i32
          %dma_wait3A_190 = tpu.memref_slice %arg5[%dma_wait3A_189] : memref<320000xf32, #tpu.memory_space<hbm>> -> memref<400xf32, #tpu.memory_space<hbm>>
          %dma_wait3A_191 = arith.constant 0 : i32
          %dma_wait3A_192 = tpu.memref_slice %arg5[%dma_wait3A_191] : memref<320000xf32, #tpu.memory_space<hbm>> -> memref<400xf32, #tpu.memory_space<hbm>>
          tpu.wait_dma2 semaphore(%arg23 : memref<!tpu.dma_semaphore, #tpu.memory_space<semaphore_mem>>) src(%dma_wait3A_192 : memref<400xf32, #tpu.memory_space<hbm>>) dst(%arg16 : memref<400xf32, #tpu.memory_space<vmem>>)
        } else {
        }
        %scan3A_179 = arith.constant 0 : i32
        %scan3A_180 = arith.constant 25 : i32
        %scan3A_181 = arith.addi %scan3A_179, %scan3A_180 : i32
        %scan3A_182 = arith.constant 1 : i32
        scf.for %scan3A_189 = %scan3A_179 to %scan3A_181 step %scan3A_182  : i32 {
          %mul3A_190 = arith.constant 1 : i32
          %mul3A_191 = arith.muli %scan3A_189, %mul3A_190 : i32
          %add3A_192 = arith.constant 0 : i32
          %add3A_193 = arith.addi %add3A_192, %mul3A_191 : i32
          %mul3A_194 = arith.constant 16 : i32
          %mul3A_195 = arith.muli %add3A_193, %mul3A_194 : i32
          %add3A_196 = arith.constant 0 : i32
          %add3A_197 = arith.addi %mul3A_195, %add3A_196 : i32
          %get3A_198 = arith.index_cast %add3A_197 : i32 to index
          %get3A_199 = arith.constant 0 : index
          %get3A_200 = tpu.vector_load %arg10[%get3A_198, %get3A_199] {strides = array<i32>} : memref<400x64xbf16, #tpu.memory_space<vmem>>, vector<32xbf16>,
          %get3A_201 = arith.index_cast %add3A_197 : i32 to index
          %get3A_202 = arith.constant 0 : index
          %get3A_203 = tpu.vector_load %arg12[%get3A_201, %get3A_202] {strides = array<i32>} : memref<400x64xbf16, #tpu.memory_space<vmem>>, vector<32xbf16>,
          %add3A_204 = arith.addf %get3A_200, %get3A_203 : vector<32xbf16>
          %max3A = arith.constant 0.000000e+00 : bf16
          %max3A_205 = vector.broadcast %max3A : bf16 to vector<32xbf16>
          %max3A_206 = arith.maximumf %add3A_204, %max3A_205 : vector<32xbf16>
          %mul3A_207 = arith.mulf %max3A_206, %get3A_5 : vector<32xbf16>
          %unpack3A = tpu.unpack_subelements %mul3A_207, 0 {pack_format = #tpu.pack_format<interleaved>} : vector<32xbf16> -> vector<16xf32>
          %unpack3A_208 = tpu.unpack_subelements %mul3A_207, 1 {pack_format = #tpu.pack_format<interleaved>} : vector<32xbf16> -> vector<16xf32>
          %add3A_209 = arith.addf %unpack3A, %unpack3A_208 : vector<16xf32>
          %get3A_210 = arith.index_cast %add3A_197 : i32 to index
          %get3A_211 = arith.constant 32 : index
          %get3A_212 = tpu.vector_load %arg10[%get3A_210, %get3A_211] {strides = array<i32>} : memref<400x64xbf16, #tpu.memory_space<vmem>>, vector<32xbf16>,
          %get3A_213 = arith.index_cast %add3A_197 : i32 to index
          %get3A_214 = arith.constant 32 : index
          %get3A_215 = tpu.vector_load %arg12[%get3A_213, %get3A_214] {strides = array<i32>} : memref<400x64xbf16, #tpu.memory_space<vmem>>, vector<32xbf16>,
          %add3A_216 = arith.addf %get3A_212, %get3A_215 : vector<32xbf16>
          %max3A_217 = arith.constant 0.000000e+00 : bf16
          %max3A_218 = vector.broadcast %max3A_217 : bf16 to vector<32xbf16>
          %max3A_219 = arith.maximumf %add3A_216, %max3A_218 : vector<32xbf16>
          %mul3A_220 = arith.mulf %max3A_219, %get3A_7 : vector<32xbf16>
          %unpack3A_221 = tpu.unpack_subelements %mul3A_220, 0 {pack_format = #tpu.pack_format<interleaved>} : vector<32xbf16> -> vector<16xf32>
          %unpack3A_222 = tpu.unpack_subelements %mul3A_220, 1 {pack_format = #tpu.pack_format<interleaved>} : vector<32xbf16> -> vector<16xf32>
          %add3A_223 = arith.addf %unpack3A_221, %unpack3A_222 : vector<16xf32>
          %add3A_224 = arith.addf %add3A_209, %add3A_223 : vector<16xf32>
          %eq3A = arith.constant 0 : i32
          %eq3A_225 = vector.broadcast %eq3A : i32 to vector<16xi32>
          %eq3A_226 = arith.cmpi eq, %iota3A, %eq3A_225 : vector<16xi32>
          %reduce_sum3A = arith.constant true
          %reduce_sum3A_227 = vector.broadcast %reduce_sum3A : i1 to vector<16xi1>
          %reduce_sum3A_228 = tpu.scan <sum>, %add3A_224 masked %reduce_sum3A_227 : vector<16xf32>, vector<16xi1> -> vector<16xf32>
          %reduce_sum3A_229 = vector.extract %reduce_sum3A_228[15] : f32 from vector<16xf32>
          %jit3A = arith.constant 0.000000e+00 : f32
          %broadcast_in_dim3A = vector.broadcast %reduce_sum3A_229 : f32 to vector<16xf32>
          %broadcast_in_dim3A_230 = vector.broadcast %jit3A : f32 to vector<16xf32>
          %select_n3A = arith.select %eq3A_226, %broadcast_in_dim3A, %broadcast_in_dim3A_230 : vector<16xi1>, vector<16xf32>
          %add3A_231 = arith.constant 1 : i32
          %add3A_232 = arith.addi %mul3A_195, %add3A_231 : i32
          %get3A_233 = arith.index_cast %add3A_232 : i32 to index
          %get3A_234 = arith.constant 0 : index
          %get3A_235 = tpu.vector_load %arg10[%get3A_233, %get3A_234] {strides = array<i32>} : memref<400x64xbf16, #tpu.memory_space<vmem>>, vector<32xbf16>,
          %get3A_236 = arith.index_cast %add3A_232 : i32 to index
          %get3A_237 = arith.constant 0 : index
          %get3A_238 = tpu.vector_load %arg12[%get3A_236, %get3A_237] {strides = array<i32>} : memref<400x64xbf16, #tpu.memory_space<vmem>>, vector<32xbf16>,
          %add3A_239 = arith.addf %get3A_235, %get3A_238 : vector<32xbf16>
          %max3A_240 = arith.constant 0.000000e+00 : bf16
          %max3A_241 = vector.broadcast %max3A_240 : bf16 to vector<32xbf16>
          %max3A_242 = arith.maximumf %add3A_239, %max3A_241 : vector<32xbf16>
          %mul3A_243 = arith.mulf %max3A_242, %get3A_5 : vector<32xbf16>
          %unpack3A_244 = tpu.unpack_subelements %mul3A_243, 0 {pack_format = #tpu.pack_format<interleaved>} : vector<32xbf16> -> vector<16xf32>
          %unpack3A_245 = tpu.unpack_subelements %mul3A_243, 1 {pack_format = #tpu.pack_format<interleaved>} : vector<32xbf16> -> vector<16xf32>
          %add3A_246 = arith.addf %unpack3A_244, %unpack3A_245 : vector<16xf32>
          %get3A_247 = arith.index_cast %add3A_232 : i32 to index
          %get3A_248 = arith.constant 32 : index
          %get3A_249 = tpu.vector_load %arg10[%get3A_247, %get3A_248] {strides = array<i32>} : memref<400x64xbf16, #tpu.memory_space<vmem>>, vector<32xbf16>,
          %get3A_250 = arith.index_cast %add3A_232 : i32 to index
          %get3A_251 = arith.constant 32 : index
          %get3A_252 = tpu.vector_load %arg12[%get3A_250, %get3A_251] {strides = array<i32>} : memref<400x64xbf16, #tpu.memory_space<vmem>>, vector<32xbf16>,
          %add3A_253 = arith.addf %get3A_249, %get3A_252 : vector<32xbf16>
          %max3A_254 = arith.constant 0.000000e+00 : bf16
          %max3A_255 = vector.broadcast %max3A_254 : bf16 to vector<32xbf16>
          %max3A_256 = arith.maximumf %add3A_253, %max3A_255 : vector<32xbf16>
          %mul3A_257 = arith.mulf %max3A_256, %get3A_7 : vector<32xbf16>
          %unpack3A_258 = tpu.unpack_subelements %mul3A_257, 0 {pack_format = #tpu.pack_format<interleaved>} : vector<32xbf16> -> vector<16xf32>
          %unpack3A_259 = tpu.unpack_subelements %mul3A_257, 1 {pack_format = #tpu.pack_format<interleaved>} : vector<32xbf16> -> vector<16xf32>
          %add3A_260 = arith.addf %unpack3A_258, %unpack3A_259 : vector<16xf32>
          %add3A_261 = arith.addf %add3A_246, %add3A_260 : vector<16xf32>
          %eq3A_262 = arith.constant 1 : i32
          %eq3A_263 = vector.broadcast %eq3A_262 : i32 to vector<16xi32>
          %eq3A_264 = arith.cmpi eq, %iota3A, %eq3A_263 : vector<16xi32>
          %reduce_sum3A_265 = arith.constant true
          %reduce_sum3A_266 = vector.broadcast %reduce_sum3A_265 : i1 to vector<16xi1>
          %reduce_sum3A_267 = tpu.scan <sum>, %add3A_261 masked %reduce_sum3A_266 : vector<16xf32>, vector<16xi1> -> vector<16xf32>
          %reduce_sum3A_268 = vector.extract %reduce_sum3A_267[15] : f32 from vector<16xf32>
          %jit3A_269 = arith.constant 0.000000e+00 : f32
          %broadcast_in_dim3A_270 = vector.broadcast %reduce_sum3A_268 : f32 to vector<16xf32>
          %broadcast_in_dim3A_271 = vector.broadcast %jit3A_269 : f32 to vector<16xf32>
          %select_n3A_272 = arith.select %eq3A_264, %broadcast_in_dim3A_270, %broadcast_in_dim3A_271 : vector<16xi1>, vector<16xf32>
          %add3A_273 = arith.constant 2 : i32
          %add3A_274 = arith.addi %mul3A_195, %add3A_273 : i32
          %get3A_275 = arith.index_cast %add3A_274 : i32 to index
          %get3A_276 = arith.constant 0 : index
          %get3A_277 = tpu.vector_load %arg10[%get3A_275, %get3A_276] {strides = array<i32>} : memref<400x64xbf16, #tpu.memory_space<vmem>>, vector<32xbf16>,
          %get3A_278 = arith.index_cast %add3A_274 : i32 to index
          %get3A_279 = arith.constant 0 : index
          %get3A_280 = tpu.vector_load %arg12[%get3A_278, %get3A_279] {strides = array<i32>} : memref<400x64xbf16, #tpu.memory_space<vmem>>, vector<32xbf16>,
          %add3A_281 = arith.addf %get3A_277, %get3A_280 : vector<32xbf16>
          %max3A_282 = arith.constant 0.000000e+00 : bf16
          %max3A_283 = vector.broadcast %max3A_282 : bf16 to vector<32xbf16>
          %max3A_284 = arith.maximumf %add3A_281, %max3A_283 : vector<32xbf16>
          %mul3A_285 = arith.mulf %max3A_284, %get3A_5 : vector<32xbf16>
          %unpack3A_286 = tpu.unpack_subelements %mul3A_285, 0 {pack_format = #tpu.pack_format<interleaved>} : vector<32xbf16> -> vector<16xf32>
          %unpack3A_287 = tpu.unpack_subelements %mul3A_285, 1 {pack_format = #tpu.pack_format<interleaved>} : vector<32xbf16> -> vector<16xf32>
          %add3A_288 = arith.addf %unpack3A_286, %unpack3A_287 : vector<16xf32>
          %get3A_289 = arith.index_cast %add3A_274 : i32 to index
          %get3A_290 = arith.constant 32 : index
          %get3A_291 = tpu.vector_load %arg10[%get3A_289, %get3A_290] {strides = array<i32>} : memref<400x64xbf16, #tpu.memory_space<vmem>>, vector<32xbf16>,
          %get3A_292 = arith.index_cast %add3A_274 : i32 to index
          %get3A_293 = arith.constant 32 : index
          %get3A_294 = tpu.vector_load %arg12[%get3A_292, %get3A_293] {strides = array<i32>} : memref<400x64xbf16, #tpu.memory_space<vmem>>, vector<32xbf16>,
          %add3A_295 = arith.addf %get3A_291, %get3A_294 : vector<32xbf16>
          %max3A_296 = arith.constant 0.000000e+00 : bf16
          %max3A_297 = vector.broadcast %max3A_296 : bf16 to vector<32xbf16>
          %max3A_298 = arith.maximumf %add3A_295, %max3A_297 : vector<32xbf16>
          %mul3A_299 = arith.mulf %max3A_298, %get3A_7 : vector<32xbf16>
          %unpack3A_300 = tpu.unpack_subelements %mul3A_299, 0 {pack_format = #tpu.pack_format<interleaved>} : vector<32xbf16> -> vector<16xf32>
          %unpack3A_301 = tpu.unpack_subelements %mul3A_299, 1 {pack_format = #tpu.pack_format<interleaved>} : vector<32xbf16> -> vector<16xf32>
          %add3A_302 = arith.addf %unpack3A_300, %unpack3A_301 : vector<16xf32>
          %add3A_303 = arith.addf %add3A_288, %add3A_302 : vector<16xf32>
          %eq3A_304 = arith.constant 2 : i32
          %eq3A_305 = vector.broadcast %eq3A_304 : i32 to vector<16xi32>
          %eq3A_306 = arith.cmpi eq, %iota3A, %eq3A_305 : vector<16xi32>
          %reduce_sum3A_307 = arith.constant true
          %reduce_sum3A_308 = vector.broadcast %reduce_sum3A_307 : i1 to vector<16xi1>
          %reduce_sum3A_309 = tpu.scan <sum>, %add3A_303 masked %reduce_sum3A_308 : vector<16xf32>, vector<16xi1> -> vector<16xf32>
          %reduce_sum3A_310 = vector.extract %reduce_sum3A_309[15] : f32 from vector<16xf32>
          %jit3A_311 = arith.constant 0.000000e+00 : f32
          %broadcast_in_dim3A_312 = vector.broadcast %reduce_sum3A_310 : f32 to vector<16xf32>
          %broadcast_in_dim3A_313 = vector.broadcast %jit3A_311 : f32 to vector<16xf32>
          %select_n3A_314 = arith.select %eq3A_306, %broadcast_in_dim3A_312, %broadcast_in_dim3A_313 : vector<16xi1>, vector<16xf32>
          %add3A_315 = arith.constant 3 : i32
          %add3A_316 = arith.addi %mul3A_195, %add3A_315 : i32
          %get3A_317 = arith.index_cast %add3A_316 : i32 to index
          %get3A_318 = arith.constant 0 : index
          %get3A_319 = tpu.vector_load %arg10[%get3A_317, %get3A_318] {strides = array<i32>} : memref<400x64xbf16, #tpu.memory_space<vmem>>, vector<32xbf16>,
          %get3A_320 = arith.index_cast %add3A_316 : i32 to index
          %get3A_321 = arith.constant 0 : index
          %get3A_322 = tpu.vector_load %arg12[%get3A_320, %get3A_321] {strides = array<i32>} : memref<400x64xbf16, #tpu.memory_space<vmem>>, vector<32xbf16>,
          %add3A_323 = arith.addf %get3A_319, %get3A_322 : vector<32xbf16>
          %max3A_324 = arith.constant 0.000000e+00 : bf16
          %max3A_325 = vector.broadcast %max3A_324 : bf16 to vector<32xbf16>
          %max3A_326 = arith.maximumf %add3A_323, %max3A_325 : vector<32xbf16>
          %mul3A_327 = arith.mulf %max3A_326, %get3A_5 : vector<32xbf16>
          %unpack3A_328 = tpu.unpack_subelements %mul3A_327, 0 {pack_format = #tpu.pack_format<interleaved>} : vector<32xbf16> -> vector<16xf32>
          %unpack3A_329 = tpu.unpack_subelements %mul3A_327, 1 {pack_format = #tpu.pack_format<interleaved>} : vector<32xbf16> -> vector<16xf32>
          %add3A_330 = arith.addf %unpack3A_328, %unpack3A_329 : vector<16xf32>
          %get3A_331 = arith.index_cast %add3A_316 : i32 to index
          %get3A_332 = arith.constant 32 : index
          %get3A_333 = tpu.vector_load %arg10[%get3A_331, %get3A_332] {strides = array<i32>} : memref<400x64xbf16, #tpu.memory_space<vmem>>, vector<32xbf16>,
          %get3A_334 = arith.index_cast %add3A_316 : i32 to index
          %get3A_335 = arith.constant 32 : index
          %get3A_336 = tpu.vector_load %arg12[%get3A_334, %get3A_335] {strides = array<i32>} : memref<400x64xbf16, #tpu.memory_space<vmem>>, vector<32xbf16>,
          %add3A_337 = arith.addf %get3A_333, %get3A_336 : vector<32xbf16>
          %max3A_338 = arith.constant 0.000000e+00 : bf16
          %max3A_339 = vector.broadcast %max3A_338 : bf16 to vector<32xbf16>
          %max3A_340 = arith.maximumf %add3A_337, %max3A_339 : vector<32xbf16>
          %mul3A_341 = arith.mulf %max3A_340, %get3A_7 : vector<32xbf16>
          %unpack3A_342 = tpu.unpack_subelements %mul3A_341, 0 {pack_format = #tpu.pack_format<interleaved>} : vector<32xbf16> -> vector<16xf32>
          %unpack3A_343 = tpu.unpack_subelements %mul3A_341, 1 {pack_format = #tpu.pack_format<interleaved>} : vector<32xbf16> -> vector<16xf32>
          %add3A_344 = arith.addf %unpack3A_342, %unpack3A_343 : vector<16xf32>
          %add3A_345 = arith.addf %add3A_330, %add3A_344 : vector<16xf32>
          %eq3A_346 = arith.constant 3 : i32
          %eq3A_347 = vector.broadcast %eq3A_346 : i32 to vector<16xi32>
          %eq3A_348 = arith.cmpi eq, %iota3A, %eq3A_347 : vector<16xi32>
          %reduce_sum3A_349 = arith.constant true
          %reduce_sum3A_350 = vector.broadcast %reduce_sum3A_349 : i1 to vector<16xi1>
          %reduce_sum3A_351 = tpu.scan <sum>, %add3A_345 masked %reduce_sum3A_350 : vector<16xf32>, vector<16xi1> -> vector<16xf32>
          %reduce_sum3A_352 = vector.extract %reduce_sum3A_351[15] : f32 from vector<16xf32>
          %jit3A_353 = arith.constant 0.000000e+00 : f32
          %broadcast_in_dim3A_354 = vector.broadcast %reduce_sum3A_352 : f32 to vector<16xf32>
          %broadcast_in_dim3A_355 = vector.broadcast %jit3A_353 : f32 to vector<16xf32>
          %select_n3A_356 = arith.select %eq3A_348, %broadcast_in_dim3A_354, %broadcast_in_dim3A_355 : vector<16xi1>, vector<16xf32>
          %add3A_357 = arith.constant 4 : i32
          %add3A_358 = arith.addi %mul3A_195, %add3A_357 : i32
          %get3A_359 = arith.index_cast %add3A_358 : i32 to index
          %get3A_360 = arith.constant 0 : index
          %get3A_361 = tpu.vector_load %arg10[%get3A_359, %get3A_360] {strides = array<i32>} : memref<400x64xbf16, #tpu.memory_space<vmem>>, vector<32xbf16>,
          %get3A_362 = arith.index_cast %add3A_358 : i32 to index
          %get3A_363 = arith.constant 0 : index
          %get3A_364 = tpu.vector_load %arg12[%get3A_362, %get3A_363] {strides = array<i32>} : memref<400x64xbf16, #tpu.memory_space<vmem>>, vector<32xbf16>,
          %add3A_365 = arith.addf %get3A_361, %get3A_364 : vector<32xbf16>
          %max3A_366 = arith.constant 0.000000e+00 : bf16
          %max3A_367 = vector.broadcast %max3A_366 : bf16 to vector<32xbf16>
          %max3A_368 = arith.maximumf %add3A_365, %max3A_367 : vector<32xbf16>
          %mul3A_369 = arith.mulf %max3A_368, %get3A_5 : vector<32xbf16>
          %unpack3A_370 = tpu.unpack_subelements %mul3A_369, 0 {pack_format = #tpu.pack_format<interleaved>} : vector<32xbf16> -> vector<16xf32>
          %unpack3A_371 = tpu.unpack_subelements %mul3A_369, 1 {pack_format = #tpu.pack_format<interleaved>} : vector<32xbf16> -> vector<16xf32>
          %add3A_372 = arith.addf %unpack3A_370, %unpack3A_371 : vector<16xf32>
          %get3A_373 = arith.index_cast %add3A_358 : i32 to index
          %get3A_374 = arith.constant 32 : index
          %get3A_375 = tpu.vector_load %arg10[%get3A_373, %get3A_374] {strides = array<i32>} : memref<400x64xbf16, #tpu.memory_space<vmem>>, vector<32xbf16>,
          %get3A_376 = arith.index_cast %add3A_358 : i32 to index
          %get3A_377 = arith.constant 32 : index
          %get3A_378 = tpu.vector_load %arg12[%get3A_376, %get3A_377] {strides = array<i32>} : memref<400x64xbf16, #tpu.memory_space<vmem>>, vector<32xbf16>,
          %add3A_379 = arith.addf %get3A_375, %get3A_378 : vector<32xbf16>
          %max3A_380 = arith.constant 0.000000e+00 : bf16
          %max3A_381 = vector.broadcast %max3A_380 : bf16 to vector<32xbf16>
          %max3A_382 = arith.maximumf %add3A_379, %max3A_381 : vector<32xbf16>
          %mul3A_383 = arith.mulf %max3A_382, %get3A_7 : vector<32xbf16>
          %unpack3A_384 = tpu.unpack_subelements %mul3A_383, 0 {pack_format = #tpu.pack_format<interleaved>} : vector<32xbf16> -> vector<16xf32>
          %unpack3A_385 = tpu.unpack_subelements %mul3A_383, 1 {pack_format = #tpu.pack_format<interleaved>} : vector<32xbf16> -> vector<16xf32>
          %add3A_386 = arith.addf %unpack3A_384, %unpack3A_385 : vector<16xf32>
          %add3A_387 = arith.addf %add3A_372, %add3A_386 : vector<16xf32>
          %eq3A_388 = arith.constant 4 : i32
          %eq3A_389 = vector.broadcast %eq3A_388 : i32 to vector<16xi32>
          %eq3A_390 = arith.cmpi eq, %iota3A, %eq3A_389 : vector<16xi32>
          %reduce_sum3A_391 = arith.constant true
          %reduce_sum3A_392 = vector.broadcast %reduce_sum3A_391 : i1 to vector<16xi1>
          %reduce_sum3A_393 = tpu.scan <sum>, %add3A_387 masked %reduce_sum3A_392 : vector<16xf32>, vector<16xi1> -> vector<16xf32>
          %reduce_sum3A_394 = vector.extract %reduce_sum3A_393[15] : f32 from vector<16xf32>
          %jit3A_395 = arith.constant 0.000000e+00 : f32
          %broadcast_in_dim3A_396 = vector.broadcast %reduce_sum3A_394 : f32 to vector<16xf32>
          %broadcast_in_dim3A_397 = vector.broadcast %jit3A_395 : f32 to vector<16xf32>
          %select_n3A_398 = arith.select %eq3A_390, %broadcast_in_dim3A_396, %broadcast_in_dim3A_397 : vector<16xi1>, vector<16xf32>
          %add3A_399 = arith.constant 5 : i32
          %add3A_400 = arith.addi %mul3A_195, %add3A_399 : i32
          %get3A_401 = arith.index_cast %add3A_400 : i32 to index
          %get3A_402 = arith.constant 0 : index
          %get3A_403 = tpu.vector_load %arg10[%get3A_401, %get3A_402] {strides = array<i32>} : memref<400x64xbf16, #tpu.memory_space<vmem>>, vector<32xbf16>,
          %get3A_404 = arith.index_cast %add3A_400 : i32 to index
          %get3A_405 = arith.constant 0 : index
          %get3A_406 = tpu.vector_load %arg12[%get3A_404, %get3A_405] {strides = array<i32>} : memref<400x64xbf16, #tpu.memory_space<vmem>>, vector<32xbf16>,
          %add3A_407 = arith.addf %get3A_403, %get3A_406 : vector<32xbf16>
          %max3A_408 = arith.constant 0.000000e+00 : bf16
          %max3A_409 = vector.broadcast %max3A_408 : bf16 to vector<32xbf16>
          %max3A_410 = arith.maximumf %add3A_407, %max3A_409 : vector<32xbf16>
          %mul3A_411 = arith.mulf %max3A_410, %get3A_5 : vector<32xbf16>
          %unpack3A_412 = tpu.unpack_subelements %mul3A_411, 0 {pack_format = #tpu.pack_format<interleaved>} : vector<32xbf16> -> vector<16xf32>
          %unpack3A_413 = tpu.unpack_subelements %mul3A_411, 1 {pack_format = #tpu.pack_format<interleaved>} : vector<32xbf16> -> vector<16xf32>
          %add3A_414 = arith.addf %unpack3A_412, %unpack3A_413 : vector<16xf32>
          %get3A_415 = arith.index_cast %add3A_400 : i32 to index
          %get3A_416 = arith.constant 32 : index
          %get3A_417 = tpu.vector_load %arg10[%get3A_415, %get3A_416] {strides = array<i32>} : memref<400x64xbf16, #tpu.memory_space<vmem>>, vector<32xbf16>,
          %get3A_418 = arith.index_cast %add3A_400 : i32 to index
          %get3A_419 = arith.constant 32 : index
          %get3A_420 = tpu.vector_load %arg12[%get3A_418, %get3A_419] {strides = array<i32>} : memref<400x64xbf16, #tpu.memory_space<vmem>>, vector<32xbf16>,
          %add3A_421 = arith.addf %get3A_417, %get3A_420 : vector<32xbf16>
          %max3A_422 = arith.constant 0.000000e+00 : bf16
          %max3A_423 = vector.broadcast %max3A_422 : bf16 to vector<32xbf16>
          %max3A_424 = arith.maximumf %add3A_421, %max3A_423 : vector<32xbf16>
          %mul3A_425 = arith.mulf %max3A_424, %get3A_7 : vector<32xbf16>
          %unpack3A_426 = tpu.unpack_subelements %mul3A_425, 0 {pack_format = #tpu.pack_format<interleaved>} : vector<32xbf16> -> vector<16xf32>
          %unpack3A_427 = tpu.unpack_subelements %mul3A_425, 1 {pack_format = #tpu.pack_format<interleaved>} : vector<32xbf16> -> vector<16xf32>
          %add3A_428 = arith.addf %unpack3A_426, %unpack3A_427 : vector<16xf32>
          %add3A_429 = arith.addf %add3A_414, %add3A_428 : vector<16xf32>
          %eq3A_430 = arith.constant 5 : i32
          %eq3A_431 = vector.broadcast %eq3A_430 : i32 to vector<16xi32>
          %eq3A_432 = arith.cmpi eq, %iota3A, %eq3A_431 : vector<16xi32>
          %reduce_sum3A_433 = arith.constant true
          %reduce_sum3A_434 = vector.broadcast %reduce_sum3A_433 : i1 to vector<16xi1>
          %reduce_sum3A_435 = tpu.scan <sum>, %add3A_429 masked %reduce_sum3A_434 : vector<16xf32>, vector<16xi1> -> vector<16xf32>
          %reduce_sum3A_436 = vector.extract %reduce_sum3A_435[15] : f32 from vector<16xf32>
          %jit3A_437 = arith.constant 0.000000e+00 : f32
          %broadcast_in_dim3A_438 = vector.broadcast %reduce_sum3A_436 : f32 to vector<16xf32>
          %broadcast_in_dim3A_439 = vector.broadcast %jit3A_437 : f32 to vector<16xf32>
          %select_n3A_440 = arith.select %eq3A_432, %broadcast_in_dim3A_438, %broadcast_in_dim3A_439 : vector<16xi1>, vector<16xf32>
          %add3A_441 = arith.constant 6 : i32
          %add3A_442 = arith.addi %mul3A_195, %add3A_441 : i32
          %get3A_443 = arith.index_cast %add3A_442 : i32 to index
          %get3A_444 = arith.constant 0 : index
          %get3A_445 = tpu.vector_load %arg10[%get3A_443, %get3A_444] {strides = array<i32>} : memref<400x64xbf16, #tpu.memory_space<vmem>>, vector<32xbf16>,
          %get3A_446 = arith.index_cast %add3A_442 : i32 to index
          %get3A_447 = arith.constant 0 : index
          %get3A_448 = tpu.vector_load %arg12[%get3A_446, %get3A_447] {strides = array<i32>} : memref<400x64xbf16, #tpu.memory_space<vmem>>, vector<32xbf16>,
          %add3A_449 = arith.addf %get3A_445, %get3A_448 : vector<32xbf16>
          %max3A_450 = arith.constant 0.000000e+00 : bf16
          %max3A_451 = vector.broadcast %max3A_450 : bf16 to vector<32xbf16>
          %max3A_452 = arith.maximumf %add3A_449, %max3A_451 : vector<32xbf16>
          %mul3A_453 = arith.mulf %max3A_452, %get3A_5 : vector<32xbf16>
          %unpack3A_454 = tpu.unpack_subelements %mul3A_453, 0 {pack_format = #tpu.pack_format<interleaved>} : vector<32xbf16> -> vector<16xf32>
          %unpack3A_455 = tpu.unpack_subelements %mul3A_453, 1 {pack_format = #tpu.pack_format<interleaved>} : vector<32xbf16> -> vector<16xf32>
          %add3A_456 = arith.addf %unpack3A_454, %unpack3A_455 : vector<16xf32>
          %get3A_457 = arith.index_cast %add3A_442 : i32 to index
          %get3A_458 = arith.constant 32 : index
          %get3A_459 = tpu.vector_load %arg10[%get3A_457, %get3A_458] {strides = array<i32>} : memref<400x64xbf16, #tpu.memory_space<vmem>>, vector<32xbf16>,
          %get3A_460 = arith.index_cast %add3A_442 : i32 to index
          %get3A_461 = arith.constant 32 : index
          %get3A_462 = tpu.vector_load %arg12[%get3A_460, %get3A_461] {strides = array<i32>} : memref<400x64xbf16, #tpu.memory_space<vmem>>, vector<32xbf16>,
          %add3A_463 = arith.addf %get3A_459, %get3A_462 : vector<32xbf16>
          %max3A_464 = arith.constant 0.000000e+00 : bf16
          %max3A_465 = vector.broadcast %max3A_464 : bf16 to vector<32xbf16>
          %max3A_466 = arith.maximumf %add3A_463, %max3A_465 : vector<32xbf16>
          %mul3A_467 = arith.mulf %max3A_466, %get3A_7 : vector<32xbf16>
          %unpack3A_468 = tpu.unpack_subelements %mul3A_467, 0 {pack_format = #tpu.pack_format<interleaved>} : vector<32xbf16> -> vector<16xf32>
          %unpack3A_469 = tpu.unpack_subelements %mul3A_467, 1 {pack_format = #tpu.pack_format<interleaved>} : vector<32xbf16> -> vector<16xf32>
          %add3A_470 = arith.addf %unpack3A_468, %unpack3A_469 : vector<16xf32>
          %add3A_471 = arith.addf %add3A_456, %add3A_470 : vector<16xf32>
          %eq3A_472 = arith.constant 6 : i32
          %eq3A_473 = vector.broadcast %eq3A_472 : i32 to vector<16xi32>
          %eq3A_474 = arith.cmpi eq, %iota3A, %eq3A_473 : vector<16xi32>
          %reduce_sum3A_475 = arith.constant true
          %reduce_sum3A_476 = vector.broadcast %reduce_sum3A_475 : i1 to vector<16xi1>
          %reduce_sum3A_477 = tpu.scan <sum>, %add3A_471 masked %reduce_sum3A_476 : vector<16xf32>, vector<16xi1> -> vector<16xf32>
          %reduce_sum3A_478 = vector.extract %reduce_sum3A_477[15] : f32 from vector<16xf32>
          %jit3A_479 = arith.constant 0.000000e+00 : f32
          %broadcast_in_dim3A_480 = vector.broadcast %reduce_sum3A_478 : f32 to vector<16xf32>
          %broadcast_in_dim3A_481 = vector.broadcast %jit3A_479 : f32 to vector<16xf32>
          %select_n3A_482 = arith.select %eq3A_474, %broadcast_in_dim3A_480, %broadcast_in_dim3A_481 : vector<16xi1>, vector<16xf32>
          %add3A_483 = arith.constant 7 : i32
          %add3A_484 = arith.addi %mul3A_195, %add3A_483 : i32
          %get3A_485 = arith.index_cast %add3A_484 : i32 to index
          %get3A_486 = arith.constant 0 : index
          %get3A_487 = tpu.vector_load %arg10[%get3A_485, %get3A_486] {strides = array<i32>} : memref<400x64xbf16, #tpu.memory_space<vmem>>, vector<32xbf16>,
          %get3A_488 = arith.index_cast %add3A_484 : i32 to index
          %get3A_489 = arith.constant 0 : index
          %get3A_490 = tpu.vector_load %arg12[%get3A_488, %get3A_489] {strides = array<i32>} : memref<400x64xbf16, #tpu.memory_space<vmem>>, vector<32xbf16>,
          %add3A_491 = arith.addf %get3A_487, %get3A_490 : vector<32xbf16>
          %max3A_492 = arith.constant 0.000000e+00 : bf16
          %max3A_493 = vector.broadcast %max3A_492 : bf16 to vector<32xbf16>
          %max3A_494 = arith.maximumf %add3A_491, %max3A_493 : vector<32xbf16>
          %mul3A_495 = arith.mulf %max3A_494, %get3A_5 : vector<32xbf16>
          %unpack3A_496 = tpu.unpack_subelements %mul3A_495, 0 {pack_format = #tpu.pack_format<interleaved>} : vector<32xbf16> -> vector<16xf32>
          %unpack3A_497 = tpu.unpack_subelements %mul3A_495, 1 {pack_format = #tpu.pack_format<interleaved>} : vector<32xbf16> -> vector<16xf32>
          %add3A_498 = arith.addf %unpack3A_496, %unpack3A_497 : vector<16xf32>
          %get3A_499 = arith.index_cast %add3A_484 : i32 to index
          %get3A_500 = arith.constant 32 : index
          %get3A_501 = tpu.vector_load %arg10[%get3A_499, %get3A_500] {strides = array<i32>} : memref<400x64xbf16, #tpu.memory_space<vmem>>, vector<32xbf16>,
          %get3A_502 = arith.index_cast %add3A_484 : i32 to index
          %get3A_503 = arith.constant 32 : index
          %get3A_504 = tpu.vector_load %arg12[%get3A_502, %get3A_503] {strides = array<i32>} : memref<400x64xbf16, #tpu.memory_space<vmem>>, vector<32xbf16>,
          %add3A_505 = arith.addf %get3A_501, %get3A_504 : vector<32xbf16>
          %max3A_506 = arith.constant 0.000000e+00 : bf16
          %max3A_507 = vector.broadcast %max3A_506 : bf16 to vector<32xbf16>
          %max3A_508 = arith.maximumf %add3A_505, %max3A_507 : vector<32xbf16>
          %mul3A_509 = arith.mulf %max3A_508, %get3A_7 : vector<32xbf16>
          %unpack3A_510 = tpu.unpack_subelements %mul3A_509, 0 {pack_format = #tpu.pack_format<interleaved>} : vector<32xbf16> -> vector<16xf32>
          %unpack3A_511 = tpu.unpack_subelements %mul3A_509, 1 {pack_format = #tpu.pack_format<interleaved>} : vector<32xbf16> -> vector<16xf32>
          %add3A_512 = arith.addf %unpack3A_510, %unpack3A_511 : vector<16xf32>
          %add3A_513 = arith.addf %add3A_498, %add3A_512 : vector<16xf32>
          %eq3A_514 = arith.constant 7 : i32
          %eq3A_515 = vector.broadcast %eq3A_514 : i32 to vector<16xi32>
          %eq3A_516 = arith.cmpi eq, %iota3A, %eq3A_515 : vector<16xi32>
          %reduce_sum3A_517 = arith.constant true
          %reduce_sum3A_518 = vector.broadcast %reduce_sum3A_517 : i1 to vector<16xi1>
          %reduce_sum3A_519 = tpu.scan <sum>, %add3A_513 masked %reduce_sum3A_518 : vector<16xf32>, vector<16xi1> -> vector<16xf32>
          %reduce_sum3A_520 = vector.extract %reduce_sum3A_519[15] : f32 from vector<16xf32>
          %jit3A_521 = arith.constant 0.000000e+00 : f32
          %broadcast_in_dim3A_522 = vector.broadcast %reduce_sum3A_520 : f32 to vector<16xf32>
          %broadcast_in_dim3A_523 = vector.broadcast %jit3A_521 : f32 to vector<16xf32>
          %select_n3A_524 = arith.select %eq3A_516, %broadcast_in_dim3A_522, %broadcast_in_dim3A_523 : vector<16xi1>, vector<16xf32>
          %add3A_525 = arith.constant 8 : i32
          %add3A_526 = arith.addi %mul3A_195, %add3A_525 : i32
          %get3A_527 = arith.index_cast %add3A_526 : i32 to index
          %get3A_528 = arith.constant 0 : index
          %get3A_529 = tpu.vector_load %arg10[%get3A_527, %get3A_528] {strides = array<i32>} : memref<400x64xbf16, #tpu.memory_space<vmem>>, vector<32xbf16>,
          %get3A_530 = arith.index_cast %add3A_526 : i32 to index
          %get3A_531 = arith.constant 0 : index
          %get3A_532 = tpu.vector_load %arg12[%get3A_530, %get3A_531] {strides = array<i32>} : memref<400x64xbf16, #tpu.memory_space<vmem>>, vector<32xbf16>,
          %add3A_533 = arith.addf %get3A_529, %get3A_532 : vector<32xbf16>
          %max3A_534 = arith.constant 0.000000e+00 : bf16
          %max3A_535 = vector.broadcast %max3A_534 : bf16 to vector<32xbf16>
          %max3A_536 = arith.maximumf %add3A_533, %max3A_535 : vector<32xbf16>
          %mul3A_537 = arith.mulf %max3A_536, %get3A_5 : vector<32xbf16>
          %unpack3A_538 = tpu.unpack_subelements %mul3A_537, 0 {pack_format = #tpu.pack_format<interleaved>} : vector<32xbf16> -> vector<16xf32>
          %unpack3A_539 = tpu.unpack_subelements %mul3A_537, 1 {pack_format = #tpu.pack_format<interleaved>} : vector<32xbf16> -> vector<16xf32>
          %add3A_540 = arith.addf %unpack3A_538, %unpack3A_539 : vector<16xf32>
          %get3A_541 = arith.index_cast %add3A_526 : i32 to index
          %get3A_542 = arith.constant 32 : index
          %get3A_543 = tpu.vector_load %arg10[%get3A_541, %get3A_542] {strides = array<i32>} : memref<400x64xbf16, #tpu.memory_space<vmem>>, vector<32xbf16>,
          %get3A_544 = arith.index_cast %add3A_526 : i32 to index
          %get3A_545 = arith.constant 32 : index
          %get3A_546 = tpu.vector_load %arg12[%get3A_544, %get3A_545] {strides = array<i32>} : memref<400x64xbf16, #tpu.memory_space<vmem>>, vector<32xbf16>,
          %add3A_547 = arith.addf %get3A_543, %get3A_546 : vector<32xbf16>
          %max3A_548 = arith.constant 0.000000e+00 : bf16
          %max3A_549 = vector.broadcast %max3A_548 : bf16 to vector<32xbf16>
          %max3A_550 = arith.maximumf %add3A_547, %max3A_549 : vector<32xbf16>
          %mul3A_551 = arith.mulf %max3A_550, %get3A_7 : vector<32xbf16>
          %unpack3A_552 = tpu.unpack_subelements %mul3A_551, 0 {pack_format = #tpu.pack_format<interleaved>} : vector<32xbf16> -> vector<16xf32>
          %unpack3A_553 = tpu.unpack_subelements %mul3A_551, 1 {pack_format = #tpu.pack_format<interleaved>} : vector<32xbf16> -> vector<16xf32>
          %add3A_554 = arith.addf %unpack3A_552, %unpack3A_553 : vector<16xf32>
          %add3A_555 = arith.addf %add3A_540, %add3A_554 : vector<16xf32>
          %eq3A_556 = arith.constant 8 : i32
          %eq3A_557 = vector.broadcast %eq3A_556 : i32 to vector<16xi32>
          %eq3A_558 = arith.cmpi eq, %iota3A, %eq3A_557 : vector<16xi32>
          %reduce_sum3A_559 = arith.constant true
          %reduce_sum3A_560 = vector.broadcast %reduce_sum3A_559 : i1 to vector<16xi1>
          %reduce_sum3A_561 = tpu.scan <sum>, %add3A_555 masked %reduce_sum3A_560 : vector<16xf32>, vector<16xi1> -> vector<16xf32>
          %reduce_sum3A_562 = vector.extract %reduce_sum3A_561[15] : f32 from vector<16xf32>
          %jit3A_563 = arith.constant 0.000000e+00 : f32
          %broadcast_in_dim3A_564 = vector.broadcast %reduce_sum3A_562 : f32 to vector<16xf32>
          %broadcast_in_dim3A_565 = vector.broadcast %jit3A_563 : f32 to vector<16xf32>
          %select_n3A_566 = arith.select %eq3A_558, %broadcast_in_dim3A_564, %broadcast_in_dim3A_565 : vector<16xi1>, vector<16xf32>
          %add3A_567 = arith.constant 9 : i32
          %add3A_568 = arith.addi %mul3A_195, %add3A_567 : i32
          %get3A_569 = arith.index_cast %add3A_568 : i32 to index
          %get3A_570 = arith.constant 0 : index
          %get3A_571 = tpu.vector_load %arg10[%get3A_569, %get3A_570] {strides = array<i32>} : memref<400x64xbf16, #tpu.memory_space<vmem>>, vector<32xbf16>,
          %get3A_572 = arith.index_cast %add3A_568 : i32 to index
          %get3A_573 = arith.constant 0 : index
          %get3A_574 = tpu.vector_load %arg12[%get3A_572, %get3A_573] {strides = array<i32>} : memref<400x64xbf16, #tpu.memory_space<vmem>>, vector<32xbf16>,
          %add3A_575 = arith.addf %get3A_571, %get3A_574 : vector<32xbf16>
          %max3A_576 = arith.constant 0.000000e+00 : bf16
          %max3A_577 = vector.broadcast %max3A_576 : bf16 to vector<32xbf16>
          %max3A_578 = arith.maximumf %add3A_575, %max3A_577 : vector<32xbf16>
          %mul3A_579 = arith.mulf %max3A_578, %get3A_5 : vector<32xbf16>
          %unpack3A_580 = tpu.unpack_subelements %mul3A_579, 0 {pack_format = #tpu.pack_format<interleaved>} : vector<32xbf16> -> vector<16xf32>
          %unpack3A_581 = tpu.unpack_subelements %mul3A_579, 1 {pack_format = #tpu.pack_format<interleaved>} : vector<32xbf16> -> vector<16xf32>
          %add3A_582 = arith.addf %unpack3A_580, %unpack3A_581 : vector<16xf32>
          %get3A_583 = arith.index_cast %add3A_568 : i32 to index
          %get3A_584 = arith.constant 32 : index
          %get3A_585 = tpu.vector_load %arg10[%get3A_583, %get3A_584] {strides = array<i32>} : memref<400x64xbf16, #tpu.memory_space<vmem>>, vector<32xbf16>,
          %get3A_586 = arith.index_cast %add3A_568 : i32 to index
          %get3A_587 = arith.constant 32 : index
          %get3A_588 = tpu.vector_load %arg12[%get3A_586, %get3A_587] {strides = array<i32>} : memref<400x64xbf16, #tpu.memory_space<vmem>>, vector<32xbf16>,
          %add3A_589 = arith.addf %get3A_585, %get3A_588 : vector<32xbf16>
          %max3A_590 = arith.constant 0.000000e+00 : bf16
          %max3A_591 = vector.broadcast %max3A_590 : bf16 to vector<32xbf16>
          %max3A_592 = arith.maximumf %add3A_589, %max3A_591 : vector<32xbf16>
          %mul3A_593 = arith.mulf %max3A_592, %get3A_7 : vector<32xbf16>
          %unpack3A_594 = tpu.unpack_subelements %mul3A_593, 0 {pack_format = #tpu.pack_format<interleaved>} : vector<32xbf16> -> vector<16xf32>
          %unpack3A_595 = tpu.unpack_subelements %mul3A_593, 1 {pack_format = #tpu.pack_format<interleaved>} : vector<32xbf16> -> vector<16xf32>
          %add3A_596 = arith.addf %unpack3A_594, %unpack3A_595 : vector<16xf32>
          %add3A_597 = arith.addf %add3A_582, %add3A_596 : vector<16xf32>
          %eq3A_598 = arith.constant 9 : i32
          %eq3A_599 = vector.broadcast %eq3A_598 : i32 to vector<16xi32>
          %eq3A_600 = arith.cmpi eq, %iota3A, %eq3A_599 : vector<16xi32>
          %reduce_sum3A_601 = arith.constant true
          %reduce_sum3A_602 = vector.broadcast %reduce_sum3A_601 : i1 to vector<16xi1>
          %reduce_sum3A_603 = tpu.scan <sum>, %add3A_597 masked %reduce_sum3A_602 : vector<16xf32>, vector<16xi1> -> vector<16xf32>
          %reduce_sum3A_604 = vector.extract %reduce_sum3A_603[15] : f32 from vector<16xf32>
          %jit3A_605 = arith.constant 0.000000e+00 : f32
          %broadcast_in_dim3A_606 = vector.broadcast %reduce_sum3A_604 : f32 to vector<16xf32>
          %broadcast_in_dim3A_607 = vector.broadcast %jit3A_605 : f32 to vector<16xf32>
          %select_n3A_608 = arith.select %eq3A_600, %broadcast_in_dim3A_606, %broadcast_in_dim3A_607 : vector<16xi1>, vector<16xf32>
          %add3A_609 = arith.constant 10 : i32
          %add3A_610 = arith.addi %mul3A_195, %add3A_609 : i32
          %get3A_611 = arith.index_cast %add3A_610 : i32 to index
          %get3A_612 = arith.constant 0 : index
          %get3A_613 = tpu.vector_load %arg10[%get3A_611, %get3A_612] {strides = array<i32>} : memref<400x64xbf16, #tpu.memory_space<vmem>>, vector<32xbf16>,
          %get3A_614 = arith.index_cast %add3A_610 : i32 to index
          %get3A_615 = arith.constant 0 : index
          %get3A_616 = tpu.vector_load %arg12[%get3A_614, %get3A_615] {strides = array<i32>} : memref<400x64xbf16, #tpu.memory_space<vmem>>, vector<32xbf16>,
          %add3A_617 = arith.addf %get3A_613, %get3A_616 : vector<32xbf16>
          %max3A_618 = arith.constant 0.000000e+00 : bf16
          %max3A_619 = vector.broadcast %max3A_618 : bf16 to vector<32xbf16>
          %max3A_620 = arith.maximumf %add3A_617, %max3A_619 : vector<32xbf16>
          %mul3A_621 = arith.mulf %max3A_620, %get3A_5 : vector<32xbf16>
          %unpack3A_622 = tpu.unpack_subelements %mul3A_621, 0 {pack_format = #tpu.pack_format<interleaved>} : vector<32xbf16> -> vector<16xf32>
          %unpack3A_623 = tpu.unpack_subelements %mul3A_621, 1 {pack_format = #tpu.pack_format<interleaved>} : vector<32xbf16> -> vector<16xf32>
          %add3A_624 = arith.addf %unpack3A_622, %unpack3A_623 : vector<16xf32>
          %get3A_625 = arith.index_cast %add3A_610 : i32 to index
          %get3A_626 = arith.constant 32 : index
          %get3A_627 = tpu.vector_load %arg10[%get3A_625, %get3A_626] {strides = array<i32>} : memref<400x64xbf16, #tpu.memory_space<vmem>>, vector<32xbf16>,
          %get3A_628 = arith.index_cast %add3A_610 : i32 to index
          %get3A_629 = arith.constant 32 : index
          %get3A_630 = tpu.vector_load %arg12[%get3A_628, %get3A_629] {strides = array<i32>} : memref<400x64xbf16, #tpu.memory_space<vmem>>, vector<32xbf16>,
          %add3A_631 = arith.addf %get3A_627, %get3A_630 : vector<32xbf16>
          %max3A_632 = arith.constant 0.000000e+00 : bf16
          %max3A_633 = vector.broadcast %max3A_632 : bf16 to vector<32xbf16>
          %max3A_634 = arith.maximumf %add3A_631, %max3A_633 : vector<32xbf16>
          %mul3A_635 = arith.mulf %max3A_634, %get3A_7 : vector<32xbf16>
          %unpack3A_636 = tpu.unpack_subelements %mul3A_635, 0 {pack_format = #tpu.pack_format<interleaved>} : vector<32xbf16> -> vector<16xf32>
          %unpack3A_637 = tpu.unpack_subelements %mul3A_635, 1 {pack_format = #tpu.pack_format<interleaved>} : vector<32xbf16> -> vector<16xf32>
          %add3A_638 = arith.addf %unpack3A_636, %unpack3A_637 : vector<16xf32>
          %add3A_639 = arith.addf %add3A_624, %add3A_638 : vector<16xf32>
          %eq3A_640 = arith.constant 10 : i32
          %eq3A_641 = vector.broadcast %eq3A_640 : i32 to vector<16xi32>
          %eq3A_642 = arith.cmpi eq, %iota3A, %eq3A_641 : vector<16xi32>
          %reduce_sum3A_643 = arith.constant true
          %reduce_sum3A_644 = vector.broadcast %reduce_sum3A_643 : i1 to vector<16xi1>
          %reduce_sum3A_645 = tpu.scan <sum>, %add3A_639 masked %reduce_sum3A_644 : vector<16xf32>, vector<16xi1> -> vector<16xf32>
          %reduce_sum3A_646 = vector.extract %reduce_sum3A_645[15] : f32 from vector<16xf32>
          %jit3A_647 = arith.constant 0.000000e+00 : f32
          %broadcast_in_dim3A_648 = vector.broadcast %reduce_sum3A_646 : f32 to vector<16xf32>
          %broadcast_in_dim3A_649 = vector.broadcast %jit3A_647 : f32 to vector<16xf32>
          %select_n3A_650 = arith.select %eq3A_642, %broadcast_in_dim3A_648, %broadcast_in_dim3A_649 : vector<16xi1>, vector<16xf32>
          %add3A_651 = arith.constant 11 : i32
          %add3A_652 = arith.addi %mul3A_195, %add3A_651 : i32
          %get3A_653 = arith.index_cast %add3A_652 : i32 to index
          %get3A_654 = arith.constant 0 : index
          %get3A_655 = tpu.vector_load %arg10[%get3A_653, %get3A_654] {strides = array<i32>} : memref<400x64xbf16, #tpu.memory_space<vmem>>, vector<32xbf16>,
          %get3A_656 = arith.index_cast %add3A_652 : i32 to index
          %get3A_657 = arith.constant 0 : index
          %get3A_658 = tpu.vector_load %arg12[%get3A_656, %get3A_657] {strides = array<i32>} : memref<400x64xbf16, #tpu.memory_space<vmem>>, vector<32xbf16>,
          %add3A_659 = arith.addf %get3A_655, %get3A_658 : vector<32xbf16>
          %max3A_660 = arith.constant 0.000000e+00 : bf16
          %max3A_661 = vector.broadcast %max3A_660 : bf16 to vector<32xbf16>
          %max3A_662 = arith.maximumf %add3A_659, %max3A_661 : vector<32xbf16>
          %mul3A_663 = arith.mulf %max3A_662, %get3A_5 : vector<32xbf16>
          %unpack3A_664 = tpu.unpack_subelements %mul3A_663, 0 {pack_format = #tpu.pack_format<interleaved>} : vector<32xbf16> -> vector<16xf32>
          %unpack3A_665 = tpu.unpack_subelements %mul3A_663, 1 {pack_format = #tpu.pack_format<interleaved>} : vector<32xbf16> -> vector<16xf32>
          %add3A_666 = arith.addf %unpack3A_664, %unpack3A_665 : vector<16xf32>
          %get3A_667 = arith.index_cast %add3A_652 : i32 to index
          %get3A_668 = arith.constant 32 : index
          %get3A_669 = tpu.vector_load %arg10[%get3A_667, %get3A_668] {strides = array<i32>} : memref<400x64xbf16, #tpu.memory_space<vmem>>, vector<32xbf16>,
          %get3A_670 = arith.index_cast %add3A_652 : i32 to index
          %get3A_671 = arith.constant 32 : index
          %get3A_672 = tpu.vector_load %arg12[%get3A_670, %get3A_671] {strides = array<i32>} : memref<400x64xbf16, #tpu.memory_space<vmem>>, vector<32xbf16>,
          %add3A_673 = arith.addf %get3A_669, %get3A_672 : vector<32xbf16>
          %max3A_674 = arith.constant 0.000000e+00 : bf16
          %max3A_675 = vector.broadcast %max3A_674 : bf16 to vector<32xbf16>
          %max3A_676 = arith.maximumf %add3A_673, %max3A_675 : vector<32xbf16>
          %mul3A_677 = arith.mulf %max3A_676, %get3A_7 : vector<32xbf16>
          %unpack3A_678 = tpu.unpack_subelements %mul3A_677, 0 {pack_format = #tpu.pack_format<interleaved>} : vector<32xbf16> -> vector<16xf32>
          %unpack3A_679 = tpu.unpack_subelements %mul3A_677, 1 {pack_format = #tpu.pack_format<interleaved>} : vector<32xbf16> -> vector<16xf32>
          %add3A_680 = arith.addf %unpack3A_678, %unpack3A_679 : vector<16xf32>
          %add3A_681 = arith.addf %add3A_666, %add3A_680 : vector<16xf32>
          %eq3A_682 = arith.constant 11 : i32
          %eq3A_683 = vector.broadcast %eq3A_682 : i32 to vector<16xi32>
          %eq3A_684 = arith.cmpi eq, %iota3A, %eq3A_683 : vector<16xi32>
          %reduce_sum3A_685 = arith.constant true
          %reduce_sum3A_686 = vector.broadcast %reduce_sum3A_685 : i1 to vector<16xi1>
          %reduce_sum3A_687 = tpu.scan <sum>, %add3A_681 masked %reduce_sum3A_686 : vector<16xf32>, vector<16xi1> -> vector<16xf32>
          %reduce_sum3A_688 = vector.extract %reduce_sum3A_687[15] : f32 from vector<16xf32>
          %jit3A_689 = arith.constant 0.000000e+00 : f32
          %broadcast_in_dim3A_690 = vector.broadcast %reduce_sum3A_688 : f32 to vector<16xf32>
          %broadcast_in_dim3A_691 = vector.broadcast %jit3A_689 : f32 to vector<16xf32>
          %select_n3A_692 = arith.select %eq3A_684, %broadcast_in_dim3A_690, %broadcast_in_dim3A_691 : vector<16xi1>, vector<16xf32>
          %add3A_693 = arith.constant 12 : i32
          %add3A_694 = arith.addi %mul3A_195, %add3A_693 : i32
          %get3A_695 = arith.index_cast %add3A_694 : i32 to index
          %get3A_696 = arith.constant 0 : index
          %get3A_697 = tpu.vector_load %arg10[%get3A_695, %get3A_696] {strides = array<i32>} : memref<400x64xbf16, #tpu.memory_space<vmem>>, vector<32xbf16>,
          %get3A_698 = arith.index_cast %add3A_694 : i32 to index
          %get3A_699 = arith.constant 0 : index
          %get3A_700 = tpu.vector_load %arg12[%get3A_698, %get3A_699] {strides = array<i32>} : memref<400x64xbf16, #tpu.memory_space<vmem>>, vector<32xbf16>,
          %add3A_701 = arith.addf %get3A_697, %get3A_700 : vector<32xbf16>
          %max3A_702 = arith.constant 0.000000e+00 : bf16
          %max3A_703 = vector.broadcast %max3A_702 : bf16 to vector<32xbf16>
          %max3A_704 = arith.maximumf %add3A_701, %max3A_703 : vector<32xbf16>
          %mul3A_705 = arith.mulf %max3A_704, %get3A_5 : vector<32xbf16>
          %unpack3A_706 = tpu.unpack_subelements %mul3A_705, 0 {pack_format = #tpu.pack_format<interleaved>} : vector<32xbf16> -> vector<16xf32>
          %unpack3A_707 = tpu.unpack_subelements %mul3A_705, 1 {pack_format = #tpu.pack_format<interleaved>} : vector<32xbf16> -> vector<16xf32>
          %add3A_708 = arith.addf %unpack3A_706, %unpack3A_707 : vector<16xf32>
          %get3A_709 = arith.index_cast %add3A_694 : i32 to index
          %get3A_710 = arith.constant 32 : index
          %get3A_711 = tpu.vector_load %arg10[%get3A_709, %get3A_710] {strides = array<i32>} : memref<400x64xbf16, #tpu.memory_space<vmem>>, vector<32xbf16>,
          %get3A_712 = arith.index_cast %add3A_694 : i32 to index
          %get3A_713 = arith.constant 32 : index
          %get3A_714 = tpu.vector_load %arg12[%get3A_712, %get3A_713] {strides = array<i32>} : memref<400x64xbf16, #tpu.memory_space<vmem>>, vector<32xbf16>,
          %add3A_715 = arith.addf %get3A_711, %get3A_714 : vector<32xbf16>
          %max3A_716 = arith.constant 0.000000e+00 : bf16
          %max3A_717 = vector.broadcast %max3A_716 : bf16 to vector<32xbf16>
          %max3A_718 = arith.maximumf %add3A_715, %max3A_717 : vector<32xbf16>
          %mul3A_719 = arith.mulf %max3A_718, %get3A_7 : vector<32xbf16>
          %unpack3A_720 = tpu.unpack_subelements %mul3A_719, 0 {pack_format = #tpu.pack_format<interleaved>} : vector<32xbf16> -> vector<16xf32>
          %unpack3A_721 = tpu.unpack_subelements %mul3A_719, 1 {pack_format = #tpu.pack_format<interleaved>} : vector<32xbf16> -> vector<16xf32>
          %add3A_722 = arith.addf %unpack3A_720, %unpack3A_721 : vector<16xf32>
          %add3A_723 = arith.addf %add3A_708, %add3A_722 : vector<16xf32>
          %eq3A_724 = arith.constant 12 : i32
          %eq3A_725 = vector.broadcast %eq3A_724 : i32 to vector<16xi32>
          %eq3A_726 = arith.cmpi eq, %iota3A, %eq3A_725 : vector<16xi32>
          %reduce_sum3A_727 = arith.constant true
          %reduce_sum3A_728 = vector.broadcast %reduce_sum3A_727 : i1 to vector<16xi1>
          %reduce_sum3A_729 = tpu.scan <sum>, %add3A_723 masked %reduce_sum3A_728 : vector<16xf32>, vector<16xi1> -> vector<16xf32>
          %reduce_sum3A_730 = vector.extract %reduce_sum3A_729[15] : f32 from vector<16xf32>
          %jit3A_731 = arith.constant 0.000000e+00 : f32
          %broadcast_in_dim3A_732 = vector.broadcast %reduce_sum3A_730 : f32 to vector<16xf32>
          %broadcast_in_dim3A_733 = vector.broadcast %jit3A_731 : f32 to vector<16xf32>
          %select_n3A_734 = arith.select %eq3A_726, %broadcast_in_dim3A_732, %broadcast_in_dim3A_733 : vector<16xi1>, vector<16xf32>
          %add3A_735 = arith.constant 13 : i32
          %add3A_736 = arith.addi %mul3A_195, %add3A_735 : i32
          %get3A_737 = arith.index_cast %add3A_736 : i32 to index
          %get3A_738 = arith.constant 0 : index
          %get3A_739 = tpu.vector_load %arg10[%get3A_737, %get3A_738] {strides = array<i32>} : memref<400x64xbf16, #tpu.memory_space<vmem>>, vector<32xbf16>,
          %get3A_740 = arith.index_cast %add3A_736 : i32 to index
          %get3A_741 = arith.constant 0 : index
          %get3A_742 = tpu.vector_load %arg12[%get3A_740, %get3A_741] {strides = array<i32>} : memref<400x64xbf16, #tpu.memory_space<vmem>>, vector<32xbf16>,
          %add3A_743 = arith.addf %get3A_739, %get3A_742 : vector<32xbf16>
          %max3A_744 = arith.constant 0.000000e+00 : bf16
          %max3A_745 = vector.broadcast %max3A_744 : bf16 to vector<32xbf16>
          %max3A_746 = arith.maximumf %add3A_743, %max3A_745 : vector<32xbf16>
          %mul3A_747 = arith.mulf %max3A_746, %get3A_5 : vector<32xbf16>
          %unpack3A_748 = tpu.unpack_subelements %mul3A_747, 0 {pack_format = #tpu.pack_format<interleaved>} : vector<32xbf16> -> vector<16xf32>
          %unpack3A_749 = tpu.unpack_subelements %mul3A_747, 1 {pack_format = #tpu.pack_format<interleaved>} : vector<32xbf16> -> vector<16xf32>
          %add3A_750 = arith.addf %unpack3A_748, %unpack3A_749 : vector<16xf32>
          %get3A_751 = arith.index_cast %add3A_736 : i32 to index
          %get3A_752 = arith.constant 32 : index
          %get3A_753 = tpu.vector_load %arg10[%get3A_751, %get3A_752] {strides = array<i32>} : memref<400x64xbf16, #tpu.memory_space<vmem>>, vector<32xbf16>,
          %get3A_754 = arith.index_cast %add3A_736 : i32 to index
          %get3A_755 = arith.constant 32 : index
          %get3A_756 = tpu.vector_load %arg12[%get3A_754, %get3A_755] {strides = array<i32>} : memref<400x64xbf16, #tpu.memory_space<vmem>>, vector<32xbf16>,
          %add3A_757 = arith.addf %get3A_753, %get3A_756 : vector<32xbf16>
          %max3A_758 = arith.constant 0.000000e+00 : bf16
          %max3A_759 = vector.broadcast %max3A_758 : bf16 to vector<32xbf16>
          %max3A_760 = arith.maximumf %add3A_757, %max3A_759 : vector<32xbf16>
          %mul3A_761 = arith.mulf %max3A_760, %get3A_7 : vector<32xbf16>
          %unpack3A_762 = tpu.unpack_subelements %mul3A_761, 0 {pack_format = #tpu.pack_format<interleaved>} : vector<32xbf16> -> vector<16xf32>
          %unpack3A_763 = tpu.unpack_subelements %mul3A_761, 1 {pack_format = #tpu.pack_format<interleaved>} : vector<32xbf16> -> vector<16xf32>
          %add3A_764 = arith.addf %unpack3A_762, %unpack3A_763 : vector<16xf32>
          %add3A_765 = arith.addf %add3A_750, %add3A_764 : vector<16xf32>
          %eq3A_766 = arith.constant 13 : i32
          %eq3A_767 = vector.broadcast %eq3A_766 : i32 to vector<16xi32>
          %eq3A_768 = arith.cmpi eq, %iota3A, %eq3A_767 : vector<16xi32>
          %reduce_sum3A_769 = arith.constant true
          %reduce_sum3A_770 = vector.broadcast %reduce_sum3A_769 : i1 to vector<16xi1>
          %reduce_sum3A_771 = tpu.scan <sum>, %add3A_765 masked %reduce_sum3A_770 : vector<16xf32>, vector<16xi1> -> vector<16xf32>
          %reduce_sum3A_772 = vector.extract %reduce_sum3A_771[15] : f32 from vector<16xf32>
          %jit3A_773 = arith.constant 0.000000e+00 : f32
          %broadcast_in_dim3A_774 = vector.broadcast %reduce_sum3A_772 : f32 to vector<16xf32>
          %broadcast_in_dim3A_775 = vector.broadcast %jit3A_773 : f32 to vector<16xf32>
          %select_n3A_776 = arith.select %eq3A_768, %broadcast_in_dim3A_774, %broadcast_in_dim3A_775 : vector<16xi1>, vector<16xf32>
          %add3A_777 = arith.constant 14 : i32
          %add3A_778 = arith.addi %mul3A_195, %add3A_777 : i32
          %get3A_779 = arith.index_cast %add3A_778 : i32 to index
          %get3A_780 = arith.constant 0 : index
          %get3A_781 = tpu.vector_load %arg10[%get3A_779, %get3A_780] {strides = array<i32>} : memref<400x64xbf16, #tpu.memory_space<vmem>>, vector<32xbf16>,
          %get3A_782 = arith.index_cast %add3A_778 : i32 to index
          %get3A_783 = arith.constant 0 : index
          %get3A_784 = tpu.vector_load %arg12[%get3A_782, %get3A_783] {strides = array<i32>} : memref<400x64xbf16, #tpu.memory_space<vmem>>, vector<32xbf16>,
          %add3A_785 = arith.addf %get3A_781, %get3A_784 : vector<32xbf16>
          %max3A_786 = arith.constant 0.000000e+00 : bf16
          %max3A_787 = vector.broadcast %max3A_786 : bf16 to vector<32xbf16>
          %max3A_788 = arith.maximumf %add3A_785, %max3A_787 : vector<32xbf16>
          %mul3A_789 = arith.mulf %max3A_788, %get3A_5 : vector<32xbf16>
          %unpack3A_790 = tpu.unpack_subelements %mul3A_789, 0 {pack_format = #tpu.pack_format<interleaved>} : vector<32xbf16> -> vector<16xf32>
          %unpack3A_791 = tpu.unpack_subelements %mul3A_789, 1 {pack_format = #tpu.pack_format<interleaved>} : vector<32xbf16> -> vector<16xf32>
          %add3A_792 = arith.addf %unpack3A_790, %unpack3A_791 : vector<16xf32>
          %get3A_793 = arith.index_cast %add3A_778 : i32 to index
          %get3A_794 = arith.constant 32 : index
          %get3A_795 = tpu.vector_load %arg10[%get3A_793, %get3A_794] {strides = array<i32>} : memref<400x64xbf16, #tpu.memory_space<vmem>>, vector<32xbf16>,
          %get3A_796 = arith.index_cast %add3A_778 : i32 to index
          %get3A_797 = arith.constant 32 : index
          %get3A_798 = tpu.vector_load %arg12[%get3A_796, %get3A_797] {strides = array<i32>} : memref<400x64xbf16, #tpu.memory_space<vmem>>, vector<32xbf16>,
          %add3A_799 = arith.addf %get3A_795, %get3A_798 : vector<32xbf16>
          %max3A_800 = arith.constant 0.000000e+00 : bf16
          %max3A_801 = vector.broadcast %max3A_800 : bf16 to vector<32xbf16>
          %max3A_802 = arith.maximumf %add3A_799, %max3A_801 : vector<32xbf16>
          %mul3A_803 = arith.mulf %max3A_802, %get3A_7 : vector<32xbf16>
          %unpack3A_804 = tpu.unpack_subelements %mul3A_803, 0 {pack_format = #tpu.pack_format<interleaved>} : vector<32xbf16> -> vector<16xf32>
          %unpack3A_805 = tpu.unpack_subelements %mul3A_803, 1 {pack_format = #tpu.pack_format<interleaved>} : vector<32xbf16> -> vector<16xf32>
          %add3A_806 = arith.addf %unpack3A_804, %unpack3A_805 : vector<16xf32>
          %add3A_807 = arith.addf %add3A_792, %add3A_806 : vector<16xf32>
          %eq3A_808 = arith.constant 14 : i32
          %eq3A_809 = vector.broadcast %eq3A_808 : i32 to vector<16xi32>
          %eq3A_810 = arith.cmpi eq, %iota3A, %eq3A_809 : vector<16xi32>
          %reduce_sum3A_811 = arith.constant true
          %reduce_sum3A_812 = vector.broadcast %reduce_sum3A_811 : i1 to vector<16xi1>
          %reduce_sum3A_813 = tpu.scan <sum>, %add3A_807 masked %reduce_sum3A_812 : vector<16xf32>, vector<16xi1> -> vector<16xf32>
          %reduce_sum3A_814 = vector.extract %reduce_sum3A_813[15] : f32 from vector<16xf32>
          %jit3A_815 = arith.constant 0.000000e+00 : f32
          %broadcast_in_dim3A_816 = vector.broadcast %reduce_sum3A_814 : f32 to vector<16xf32>
          %broadcast_in_dim3A_817 = vector.broadcast %jit3A_815 : f32 to vector<16xf32>
          %select_n3A_818 = arith.select %eq3A_810, %broadcast_in_dim3A_816, %broadcast_in_dim3A_817 : vector<16xi1>, vector<16xf32>
          %add3A_819 = arith.constant 15 : i32
          %add3A_820 = arith.addi %mul3A_195, %add3A_819 : i32
          %get3A_821 = arith.index_cast %add3A_820 : i32 to index
          %get3A_822 = arith.constant 0 : index
          %get3A_823 = tpu.vector_load %arg10[%get3A_821, %get3A_822] {strides = array<i32>} : memref<400x64xbf16, #tpu.memory_space<vmem>>, vector<32xbf16>,
          %get3A_824 = arith.index_cast %add3A_820 : i32 to index
          %get3A_825 = arith.constant 0 : index
          %get3A_826 = tpu.vector_load %arg12[%get3A_824, %get3A_825] {strides = array<i32>} : memref<400x64xbf16, #tpu.memory_space<vmem>>, vector<32xbf16>,
          %add3A_827 = arith.addf %get3A_823, %get3A_826 : vector<32xbf16>
          %max3A_828 = arith.constant 0.000000e+00 : bf16
          %max3A_829 = vector.broadcast %max3A_828 : bf16 to vector<32xbf16>
          %max3A_830 = arith.maximumf %add3A_827, %max3A_829 : vector<32xbf16>
          %mul3A_831 = arith.mulf %max3A_830, %get3A_5 : vector<32xbf16>
          %unpack3A_832 = tpu.unpack_subelements %mul3A_831, 0 {pack_format = #tpu.pack_format<interleaved>} : vector<32xbf16> -> vector<16xf32>
          %unpack3A_833 = tpu.unpack_subelements %mul3A_831, 1 {pack_format = #tpu.pack_format<interleaved>} : vector<32xbf16> -> vector<16xf32>
          %add3A_834 = arith.addf %unpack3A_832, %unpack3A_833 : vector<16xf32>
          %get3A_835 = arith.index_cast %add3A_820 : i32 to index
          %get3A_836 = arith.constant 32 : index
          %get3A_837 = tpu.vector_load %arg10[%get3A_835, %get3A_836] {strides = array<i32>} : memref<400x64xbf16, #tpu.memory_space<vmem>>, vector<32xbf16>,
          %get3A_838 = arith.index_cast %add3A_820 : i32 to index
          %get3A_839 = arith.constant 32 : index
          %get3A_840 = tpu.vector_load %arg12[%get3A_838, %get3A_839] {strides = array<i32>} : memref<400x64xbf16, #tpu.memory_space<vmem>>, vector<32xbf16>,
          %add3A_841 = arith.addf %get3A_837, %get3A_840 : vector<32xbf16>
          %max3A_842 = arith.constant 0.000000e+00 : bf16
          %max3A_843 = vector.broadcast %max3A_842 : bf16 to vector<32xbf16>
          %max3A_844 = arith.maximumf %add3A_841, %max3A_843 : vector<32xbf16>
          %mul3A_845 = arith.mulf %max3A_844, %get3A_7 : vector<32xbf16>
          %unpack3A_846 = tpu.unpack_subelements %mul3A_845, 0 {pack_format = #tpu.pack_format<interleaved>} : vector<32xbf16> -> vector<16xf32>
          %unpack3A_847 = tpu.unpack_subelements %mul3A_845, 1 {pack_format = #tpu.pack_format<interleaved>} : vector<32xbf16> -> vector<16xf32>
          %add3A_848 = arith.addf %unpack3A_846, %unpack3A_847 : vector<16xf32>
          %add3A_849 = arith.addf %add3A_834, %add3A_848 : vector<16xf32>
          %eq3A_850 = arith.constant 15 : i32
          %eq3A_851 = vector.broadcast %eq3A_850 : i32 to vector<16xi32>
          %eq3A_852 = arith.cmpi eq, %iota3A, %eq3A_851 : vector<16xi32>
          %reduce_sum3A_853 = arith.constant true
          %reduce_sum3A_854 = vector.broadcast %reduce_sum3A_853 : i1 to vector<16xi1>
          %reduce_sum3A_855 = tpu.scan <sum>, %add3A_849 masked %reduce_sum3A_854 : vector<16xf32>, vector<16xi1> -> vector<16xf32>
          %reduce_sum3A_856 = vector.extract %reduce_sum3A_855[15] : f32 from vector<16xf32>
          %jit3A_857 = arith.constant 0.000000e+00 : f32
          %broadcast_in_dim3A_858 = vector.broadcast %reduce_sum3A_856 : f32 to vector<16xf32>
          %broadcast_in_dim3A_859 = vector.broadcast %jit3A_857 : f32 to vector<16xf32>
          %select_n3A_860 = arith.select %eq3A_852, %broadcast_in_dim3A_858, %broadcast_in_dim3A_859 : vector<16xi1>, vector<16xf32>
          %add3A_861 = arith.addf %select_n3A, %select_n3A_272 : vector<16xf32>
          %add3A_862 = arith.addf %select_n3A_314, %select_n3A_356 : vector<16xf32>
          %add3A_863 = arith.addf %select_n3A_398, %select_n3A_440 : vector<16xf32>
          %add3A_864 = arith.addf %select_n3A_482, %select_n3A_524 : vector<16xf32>
          %add3A_865 = arith.addf %select_n3A_566, %select_n3A_608 : vector<16xf32>
          %add3A_866 = arith.addf %select_n3A_650, %select_n3A_692 : vector<16xf32>
          %add3A_867 = arith.addf %select_n3A_734, %select_n3A_776 : vector<16xf32>
          %add3A_868 = arith.addf %select_n3A_818, %select_n3A_860 : vector<16xf32>
          %add3A_869 = arith.addf %add3A_861, %add3A_862 : vector<16xf32>
          %add3A_870 = arith.addf %add3A_863, %add3A_864 : vector<16xf32>
          %add3A_871 = arith.addf %add3A_865, %add3A_866 : vector<16xf32>
          %add3A_872 = arith.addf %add3A_867, %add3A_868 : vector<16xf32>
          %add3A_873 = arith.addf %add3A_869, %add3A_870 : vector<16xf32>
          %add3A_874 = arith.addf %add3A_871, %add3A_872 : vector<16xf32>
          %add3A_875 = arith.addf %add3A_873, %add3A_874 : vector<16xf32>
          %get3A_876 = arith.index_cast %mul3A_195 : i32 to index
          %get3A_877 = tpu.vector_load %arg14[%get3A_876] {strides = array<i32>} : memref<400xf32, #tpu.memory_space<vmem>>, vector<16xf32>,
          %add3A_878 = arith.addf %add3A_875, %get3A_877 : vector<16xf32>
          %neg3A = arith.constant 0.000000e+00 : f32
          %neg3A_879 = vector.broadcast %neg3A : f32 to vector<16xf32>
          %neg3A_880 = arith.subf %neg3A_879, %add3A_878 : vector<16xf32>
          %exp3A = math.exp %neg3A_880 : vector<16xf32>
          %add3A_881 = arith.constant 1.000000e+00 : f32
          %add3A_882 = vector.broadcast %add3A_881 : f32 to vector<16xf32>
          %add3A_883 = arith.addf %add3A_882, %exp3A : vector<16xf32>
          %div3A = arith.constant 1.000000e+00 : f32
          %div3A_884 = vector.broadcast %div3A : f32 to vector<16xf32>
          %div3A_885 = arith.divf %div3A_884, %add3A_883 : vector<16xf32>
          %max3A_886 = arith.constant 0.000000e+00 : f32
          %max3A_887 = vector.broadcast %max3A_886 : f32 to vector<16xf32>
          %max3A_888 = arith.maximumf %div3A_885, %max3A_887 : vector<16xf32>
          %swap3A = arith.index_cast %mul3A_195 : i32 to index
          %swap3A_889 = tpu.vector_load %arg16[%swap3A] {strides = array<i32>} : memref<400xf32, #tpu.memory_space<vmem>>, vector<16xf32>,
          tpu.vector_store %arg16[%swap3A], %max3A_888 {strides = array<i32>} : memref<400xf32, #tpu.memory_space<vmem>>, vector<16xf32>,
        }
        %scan3A_183 = arith.constant 25 : i32
        %mul3A_184 = arith.constant 400 : i32
        %mul3A_185 = arith.muli %sub3A_61, %mul3A_184 : i32
        %add3A_186 = arith.addi %mul3A_4, %mul3A_185 : i32
        %dma_start3A_187 = tpu.memref_slice %arg7[%add3A_186] : memref<320000xf32, #tpu.memory_space<hbm>> -> memref<400xf32, #tpu.memory_space<hbm>>
        %dma_start3A_188 = tpu.memref_slice %arg7[%add3A_186] : memref<320000xf32, #tpu.memory_space<hbm>> -> memref<400xf32, #tpu.memory_space<hbm>>
        tpu.enqueue_dma source(%arg16 : memref<400xf32, #tpu.memory_space<vmem>>) target(%dma_start3A_188 : memref<400xf32, #tpu.memory_space<hbm>>) target_semaphore(%arg23 : memref<!tpu.dma_semaphore, #tpu.memory_space<semaphore_mem>>)
      } else {
      }
    }
    %scan3A_28 = arith.constant 13 : i32
    %dma_wait3A = arith.constant 0 : i32
    %dma_wait3A_29 = tpu.memref_slice %arg5[%dma_wait3A] : memref<320000xf32, #tpu.memory_space<hbm>> -> memref<400xf32, #tpu.memory_space<hbm>>
    %dma_wait3A_30 = arith.constant 0 : i32
    %dma_wait3A_31 = tpu.memref_slice %arg5[%dma_wait3A_30] : memref<320000xf32, #tpu.memory_space<hbm>> -> memref<400xf32, #tpu.memory_space<hbm>>
    tpu.wait_dma2 semaphore(%arg23 : memref<!tpu.dma_semaphore, #tpu.memory_space<semaphore_mem>>) src(%dma_wait3A_31 : memref<400xf32, #tpu.memory_space<hbm>>) dst(%arg16 : memref<400xf32, #tpu.memory_space<vmem>>)
    %dma_wait3A_32 = arith.constant 0 : i32
    %dma_wait3A_33 = tpu.memref_slice %arg5[%dma_wait3A_32] : memref<320000xf32, #tpu.memory_space<hbm>> -> memref<400xf32, #tpu.memory_space<hbm>>
    %dma_wait3A_34 = arith.constant 0 : i32
    %dma_wait3A_35 = tpu.memref_slice %arg5[%dma_wait3A_34] : memref<320000xf32, #tpu.memory_space<hbm>> -> memref<400xf32, #tpu.memory_space<hbm>>
    tpu.wait_dma2 semaphore(%arg24 : memref<!tpu.dma_semaphore, #tpu.memory_space<semaphore_mem>>) src(%dma_wait3A_35 : memref<400xf32, #tpu.memory_space<hbm>>) dst(%arg17 : memref<400xf32, #tpu.memory_space<vmem>>)
    return
  }
}

module attributes {stable_mosaic.version = 14 : i64} {
  func.func @_tc_body(%arg0: memref<10000x128xf32, #tpu.memory_space<vmem>>, %arg1: memref<128x64xf32, #tpu.memory_space<vmem>>, %arg2: memref<128x64xf32, #tpu.memory_space<vmem>>, %arg3: memref<1x64xf32, #tpu.memory_space<vmem>>, %arg4: memref<2500x128xf32, #tpu.memory_space<vmem>>, %arg5: memref<1x1xf32, #tpu.memory_space<vmem>>, %arg6: memref<10000x64xbf16, #tpu.memory_space<vmem>>, %arg7: memref<10000x64xbf16, #tpu.memory_space<vmem>>, %arg8: memref<2500x128xf32, #tpu.memory_space<vmem>>) attributes {dimension_semantics = [], scalar_prefetch = 0 : i64, scratch_operands = 0 : i64, tpu.core_type = #tpu.core_type<tc>} {
    %get3A = arith.constant 0 : index
    %get3A_0 = arith.constant 0 : index
    %get3A_1 = vector.load %arg0[%get3A, %get3A_0] : memref<10000x128xf32, #tpu.memory_space<vmem>>, vector<10000x128xf32>
    %get3A_2 = arith.constant 0 : index
    %get3A_3 = arith.constant 0 : index
    %get3A_4 = vector.load %arg1[%get3A_2, %get3A_3] : memref<128x64xf32, #tpu.memory_space<vmem>>, vector<128x64xf32>
    %dot_general3A = arith.constant dense<0.000000e+00> : vector<10000x64xf32>
    %dot_general3A_5 = tpu.matmul %get3A_1, %get3A_4, %dot_general3A {dimension_numbers = #tpu.dot_dimension_numbers<[1], [0], [0], [1], [0, 0, 1, 1], [], []>, transpose_lhs_hint = false} : vector<10000x128xf32>, vector<128x64xf32>, vector<10000x64xf32> -> vector<10000x64xf32>
    %get3A_6 = arith.constant 0 : index
    %get3A_7 = arith.constant 0 : index
    %get3A_8 = vector.load %arg3[%get3A_6, %get3A_7] : memref<1x64xf32, #tpu.memory_space<vmem>>, vector<1x64xf32>
    %add3A = vector.broadcast %get3A_8 : vector<1x64xf32> to vector<10000x64xf32>
    %add3A_9 = arith.addf %dot_general3A_5, %add3A : vector<10000x64xf32>
    %mul3A = arith.constant 5.000000e-01 : f32
    %mul3A_10 = vector.broadcast %mul3A : f32 to vector<10000x64xf32>
    %mul3A_11 = arith.mulf %mul3A_10, %add3A_9 : vector<10000x64xf32>
    %convert_element_type3A = arith.truncf %mul3A_11 : vector<10000x64xf32> to vector<10000x64xbf16>
    %swap3A = arith.constant 0 : index
    %swap3A_12 = arith.constant 0 : index
    %swap3A_13 = vector.load %arg6[%swap3A, %swap3A_12] : memref<10000x64xbf16, #tpu.memory_space<vmem>>, vector<10000x64xbf16>
    tpu.vector_store %arg6[%swap3A, %swap3A_12], %convert_element_type3A {strides = array<i32>} : memref<10000x64xbf16, #tpu.memory_space<vmem>>, vector<10000x64xbf16>,
    %get3A_14 = arith.constant 0 : index
    %get3A_15 = arith.constant 0 : index
    %get3A_16 = vector.load %arg2[%get3A_14, %get3A_15] : memref<128x64xf32, #tpu.memory_space<vmem>>, vector<128x64xf32>
    %dot_general3A_17 = arith.constant dense<0.000000e+00> : vector<10000x64xf32>
    %dot_general3A_18 = tpu.matmul %get3A_1, %get3A_16, %dot_general3A_17 {dimension_numbers = #tpu.dot_dimension_numbers<[1], [0], [0], [1], [0, 0, 1, 1], [], []>, transpose_lhs_hint = false} : vector<10000x128xf32>, vector<128x64xf32>, vector<10000x64xf32> -> vector<10000x64xf32>
    %mul3A_19 = arith.constant 5.000000e-01 : f32
    %mul3A_20 = vector.broadcast %mul3A_19 : f32 to vector<10000x64xf32>
    %mul3A_21 = arith.mulf %mul3A_20, %dot_general3A_18 : vector<10000x64xf32>
    %convert_element_type3A_22 = arith.truncf %mul3A_21 : vector<10000x64xf32> to vector<10000x64xbf16>
    %swap3A_23 = arith.constant 0 : index
    %swap3A_24 = arith.constant 0 : index
    %swap3A_25 = vector.load %arg7[%swap3A_23, %swap3A_24] : memref<10000x64xbf16, #tpu.memory_space<vmem>>, vector<10000x64xbf16>
    tpu.vector_store %arg7[%swap3A_23, %swap3A_24], %convert_element_type3A_22 {strides = array<i32>} : memref<10000x64xbf16, #tpu.memory_space<vmem>>, vector<10000x64xbf16>,
    %get3A_26 = arith.constant 0 : index
    %get3A_27 = arith.constant 0 : index
    %get3A_28 = vector.load %arg4[%get3A_26, %get3A_27] : memref<2500x128xf32, #tpu.memory_space<vmem>>, vector<2500x128xf32>
    %log3A = math.log %get3A_28 : vector<2500x128xf32>
    %sub3A = arith.constant 1.000000e+00 : f32
    %sub3A_29 = vector.broadcast %sub3A : f32 to vector<2500x128xf32>
    %sub3A_30 = arith.subf %sub3A_29, %get3A_28 : vector<2500x128xf32>
    %log3A_31 = math.log %sub3A_30 : vector<2500x128xf32>
    %sub3A_32 = arith.subf %log3A, %log3A_31 : vector<2500x128xf32>
    %mul3A_33 = arith.constant 5.000000e-01 : f32
    %mul3A_34 = vector.broadcast %mul3A_33 : f32 to vector<2500x128xf32>
    %mul3A_35 = arith.mulf %mul3A_34, %sub3A_32 : vector<2500x128xf32>
    %get3A_36 = arith.constant 0 : index
    %get3A_37 = arith.constant 0 : index
    %get3A_38 = vector.load %arg5[%get3A_36, %get3A_37] : memref<1x1xf32, #tpu.memory_space<vmem>>, vector<1x1xf32>
    %get3A_39 = vector.extract %get3A_38[0, 0] : f32 from vector<1x1xf32>
    %mul3A_40 = arith.constant 5.000000e-01 : f32
    %mul3A_41 = arith.mulf %mul3A_40, %get3A_39 : f32
    %add3A_42 = vector.broadcast %mul3A_41 : f32 to vector<2500x128xf32>
    %add3A_43 = arith.addf %mul3A_35, %add3A_42 : vector<2500x128xf32>
    %swap3A_44 = arith.constant 0 : index
    %swap3A_45 = arith.constant 0 : index
    %swap3A_46 = vector.load %arg8[%swap3A_44, %swap3A_45] : memref<2500x128xf32, #tpu.memory_space<vmem>>, vector<2500x128xf32>
    tpu.vector_store %arg8[%swap3A_44, %swap3A_45], %add3A_43 {strides = array<i32>} : memref<2500x128xf32, #tpu.memory_space<vmem>>, vector<2500x128xf32>,
    return
  }
}

</mosaic_0001>

<sc_bundles>
// kernel: kernel.4.cloned.1.call-start
scs
__scs_entry_jumppad:
0x0: {  	(pc) =	sbr.rel $0x88, $3  }
0x1: {  	(tag) =	ssettag $0x0;
	lr =	simm.s32 $0x1  }
0x2: {  	[smem:$0x3F9A] =	sst lr;
	_ =	strace $0xD0000000  }
0x3: {  	_ = 	snop  }
0x4: {  	_ = 	snop  }
0x5: {  	_ = 	snop  }
0x6: {  	_ = 	snop  }
0x7: {  	_ = 	snop  }
__scs_overlays_trampoline_lowered:
0x8: {  	[smem:$0x3FA9] =	sst s0  }
0x9: {  	[smem:$0x3FAA] =	sst s1  }
0xa: {  	[smem:$0x3FAB] =	sst s2  }
0xb: {  	[smem:$0x3FAC] =	sst s3  }
0xc: {  	[smem:$0x3FAD] =	sst s4  }
0xd: {  	[smem:$0x3FAE] =	sst s5  }
0xe: {  	[smem:$0x3FAF] =	sst s6  }
0xf: {  	[smem:$0x3FB0] =	sst s7  }
0x10: {  	[smem:$0x3FB1] =	sst s8  }
0x11: {  	[smem:$0x3FB2] =	sst s9;
	s0 =	simm.s32 @!p0 $0x0  }
0x12: {  	s1 =	sld [smem:$0x3F98];
	s0 =	simm.s32 @p0 $0x1  }
0x13: {  	[smem:$0x3FB3] =	sst s0;
	s0 =	simm.s32 @!p1 $0x0  }
0x14: {  	s2 =	sld [smem:$0x3F97];
	s0 =	simm.s32 @p1 $0x1  }
0x15: {  	[smem:$0x3FB4] =	sst s0;
	s0 =	simm.s32 @!p2 $0x0  }
0x16: {  	s3 =	sld [smem:$0x3FDB];
	s0 =	simm.s32 @p2 $0x1  }
0x17: {  	s4 =	simm.s32 $0x1BF5;
	[smem:$0x3FB6] =	sst s0  }
0x18: {  	s0 =	sld [smem:$0x3F99];
	_ =	swait.ge [sflag:s4], $0x0  }
0x19: {  	s7 =	sld [smem:$0x3F9A]  }
0x1a: {  	s8 =	sadd.s32 $0xFFFFE003, lr  }
0x1b: {  	s9 =	sadd.s32 $0xFFFFFEF7, lr;
	s5 =	simm.s32 $0xFFFFFFFF;
	p2 =	slt.u32 s8, $0xFFFFF086  }
0x1c: {  	p1 =	slt.u32 s9, $0xF7A;
	s5 =	simm.s32 @!p2 $0x0  }
0x1d: {  	s5 =	simm.s32 @p1 $0x1;
	p0 =	seq.s32 s7, s2  }
0x1e: {  	s7 =	smul.u32 @!p0 $0xF7A, s2;
	p2 =	seq.s32 @!p0 s5, $0x0  }
0x1f: {  	s9 =	smul.u32 $0xF7A, s1;
	s8 =	simm.s32 @!p0 $0x1BF5;
	p2 =	por !p2, p0  }
0x20: {  	[sflag:s8] =	ssyncset.s32 @!p0 $0xFFFFF086;
	s6 =	sadd.s32 @!p0 s3, s7;
	s7 =	simm.s32 @!p0 $0x108  }
0x21: {  	s3 =	sadd.s32 s3, s9;
	s6 =	sadd.s32 @!p0 $0x88, s6;
	s7 =	simm.s32 @p2 $0x1082  }
0x22: {  	[simem:s7], [sflag:s8] =	dma.local @!p0 [hbm:s6], $0xF7A  }
0x23: {  	s9 =	sor.u32 $0xD0000000, s2;
	s6 =	simm.s32 $0x108;
	_ =	swait.ge @!p0 [sflag:s8], $0x0  }
0x24: {  	s3 =	sadd.s32 $0x88, s3;
	s6 =	simm.s32 @!p1 $0x1082;
	[sflag:s4] =	ssyncset.s32 $0xFFFFF086  }
0x25: {  	[simem:s6], [sflag:s4] =	dma.local [hbm:s3], $0xF7A  }
0x26: {  	[smem:$0x3F9A] =	sst s1;
	(tag) =	ssettag s2;
	_ =	strace s9  }
0x27: {  	s1 =	sld [smem:$0x3FAA]  }
0x28: {  	s2 =	sld [smem:$0x3FAB]  }
0x29: {  	s4 =	sld [smem:$0x3FAD]  }
0x2a: {  	p0 =	seq.s32 s5, $0x0;
	s5 =	sld [smem:$0x3FAE]  }
0x2b: {  	s6 =	sld [smem:$0x3FAF]  }
0x2c: {  	s7 =	sld [smem:$0x3FB0]  }
0x2d: {  	s3 =	simm.s32 $0x108;
	s8 =	sld [smem:$0x3FB1]  }
0x2e: {  	s3 =	simm.s32 @!p0 $0x1082;
	s9 =	sld [smem:$0x3FB2]  }
0x2f: {  	lr =	sadd.s32 s0, s3;
	s0 =	sld [smem:$0x3FA9]  }
0x30: {  	s3 =	sld [smem:$0x3FAC]  }
0x31: {  	[smem:$0x3FB5] =	sst s10  }
0x32: {  	s10 =	sld [smem:$0x3FB3];
	_ =	sdelay $0x3  }
0x33: {  	p0 =	seq.s32 s10, $0x1;
	s10 =	sld [smem:$0x3FB5];
	_ =	sdelay $0x3  }
0x34: {  	[smem:$0x3FB5] =	sst s10  }
0x35: {  	s10 =	sld [smem:$0x3FB4];
	_ =	sdelay $0x3  }
0x36: {  	p1 =	seq.s32 s10, $0x1;
	s10 =	sld [smem:$0x3FB5];
	_ =	sdelay $0x3  }
0x37: {  	[smem:$0x3FB5] =	sst s10  }
0x38: {  	s10 =	sld [smem:$0x3FB6]  }
0x39: {  	_ = 	snop;
	(pc) =	sbr.ind lr, $3  }
0x3a: {  	_ = 	snop  }
0x3b: {  	_ = 	snop  }
0x3c: {  	p2 =	seq.s32 s10, $0x1;
	s10 =	sld [smem:$0x3FB5]  }
0x3d: {  	_ =	shalt  }
0x3e: {  	_ =	shalt  }
0x3f: {  	_ =	shalt  }
0x40: {  	_ =	shalt  }
0x41: {  	_ =	shalt  }
0x42: {  	_ =	shalt  }
0x43: {  	_ =	shalt  }
0x44: {  	_ =	shalt  }
0x45: {  	_ =	shalt  }
0x46: {  	_ =	shalt  }
0x47: {  	_ =	shalt  }
0x48: {  	_ =	shalt  }
0x49: {  	_ =	shalt  }
0x4a: {  	_ =	shalt  }
0x4b: {  	_ =	shalt  }
0x4c: {  	_ =	shalt  }
0x4d: {  	_ =	shalt  }
0x4e: {  	_ =	shalt  }
0x4f: {  	_ =	shalt  }
0x50: {  	_ =	shalt  }
0x51: {  	_ =	shalt  }
0x52: {  	_ =	shalt  }
0x53: {  	_ =	shalt  }
0x54: {  	_ =	shalt  }
0x55: {  	_ =	shalt  }
0x56: {  	_ =	shalt  }
0x57: {  	_ =	shalt  }
0x58: {  	_ =	shalt  }
0x59: {  	_ =	shalt  }
0x5a: {  	_ =	shalt  }
0x5b: {  	_ =	shalt  }
0x5c: {  	_ =	shalt  }
0x5d: {  	_ =	shalt  }
0x5e: {  	_ =	shalt  }
0x5f: {  	_ =	shalt  }
0x60: {  	_ =	shalt  }
0x61: {  	_ =	shalt  }
0x62: {  	_ =	shalt  }
0x63: {  	_ =	shalt  }
0x64: {  	_ =	shalt  }
0x65: {  	_ =	shalt  }
0x66: {  	_ =	shalt  }
0x67: {  	_ =	shalt  }
0x68: {  	_ =	shalt  }
0x69: {  	_ =	shalt  }
0x6a: {  	_ =	shalt  }
0x6b: {  	_ =	shalt  }
0x6c: {  	_ =	shalt  }
0x6d: {  	_ =	shalt  }
0x6e: {  	_ =	shalt  }
0x6f: {  	_ =	shalt  }
0x70: {  	_ =	shalt  }
0x71: {  	_ =	shalt  }
0x72: {  	_ =	shalt  }
0x73: {  	_ =	shalt  }
0x74: {  	_ =	shalt  }
0x75: {  	_ =	shalt  }
0x76: {  	_ =	shalt  }
0x77: {  	_ =	shalt  }
0x78: {  	_ =	shalt  }
0x79: {  	_ =	shalt  }
0x7a: {  	_ =	shalt  }
0x7b: {  	_ =	shalt  }
0x7c: {  	_ =	shalt  }
0x7d: {  	_ =	shalt  }
0x7e: {  	_ =	shalt  }
0x7f: {  	_ =	shalt  }
0x80: {  	_ =	shalt  }
0x81: {  	_ =	shalt  }
0x82: {  	_ =	shalt  }
0x83: {  	_ =	shalt  }
0x84: {  	_ =	shalt  }
0x85: {  	_ =	shalt  }
0x86: {  	_ =	shalt  }
0x87: {  	_ =	shalt  }
.Lfunc_end0:
.L_simem_size_0:
called_computation_lowered:
.L_overlay_start_0:
0x88: {  	s2 =	sld [smem:$0x3FD9]  }
0x89: {  	s3 =	sld [smem:$0x3FFE];
	_ =	sdelay $0x1  }
0x8a: {  	s1 =	srdreg.scid  }
0x8b: {  	s0 =	sand.u32 $0x1, s1  }
0x8c: {  	s17 =	sshll.u32 s0, $0xA;
	s2 =	sadd.s32 s3, s2  }
0x8d: {  	s2 =	sadd.s32 s2, s17  }
0x8e: {  	[smem:$0x3FC1] =	sst s2  }
0x8f: {  	_ = 	snop  }
0x90: {  	s2 =	sld [smem:$0x3FD0];
	(tm) =	ssettm $0x1  }
0x91: {  	s18 =	sld [smem:$0x3FFB];
	_ =	sdelay $0x3  }
0x92: {  	_ =	strace s18  }
0x93: {  	s3 =	sld [smem:$0x3FFC];
	_ =	sdelay $0x3  }
0x94: {  	_ =	strace s3  }
0x95: {  	s3 =	sld [smem:$0x3FFD];
	_ =	sdelay $0x3  }
0x96: {  	_ =	strace s3  }
0x97: {  	_ =	strace $0x8FFFFFFF  }
0x98: {  	s19 =	sld [smem:$0x3FDB];
	_ =	sdelay $0x1  }
0x99: {  	s4 =	simm.s32 $_scs_section_size  }
0x9a: {  	s5 =	simm.s32 $_size__tile_overlayer_lowered;
	s6 =	simm.s32 $_tile_overlayer_lowered  }
0x9b: {  	s22 =	simm.s32 $0x1BFF;
	s21 =	sshll.u32 s6, $0x1;
	s3 =	sadd.s32 s4, s19  }
0x9c: {  	s7 =	simm.s32 $0x0;
	s20 =	sshll.u32 s5, $0x1;
	s5 =	sadd.s32 s21, s3  }
0x9d: {  	[timem:s7], [sflag:s22] =	dma.local [hbm:s5], s20  }
0x9e: {  	_ =	swait.ge [sflag:s22], s20  }
0x9f: {  	s4 =	ssub.s32 $0x0, s20;
	[sflag:s22] =	ssyncset.done $0x0  }
0xa0: {  	[sflag:s22] =	ssyncadd.s32 s4;
	_ =	sdelay $0x1  }
0xa1: {  	s23 =	simm.s32 $0x1B8B  }
0xa2: {  	_ =	swait.ge [sflag:s23], $0x1  }
0xa3: {  	[sflag:s23] =	ssyncset.done $0x0  }
0xa4: {  	s25 =	simm.s32 $0x1B8E;
	s24 =	sld [smem:$0x3FFE];
	[sflag:s23] =	ssyncadd.s32 $0xFFFFFFFF  }
0xa5: {  	s26 =	simm.s32 $execute0_lowered;
	[smem:$0x3FD2] =	sst s25  }
0xa6: {  	s5 =	sshll.u32 s26, $0x1;
	_ =	strace $0x80000046;
	[dreg:$0x1] =	wrdreg $0xFFFFFFFF  }
0xa7: {  	s28 =	simm.s32 $_size_execute0_lowered;
	s3 =	sadd.s32 s3, s5;
	[dreg:$0x0] =	wrdreg $0x0  }
0xa8: {  	s5 =	sshll.u32 s28, $0x1;
	[dreg:$0x2] =	wrdreg s3  }
0xa9: {  	[dreg:$0x3] =	wrdreg s5  }
0xaa: {  	[dreg:$0x4] =	wrdreg $0xC0  }
0xab: {  	_ =	task [dreg:s7], $0x5FFFF  }
0xac: {  	[dreg:$0x1] =	wrdreg $0xFFFFFFFF  }
0xad: {  	[dreg:$0x0] =	wrdreg $0x60  }
0xae: {  	[dreg:$0x2] =	wrdreg s24  }
0xaf: {  	[dreg:$0x3] =	wrdreg s2  }
0xb0: {  	[dreg:$0x4] =	wrdreg $0x9  }
0xb1: {  	_ =	task.clear_ibuf [dreg:s7], $0x5FFFF;
	_ =	strace $0x90000046  }
0xb2: {  	s29 =	simm.s32 $0x9;
	_ =	strace $0x80000048  }
0xb3: {  	_ =	swait.ge [sflag:s29], $0x1  }
0xb4: {  	[sflag:s29] =	ssyncadd.s32 $0xFFFFFFFF  }
0xb5: {  	_ =	strace $0x90000048  }
0xb6: {  	_ =	sfence  }
0xb7: {  	s30 =	sld [smem:$0x0];
	_ =	sdelay $0x2  }
0xb8: {  	s31 =	sshll.u32 s1, $0xD;
	s1 =	sshrl.u32 s1, $0x2  }
0xb9: {  	s3 =	sand.u32 $0x4000, s31;
	s1 =	sadd.s32 s1, s30  }
0xba: {  	s0 =	sor.u32 s3, s0;
	s1 =	sshll.u32 s1, $0x11  }
0xbb: {  	s0 =	sor.u32 s1, s0  }
0xbc: {  	s0 =	sadd.s32 $0x8F2B, s0  }
0xbd: {  	[sflag:s0] =	ssyncadd.remote.s32 $0x1  }
0xbe: {  	_ =	sfence.sel $0xFFFF  }
0xbf: {  	[dreg:$0x0] =	wrdreg $0xFFFFFFFF;
	(pc) =	sbr.abs _section_cstart, $3  }
0xc0: {  	[dreg:$0x1] =	wrdreg $0xFFFFFFFF  }
0xc1: {  	_ =	task.clear_ibuf [dreg:s7], $0x2FFFF;
	_ =	strace $0x9FFFFFFF  }
0xc2: {  	(tm) =	ssettm $0x7FFFFFFF  }
0xc3: {  	_ =	shalt  }
tec
execute0_lowered:
.L_overlay_start_1:
0x0: {  	(tag) =	ssettag $0x1  }
0x1: {  	s0 =	rddreg [dreg:$0x0]  }
0x2: {  	s1 =	rddreg [dreg:$0x1];
	s3 =	simm.s32 $0x0;
	s2 =	srdreg.scid  }
0x3: {  	s5 =	stileid.u32;
	s18 =	simm.s32 $0x50;
	s15 =	simm.s32 $0x140  }
0x4: {  	s12 =	simm.s32 $0x9240;
	s14 =	simm.s32 $0xCE40;
	s16 =	simm.s32 $0x2  }
0x5: {  	s17 =	simm.s32 $0x3;
	s19 =	simm.s32 $0xD160;
	s20 =	simm.s32 $0x5  }
0x6: {  	s21 =	simm.s32 $0x6;
	s22 =	simm.s32 $0x4;
	s23 =	simm.s32 $0x0  }
0x7: {  	[smem:$0x7FF] =	sst s3;
	s2 =	sand.u32 $0x1, s2;
	s7 =	sshll.u32 s5, $0x1  }
0x8: {  	s4 =	sadd.s32 $0x1DC00, s0;
	s5 =	sadd.s32 $0x27A00, s0;
	s8 =	sor.u32 s2, s7  }
0x9: {  	s6 =	sadd.s32 $0x400, s0;
	_ =	strace $0x80000047;
	s10 =	smul.u32 $0x4E20, s8  }
0xa: {  	s7 =	sadd.s32 $0x13E00, s0;
	s2 =	ssub.s32 $0x2, s2;
	s11 =	smul.u32 $0x9C4, s8  }
0xb: {  	v0 =	vimm.bf16 $0.0e+00;
	vm0 =	vmmov $0x1;
	s0 =	sadd.s32 $0x200, s0;
	s29 =	sshrl.u32 s2, $0x1;
	s9 =	smul.u32 $0x2710, s8  }
0xc: {  	vm1 =	vcmask $0x704;
	vm2 =	vcmask $0xB08;
	vm3 =	vcmask $0xF0C;
	[dreg:$0x3] =	wrdreg s0;
	s0 =	ssub.s32 s2, s29;
	s30 =	sshrl.u32 s10, $0x3  }
0xd: {  	vm4 =	vcmask $0x1310;
	vm5 =	vcmask $0x1714;
	vm6 =	vcmask $0x1B18;
	s10 =	smul.u32 $0x19, s8;
	s31 =	sadd.s32 s6, s11;
	s13 =	sadd.s32 $0xFFFFFE70, s9  }
0xe: {  	vm7 =	vcmask $0x1F1C;
	vm8 =	vcmask $0x2320;
	vm9 =	vcmask $0x2724;
	s0 =	smax.u32 s0, $0x1;
	[dreg:$0x4] =	wrdreg s31;
	s2 =	sadd.s32 s6, s30  }
0xf: {  	vm10 =	vcmask $0x2B28;
	vm11 =	vcmask $0x2F2C;
	vm12 =	vcmask $0x3330;
	s8 =	simm.s32 $0x2E40;
	[dreg:$0x6] =	wrdreg s0;
	s2 =	sadd.s32 $0x64, s2  }
0x10: {  	vm13 =	vcmask $0x3734;
	vm14 =	vcmask $0x3B38;
	vm15 =	vmmov $0x7fff;
	s11 =	simm.s32 $0x2D0;
	[dreg:$0x5] =	wrdreg s2;
	s2 =	simm.s32 $0x8840  }
.LBB2_1:
0x11: {  	[dreg:$0x7] =	wrdreg s23  }
0x12: {  	s0 =	rddreg [dreg:$0x3];
	s26 =	simm.s32 $0xD480;
	s28 =	simm.s32 $0x7  }
0x13: {  	[tilespmem:s26], [sflag:$0x7] =	stream.linear.gather [hbm4b:s0+s3], $0x20, $0x38;
	[tilespmem:$0xD4A0] =	vst v63  }
0x14: {  	_ =	swait.ge [sflag:s28], $0x20  }
0x15: {  	[sflag:s28] =	ssyncset.done $0x0  }
0x16: {  	[sflag:s28] =	ssyncadd.s32 $0xFFFFFFE0  }
0x17: {  	v1 =	vld [tilespmem:$0xD480]  }
0x18: {  	s29 =	rddreg [dreg:$0x4]  }
0x19: {  	v2 =	vld [tilespmem:$0xD490];
	[tilespmem:s3], [sflag:$0x1] =	stream.linear.gather [hbm4b:s29+s3], $0x320, $0x38  }
0x1a: {  	s31 =	simm.s32 $0x320;
	s23 =	simm.s32 $0x0;
	s30 =	rddreg [dreg:$0x5]  }
0x1b: {  	[tilespmem:s31], [sflag:$0x2] =	stream.linear.gather [hbm4b:s30+s3], $0x320, $0x38;
	[tilespmem:$0xD4A0] =	vst v63  }
.LBB2_2:
0x1c: {  	s25 =	simm.s32 $0x1  }
0x1d: {  	_ =	swait.ge [sflag:s25], $0x320  }
0x1e: {  	[sflag:s25] =	ssyncset.done $0x0  }
0x1f: {  	s0 =	simm.s32 $0x640;
	[sflag:s25] =	ssyncadd.s32 $0xFFFFFCE0  }
0x20: {  	[tilespmem:s0], [sflag:$0x3] =	stream.indirect.gather [hbm4b:s4+s18], $0x20, s3, s18, $0xb8;
	[tilespmem:$0xD4A0] =	vst v63  }
0x21: {  	s26 =	simm.s32 $0x190;
	s24 =	simm.s32 $0x6A40  }
0x22: {  	[tilespmem:s24], [sflag:$0x3] =	stream.indirect.gather [hbm4b:s5+s18], $0x20, s26, s18, $0xb8;
	[tilespmem:$0xD4A0] =	vst v63  }
0x23: {  	s28 =	simm.s32 $0x1040  }
0x24: {  	[tilespmem:s28], [sflag:$0x3] =	stream.indirect.gather [hbm4b:s4+s18], $0x20, s18, s18, $0xb8;
	[tilespmem:$0xD4A0] =	vst v63  }
0x25: {  	s30 =	simm.s32 $0x1E0;
	s31 =	simm.s32 $0x7440  }
0x26: {  	[tilespmem:s31], [sflag:$0x3] =	stream.indirect.gather [hbm4b:s5+s18], $0x20, s30, s18, $0xb8;
	[tilespmem:$0xD4A0] =	vst v63  }
0x27: {  	s26 =	simm.s32 $0xA0;
	s28 =	simm.s32 $0x1A40  }
0x28: {  	[tilespmem:s28], [sflag:$0x3] =	stream.indirect.gather [hbm4b:s4+s18], $0x20, s26, s18, $0xb8;
	[tilespmem:$0xD4A0] =	vst v63  }
0x29: {  	s30 =	simm.s32 $0x230;
	s31 =	simm.s32 $0x7E40  }
0x2a: {  	[tilespmem:s31], [sflag:$0x3] =	stream.indirect.gather [hbm4b:s5+s18], $0x20, s30, s18, $0xb8;
	[tilespmem:$0xD4A0] =	vst v63  }
0x2b: {  	s26 =	simm.s32 $0xF0;
	s28 =	simm.s32 $0x2440  }
0x2c: {  	[tilespmem:s28], [sflag:$0x3] =	stream.indirect.gather [hbm4b:s4+s18], $0x20, s26, s18, $0xb8;
	[tilespmem:$0xD4A0] =	vst v63  }
0x2d: {  	s30 =	simm.s32 $0x280  }
0x2e: {  	[tilespmem:s2], [sflag:$0x3] =	stream.indirect.gather [hbm4b:s5+s18], $0x20, s30, s18, $0xb8;
	[tilespmem:$0xD4A0] =	vst v63  }
0x2f: {  	s29 =	smul.u32 $0x320, s23;
	p0 =	seq.s32 s23, $0x0  }
0x30: {  	[tilespmem:s8], [sflag:$0x3] =	stream.indirect.gather [hbm4b:s4+s18], $0x20, s15, s18, $0xb8;
	[tilespmem:$0xD4A0] =	vst v63  }
.Ltmp0:
0x31: {  	s31 =	sadd.s32 s9, s29;
	(pc) =	sbr.rel @p0 .LBB2_6-.Ltmp0, $4  }
0x32: {  	s24 =	sshrl.u32 s31, $0x3  }
0x33: {  	[tilespmem:s12], [sflag:$0x3] =	stream.indirect.gather [hbm4b:s5+s18], $0x20, s11, s18, $0xb8;
	[tilespmem:$0xD4A0] =	vst v63  }
0x34: {  	s26 =	sadd.s32 s7, s24  }
0x35: {  	[tilespmem:s14], [sflag:$0x3] =	stream.linear.gather [hbm4b:s26+s3], $0x190, $0x38;
	[tilespmem:$0xD4A0] =	vst v63  }
0x36: {  	_ =	swait.ge [sflag:s22], $0xA00  }
0x37: {  	[sflag:s22] =	ssyncset.done $0x0  }
0x38: {  	[sflag:s22] =	ssyncadd.s32 $0xFFFFF600  }
0x39: {  	_ =	swait.ge [sflag:s22], $0xA00  }
0x3a: {  	[sflag:s22] =	ssyncset.done $0x0  }
0x3b: {  	[sflag:s22] =	ssyncadd.s32 $0xFFFFF600  }
0x3c: {  	_ =	swait.ge [sflag:s22], $0xA00  }
0x3d: {  	[sflag:s22] =	ssyncset.done $0x0  }
0x3e: {  	[sflag:s22] =	ssyncadd.s32 $0xFFFFF600  }
0x3f: {  	_ =	swait.ge [sflag:s22], $0xA00  }
0x40: {  	[sflag:s22] =	ssyncset.done $0x0  }
0x41: {  	[sflag:s22] =	ssyncadd.s32 $0xFFFFF600  }
0x42: {  	_ =	swait.ge [sflag:s22], $0xA00  }
0x43: {  	[sflag:s22] =	ssyncset.done $0x0  }
0x44: {  	[sflag:s22] =	ssyncadd.s32 $0xFFFFF600  }
0x45: {  	_ =	swait.ge [sflag:s22], $0xA00  }
0x46: {  	[sflag:s22] =	ssyncset.done $0x0  }
0x47: {  	[sflag:s22] =	ssyncadd.s32 $0xFFFFF600  }
0x48: {  	_ =	swait.ge [sflag:s22], $0xA00  }
0x49: {  	[sflag:s22] =	ssyncset.done $0x0  }
0x4a: {  	[sflag:s22] =	ssyncadd.s32 $0xFFFFF600  }
0x4b: {  	_ =	swait.ge [sflag:s22], $0xA00  }
0x4c: {  	[sflag:s22] =	ssyncset.done $0x0  }
0x4d: {  	[sflag:s22] =	ssyncadd.s32 $0xFFFFF600  }
0x4e: {  	_ =	swait.ge [sflag:s22], $0xA00  }
0x4f: {  	[sflag:s22] =	ssyncset.done $0x0  }
0x50: {  	s25 =	sshll.u32 s23, $0x1;
	p0 =	sgt.u32 s23, $0xB;
	[sflag:s22] =	ssyncadd.s32 $0xFFFFF600  }
0x51: {  	s26 =	sadd.s32 @!p0 s10, s25;
	_ =	swait.ge [sflag:s22], $0xA00  }
0x52: {  	s26 =	smul.u32 @!p0 $0x320, s26;
	[sflag:s22] =	ssyncset.done $0x0  }
0x53: {  	[sflag:s22] =	ssyncadd.s32 $0xFFFFF600  }
0x54: {  	s28 =	simm.s32 @!p0 $0x0;
	s26 =	sshrl.u32 @!p0 s26, $0x3;
	_ =	swait.ge [sflag:s22], $0x190  }
0x55: {  	s30 =	simm.s32 @!p0 $0x320;
	s26 =	sadd.s32 @!p0 s6, s26;
	[sflag:s22] =	ssyncset.done $0x0  }
0x56: {  	p1 =	seq.s32 @!p0 s23, $0x1;
	s26 =	sadd.s32 @!p0 $0x64, s26;
	[sflag:s22] =	ssyncadd.s32 $0xFFFFFE70  }
0x57: {  	[tilespmem:s30], [sflag:$0x2] =	stream.linear.gather @!p0 [hbm4b:s26+s28], $0x320, $0x38;
	[tilespmem:$0xD4A0] =	vst v63  }
0x58: {  	p0 =	por p0, !p1  }
0x59: {  	_ =	swait.ge @p0 [sflag:s21], $0x190  }
0x5a: {  	[sflag:s21] =	ssyncset.done @p0 $0x0  }
0x5b: {  	s26 =	simm.s32 $0x9D40;
	[sflag:s21] =	ssyncadd.s32 @p0 $0xFFFFFE70  }
0x5c: {  	s28 =	simm.s32 $0x3940;
	v3 =	vld [tilespmem:s26+$0xE0]  }
0x5d: {  	v4 =	vld [tilespmem:s28+$0xE0]  }
0x5e: {  	v5 =	vld [tilespmem:s26+$0xF0]  }
0x5f: {  	v6 =	vld [tilespmem:s28+$0xF0]  }
0x60: {  	v7 =	vld [tilespmem:s26+$0xFFFFFF00]  }
0x61: {  	v8 =	vld [tilespmem:s28+$0xFFFFFF00]  }
0x62: {  	v9 =	vld [tilespmem:s26+$0xFFFFFF10]  }
0x63: {  	v10 =	vld [tilespmem:s26+$0xFFFFFF20]  }
0x64: {  	v11 =	vld [tilespmem:s28+$0xFFFFFF30]  }
0x65: {  	v3 =	vadd.bf16 v3, v4;
	v4 =	vld [tilespmem:s28+$0xFFFFFF10]  }
0x66: {  	v5 =	vadd.bf16 v5, v6;
	v6 =	vadd.bf16 v7, v8;
	v7 =	vld [tilespmem:s28+$0xFFFFFF20]  }
0x67: {  	v8 =	vld [tilespmem:s26+$0xFFFFFF30]  }
0x68: {  	v13 =	vld [tilespmem:s28+$0xFFFFFF40];
	v3 =	vmax.bf16 v3, v0  }
0x69: {  	v15 =	vld [tilespmem:s26+$0xFFFFFF50];
	v5 =	vmax.bf16 v5, v0;
	v6 =	vmax.bf16 v6, v0;
	v3 =	vmul.bf16 v3, v1  }
0x6a: {  	v5 =	vmul.bf16 v5, v2;
	v6 =	vmul.bf16 v6, v1;
	v4 =	vadd.bf16 v9, v4;
	v9 =	vld [tilespmem:s26+$0xFFFFFF40]  }
0x6b: {  	v12 =	vunpack.i.u.bf16.f32 v3;
	v3 =	vunpack.i.l.bf16.f32 v3;
	v7 =	vadd.bf16 v10, v7;
	v10 =	vld [tilespmem:s28+$0xFFFFFF50]  }
0x6c: {  	v14 =	vunpack.i.u.bf16.f32 v6;
	v6 =	vunpack.i.l.bf16.f32 v6;
	v8 =	vadd.bf16 v8, v11;
	v11 =	vld [tilespmem:s26+$0xFFFFFF60]  }
0x6d: {  	v3 =	vadd.f32 v3, v12;
	v6 =	vadd.f32 v6, v14;
	v14 =	vld [tilespmem:s28+$0xFFFFFF60];
	v4 =	vmax.bf16 v4, v0  }
0x6e: {  	v12 =	vunpack.i.u.bf16.f32 v5;
	v5 =	vunpack.i.l.bf16.f32 v5;
	v4 =	vmul.bf16 v4, v2  }
0x6f: {  	v5 =	vadd.f32 v5, v12;
	v7 =	vmax.bf16 v7, v0  }
0x70: {  	v7 =	vmul.bf16 v7, v1;
	v12 =	vunpack.i.u.bf16.f32 v4;
	v4 =	vunpack.i.l.bf16.f32 v4  }
0x71: {  	v9 =	vadd.bf16 v9, v13;
	v12 =	vadd.f32 v4, v12;
	v4 =	vmax.bf16 v8, v0  }
0x72: {  	v13 =	vld [tilespmem:s26+$0xFFFFFF70];
	v10 =	vadd.bf16 v15, v10;
	v11 =	vadd.bf16 v11, v14;
	v8 =	vmul.bf16 v4, v2  }
0x73: {  	v15 =	vld [tilespmem:s26+$0xFFFFFF80];
	v4 =	vadd.f32 v5, v3;
	v5 =	vunpack.i.u.bf16.f32 v7;
	v9 =	vmax.bf16 v9, v0  }
0x74: {  	v3 =	vadd.f32 v12, v6;
	v6 =	vunpack.i.l.bf16.f32 v7;
	v7 =	vld [tilespmem:s28+$0xFFFFFF70];
	v9 =	vmul.bf16 v9, v1  }
0x75: {  	v14 =	vld [tilespmem:s28+$0xFFFFFF80];
	v11 =	vmax.bf16 v11, v0;
	v12 =	vunpack.i.u.bf16.f32 v8;
	v8 =	vunpack.i.l.bf16.f32 v8  }
0x76: {  	v16 =	vld [tilespmem:s28+$0xFFFFFF90];
	v5 =	vadd.f32 v6, v5;
	v6 =	vadd.f32 v8, v12;
	v8 =	vmax.bf16 v10, v0  }
0x77: {  	v10 =	vld [tilespmem:s26+$0xFFFFFF90];
	v12 =	vunpack.i.u.bf16.f32 v9;
	v9 =	vunpack.i.l.bf16.f32 v9;
	v8 =	vmul.bf16 v8, v2  }
0x78: {  	v11 =	vmul.bf16 v11, v1;
	v9 =	vadd.f32 v9, v12  }
0x79: {  	v17 =	vld [tilespmem:s28+$0xFFFFFFA0];
	v7 =	vadd.bf16 v13, v7;
	v12 =	vunpack.i.u.bf16.f32 v8;
	v8 =	vunpack.i.l.bf16.f32 v8  }
0x7a: {  	v14 =	vadd.bf16 v15, v14;
	v13 =	vld [tilespmem:s26+$0xFFFFFFA0];
	v8 =	vadd.f32 v8, v12  }
0x7b: {  	v15 =	vld [tilespmem:s26+$0xFFFFFFB0];
	v12 =	vunpack.i.u.bf16.f32 v11;
	v11 =	vunpack.i.l.bf16.f32 v11;
	v7 =	vmax.bf16 v7, v0  }
0x7c: {  	v11 =	vadd.f32 v11, v12;
	v10 =	vadd.bf16 v10, v16;
	v12 =	vld [tilespmem:s28+$0xFFFFFFB0];
	v7 =	vmul.bf16 v7, v2  }
0x7d: {  	v18 =	vld [tilespmem:s26+$0xFFFFFFC0];
	v5 =	vadd.f32 v6, v5;
	v14 =	vmax.bf16 v14, v0  }
0x7e: {  	v19 =	vld [tilespmem:s26+$0xFFFFFFE0];
	v14 =	vmul.bf16 v14, v1;
	v10 =	vmax.bf16 v10, v0;
	v16 =	vunpack.i.u.bf16.f32 v7  }
0x7f: {  	v7 =	vunpack.i.l.bf16.f32 v7;
	v6 =	vmul.bf16 v10, v2;
	v10 =	vadd.bf16 v13, v17;
	v13 =	vld [tilespmem:s26+$0xFFFFFFD0]  }
0x80: {  	v8 =	vadd.f32 v8, v9;
	v9 =	vunpack.i.u.bf16.f32 v14;
	v7 =	vadd.f32 v7, v16;
	v16 =	vld [tilespmem:s28+$0xFFFFFFC0]  }
0x81: {  	v14 =	vunpack.i.l.bf16.f32 v14;
	v17 =	vunpack.i.u.bf16.f32 v6;
	v12 =	vadd.bf16 v15, v12;
	v15 =	vld [tilespmem:s28+$0xFFFFFFE0]  }
0x82: {  	v10 =	vmax.bf16 v10, v0;
	v6 =	vunpack.i.l.bf16.f32 v6;
	v7 =	vadd.f32 v7, v11;
	v11 =	vld [tilespmem:s28+$0xFFFFFFD0]  }
0x83: {  	v9 =	vadd.f32 v14, v9;
	v10 =	vmul.bf16 v10, v1;
	v6 =	vadd.f32 v6, v17  }
0x84: {  	v12 =	vmax.bf16 v12, v0  }
0x85: {  	v14 =	vld [tilespmem:s26+$0xFFFFFFF0];
	v17 =	vunpack.i.u.bf16.f32 v10;
	v10 =	vunpack.i.l.bf16.f32 v10;
	v6 =	vadd.f32 v6, v9  }
0x86: {  	v12 =	vmul.bf16 v12, v2;
	v16 =	vadd.bf16 v18, v16;
	v18 =	vld [tilespmem:s28+$0xFFFFFFF0];
	v9 =	vadd.f32 v10, v17  }
0x87: {  	v15 =	vadd.bf16 v19, v15;
	v11 =	vadd.bf16 v13, v11  }
0x88: {  	v17 =	vld [tilespmem:s28+$0x0];
	v10 =	vmax.bf16 v16, v0;
	v16 =	vunpack.i.u.bf16.f32 v12;
	v12 =	vunpack.i.l.bf16.f32 v12  }
0x89: {  	v13 =	vld [tilespmem:s26+$0x0];
	v10 =	vmul.bf16 v10, v1;
	v15 =	vmax.bf16 v15, v0;
	v11 =	vmax.bf16 v11, v0  }
0x8a: {  	v21 =	vld [tilespmem:s26+$0x20];
	v12 =	vadd.f32 v12, v16;
	v15 =	vmul.bf16 v15, v1;
	v11 =	vmul.bf16 v11, v2  }
0x8b: {  	v22 =	vld [tilespmem:s28+$0x20];
	v16 =	vunpack.i.u.bf16.f32 v10;
	v14 =	vadd.bf16 v14, v18;
	v10 =	vunpack.i.l.bf16.f32 v10  }
0x8c: {  	v19 =	vld [tilespmem:s26+$0x10];
	v9 =	vadd.f32 v12, v9;
	v10 =	vadd.f32 v10, v16;
	v16 =	vunpack.i.u.bf16.f32 v15  }
0x8d: {  	v18 =	vld [tilespmem:s28+$0x10];
	v15 =	vunpack.i.l.bf16.f32 v15;
	v20 =	vunpack.i.u.bf16.f32 v11;
	v14 =	vmax.bf16 v14, v0  }
0x8e: {  	v11 =	vunpack.i.l.bf16.f32 v11;
	v13 =	vadd.bf16 v13, v17;
	v14 =	vmul.bf16 v14, v2  }
0x8f: {  	v15 =	vadd.f32 v15, v16;
	v11 =	vadd.f32 v11, v20  }
0x90: {  	v17 =	vld [tilespmem:s26+$0x30];
	v13 =	vmax.bf16 v13, v0;
	v16 =	vunpack.i.u.bf16.f32 v14;
	v14 =	vunpack.i.l.bf16.f32 v14  }
0x91: {  	v20 =	vld [tilespmem:s28+$0x30];
	v12 =	vmul.bf16 v13, v1;
	v13 =	vadd.bf16 v21, v22;
	v21 =	vadd.f32 v11, v10  }
0x92: {  	v11 =	vld [tilespmem:s26+$0x50];
	v14 =	vadd.f32 v14, v16;
	v16 =	vadd.bf16 v19, v18  }
0x93: {  	v18 =	vld [tilespmem:s26+$0x40]  }
0x94: {  	v19 =	vld [tilespmem:s28+$0x40];
	v13 =	vmax.bf16 v13, v0;
	v10 =	vmax.bf16 v16, v0  }
0x95: {  	v15 =	vadd.f32 v14, v15;
	v14 =	vunpack.i.u.bf16.f32 v12;
	v16 =	vld [tilespmem:s28+$0x50];
	v10 =	vmul.bf16 v10, v2  }
0x96: {  	v12 =	vunpack.i.l.bf16.f32 v12;
	v13 =	vmul.bf16 v13, v1;
	v17 =	vadd.bf16 v17, v20  }
0x97: {  	(xrf2) =	vadd.scan.msk.f32 $0xffff, v4;
	v22 =	vld [tilespmem:s28+$0x60];
	v12 =	vadd.f32 v12, v14;
	v14 =	vunpack.i.u.bf16.f32 v10;
	v10 =	vunpack.i.l.bf16.f32 v10  }
0x98: {  	(xrf2) =	vadd.scan.msk.f32 $0xffff, v3;
	v20 =	vld [tilespmem:s26+$0x60];
	v3 =	vunpack.i.l.bf16.f32 v13;
	v4 =	vadd.f32 v10, v14;
	v14 =	vmax.bf16 v17, v0  }
0x99: {  	(xrf2) =	vadd.scan.msk.f32 $0xffff, v5;
	v10 =	vunpack.i.u.bf16.f32 v13;
	v17 =	vld [tilespmem:s26+$0x70];
	v13 =	vmul.bf16 v14, v2;
	v14 =	vadd.bf16 v18, v19  }
0x9a: {  	(xrf2) =	vadd.scan.msk.f32 $0xffff, v8;
	v18 =	vld [tilespmem:s28+$0x70];
	v3 =	vadd.f32 v3, v10;
	v5 =	vadd.bf16 v11, v16  }
0x9b: {  	(xrf2) =	vadd.scan.msk.f32 $0xffff, v7;
	v8 =	vunpack.i.u.bf16.f32 v13;
	v11 =	vunpack.i.l.bf16.f32 v13;
	v13 =	vmax.bf16 v14, v0  }
0x9c: {  	(xrf2) =	vadd.scan.msk.f32 $0xffff, v6;
	v6 =	vld [tilespmem:s26+$0x90];
	v5 =	vmax.bf16 v5, v0;
	v7 =	vadd.f32 v11, v8;
	v8 =	vmul.bf16 v13, v1  }
0x9d: {  	v10 =	vld [tilespmem:s26+$0x80];
	v16 =	vadd.f32 v4, v12;
	v4 =	vmul.bf16 v5, v2;
	v5 =	vadd.bf16 v20, v22  }
0x9e: {  	v14 =	vld [tilespmem:s28+$0x80];
	v23 =	vadd.f32 v7, v3;
	v3 =	vunpack.i.u.bf16.f32 v8  }
0x9f: {  	v7 =	vunpack.i.l.bf16.f32 v8;
	v8 =	vld [tilespmem:s28+$0x90];
	v5 =	vmax.bf16 v5, v0;
	v11 =	vadd.bf16 v17, v18  }
0xa0: {  	(xrf2) =	vadd.scan.msk.f32 $0xffff, v9;
	v9 =	vunpack.i.u.bf16.f32 v4;
	v4 =	vunpack.i.l.bf16.f32 v4;
	v5 =	vmul.bf16 v5, v1  }
0xa1: {  	v17 =	vld [tilespmem:s26+$0xA0];
	v7 =	vadd.f32 v7, v3;
	v9 =	vadd.f32 v4, v9;
	v4 =	vmax.bf16 v11, v0;
	v3, _, _ =	vpop (xrf2);
	(xrf2) =	vadd.scan.msk.f32 $0xffff, v21  }
0xa2: {  	v18 =	vld [tilespmem:s28+$0xA0]  }
0xa3: {  	v10 =	vadd.bf16 v10, v14;
	v12 =	vunpack.i.u.bf16.f32 v5  }
0xa4: {  	v13 =	vmul.bf16 v4, v2;
	v14 =	vunpack.i.l.bf16.f32 v5;
	v4, _, _ =	vpop (xrf2);
	v8 =	vadd.bf16 v6, v8;
	(xrf2) =	vadd.scan.msk.f32 $0xffff, v15  }
0xa5: {  	v11 =	vld [tilespmem:s26+$0xB0];
	v10 =	vmax.bf16 v10, v0;
	v12 =	vadd.f32 v14, v12  }
0xa6: {  	v14 =	vld [tilespmem:s28+$0xB0];
	v19 =	vmul.bf16 v10, v1;
	v10 =	vadd.f32 v9, v7;
	v5, _, _ =	vpop (xrf2);
	v8 =	vmax.bf16 v8, v0  }
0xa7: {  	v9 =	vunpack.i.u.bf16.f32 v13;
	v20 =	vunpack.i.l.bf16.f32 v13;
	v13 =	vld [tilespmem:s26+$0xC0];
	v18 =	vadd.bf16 v17, v18;
	(xrf2) =	vadd.scan.msk.f32 $0xffff, v16;
	v6, _, _ =	vpop (xrf2)  }
0xa8: {  	v15 =	vld [tilespmem:s28+$0xC0];
	v21 =	vunpack.i.u.bf16.f32 v19;
	v22 =	vunpack.i.l.bf16.f32 v19;
	v7, _, _ =	vpop (xrf2);
	v24 =	vmul.bf16 v8, v2  }
0xa9: {  	v16 =	vld [tilespmem:s26+$0xD0];
	v19 =	vadd.f32 v20, v9;
	v17 =	vadd.f32 v22, v21;
	v8, _, _ =	vpop (xrf2)  }
0xaa: {  	s29 =	sadd.s32 s29, s13;
	s31 =	simm.s32 $0x40;
	s30 =	simm.s32 $0x0;
	(xrf2) =	vadd.scan.msk.f32 $0xffff, v23;
	v21 =	vmax.bf16 v18, v0;
	v18 =	vld [tilespmem:s28+$0xD0];
	v20 =	vunpack.i.u.bf16.f32 v24;
	v22 =	vunpack.i.l.bf16.f32 v24;
	v9, _, _ =	vpop (xrf2)  }
.LBB2_4:
0xab: {  	p0 =	sne.s32 s31, $0x600;
	v20 =	vadd.f32 v22, v20;
	v21 =	vmul.bf16 v21, v1;
	v11 =	vadd.bf16 v11, v14;
	v14, _, _ =	vpop (xrf2)  }
0xac: {  	v12 =	vadd.f32 v19, v12  }
0xad: {  	v17 =	vadd.f32 v20, v17;
	v19 =	vunpack.i.u.bf16.f32 v21;
	v11 =	vmax.bf16 v11, v0;
	(xrf2) =	vadd.scan.msk.f32 $0xffff, v10  }
0xae: {  	v10 =	vunpack.i.l.bf16.f32 v21;
	v13 =	vadd.bf16 v13, v15;
	v11 =	vmul.bf16 v11, v2;
	v15, _, _ =	vpop (xrf2)  }
0xaf: {  	v10 =	vadd.f32 v10, v19;
	v19 =	vadd.bf16 v16, v18  }
0xb0: {  	v13 =	vmax.bf16 v13, v0;
	v18 =	vunpack.i.u.bf16.f32 v11;
	v11 =	vunpack.i.l.bf16.f32 v11;
	(xrf2) =	vadd.scan.msk.f32 $0xffff, v12  }
0xb1: {  	v12 =	vmul.bf16 v13, v1;
	v11 =	vadd.f32 v11, v18;
	v13 =	vmax.bf16 v19, v0;
	v16, _, _ =	vpop (xrf2)  }
0xb2: {  	v13 =	vmul.bf16 v13, v2  }
0xb3: {  	v10 =	vadd.f32 v11, v10;
	v11 =	vunpack.i.u.bf16.f32 v12;
	(xrf2) =	vadd.scan.msk.f32 $0xffff, v17  }
0xb4: {  	v12 =	vunpack.i.l.bf16.f32 v12;
	v17 =	vunpack.i.u.bf16.f32 v13;
	v13 =	vunpack.i.l.bf16.f32 v13;
	v18, _, _ =	vpop (xrf2)  }
0xb5: {  	v19 =	vadd.f32 v12, v11;
	v12 =	vadd.f32 v13, v17  }
0xb6: {  	(xrf2) =	vadd.scan.msk.f32 $0xffff, v10  }
0xb7: {  	v12 =	vadd.f32 v12, v19;
	v11, _, _ =	vpop (xrf2);
	_ =	sdelay $0x1  }
0xb8: {  	v4 =	vbroadcast v4, $0xF;
	(xrf2) =	vadd.scan.msk.f32 $0xffff, v12  }
0xb9: {  	v5 =	vbroadcast v5, $0xF;
	v6 =	vbroadcast v6, $0xF;
	v10, _, _ =	vpop (xrf2)  }
0xba: {  	v7 =	vbroadcast v7, $0xF  }
0xbb: {  	v4 =	vnsel vm0, $0x0, v4;
	v5 =	vnsel vm1, $0x0, v5;
	v6 =	vnsel vm2, $0x0, v6  }
0xbc: {  	v8 =	vbroadcast v8, $0xF;
	v9 =	vbroadcast v9, $0xF;
	v7 =	vnsel vm3, $0x0, v7;
	v12, _, _ =	vpop (xrf2)  }
0xbd: {  	v4 =	vadd.f32 v5, v4;
	v5 =	vadd.f32 v7, v6;
	v13 =	vbroadcast v14, $0xF  }
0xbe: {  	v6 =	vnsel vm4, $0x0, v8;
	v8 =	vbroadcast v15, $0xF;
	v14 =	vnsel vm5, $0x0, v9  }
0xbf: {  	v6 =	vadd.f32 v14, v6;
	v9 =	vnsel vm6, $0x0, v13;
	v13 =	vbroadcast v16, $0xF;
	v7, _, _ =	vpop (xrf2)  }
0xc0: {  	v8 =	vnsel vm7, $0x0, v8;
	v15 =	vbroadcast v18, $0xF;
	v11 =	vbroadcast v11, $0xF  }
0xc1: {  	v8 =	vadd.f32 v8, v9;
	v13 =	vnsel vm8, $0x0, v13;
	v10 =	vbroadcast v10, $0xF  }
0xc2: {  	v9 =	vnsel vm9, $0x0, v15;
	v11 =	vnsel vm10, $0x0, v11;
	v12 =	vbroadcast v12, $0xF;
	v14, _, _ =	vpop (xrf2)  }
0xc3: {  	v10 =	vnsel vm11, $0x0, v10;
	v7 =	vbroadcast v7, $0xF;
	v14 =	vbroadcast v14, $0xF  }
0xc4: {  	v3 =	vsel vm15, $0x0, v3;
	v9 =	vadd.f32 v9, v13;
	v10 =	vadd.f32 v10, v11  }
0xc5: {  	v11 =	vnsel vm12, $0x0, v12;
	v7 =	vnsel vm13, $0x0, v7;
	v12 =	vnsel vm14, $0x0, v14  }
0xc6: {  	v7 =	vadd.f32 v7, v11;
	v3 =	vadd.f32 v3, v12  }
0xc7: {  	v4 =	vadd.f32 v5, v4;
	v5 =	vadd.f32 v8, v6  }
0xc8: {  	s0 =	sshra.s32 s30, $0x2;
	s30 =	smov.u32 s31;
	v6 =	vadd.f32 v10, v9;
	v3 =	vadd.f32 v3, v7  }
0xc9: {  	v7 =	vld [tilespmem:s0+$0xCFD0]  }
0xca: {  	v4 =	vadd.f32 v5, v4;
	v3 =	vadd.f32 v3, v6;
	_ =	sdelay $0x1  }
0xcb: {  	v3 =	vadd.f32 v3, v4;
	_ =	sdelay $0x1  }
0xcc: {  	v3 =	vadd.f32 v3, v7;
	_ =	sdelay $0x1  }
0xcd: {  	v3 =	vsub.f32 $0.0e+00, v3;
	_ =	sdelay $0x1  }
0xce: {  	v3 =	vmul.f32 $1.442695020e+00, v3;
	_ =	sdelay $0x1  }
0xcf: {  	(erf) = vpow2.f32 v3;
	_ =	sdelay $0x8  }
0xd0: {  	v3 =	vpop (erf)  }
0xd1: {  	v3 =	vadd.f32 $1.000000000e+00, v3;
	_ =	sdelay $0x1  }
0xd2: {  	(erf) = vrcp.f32 v3;
	_ =	sdelay $0x8  }
0xd3: {  	v3 =	vpop (erf)  }
0xd4: {  	v3 =	vmax.f32 v3, $0.0e+00  }
0xd5: {  	s26 =	sadd.s32 $0x200, s26;
	[tilespmem:s0+$0xD2F0] =	vst v3  }
0xd6: {  	s28 =	sadd.s32 $0x200, s28;
	v3 =	vld [tilespmem:s26+$0xE0]  }
0xd7: {  	v4 =	vld [tilespmem:s28+$0xE0]  }
0xd8: {  	v5 =	vld [tilespmem:s26+$0xF0]  }
0xd9: {  	v6 =	vld [tilespmem:s28+$0xF0]  }
0xda: {  	v7 =	vld [tilespmem:s26+$0xFFFFFF00]  }
0xdb: {  	v8 =	vld [tilespmem:s28+$0xFFFFFF00];
	_ =	sdelay $0x1  }
0xdc: {  	v3 =	vadd.bf16 v3, v4;
	v9 =	vld [tilespmem:s26+$0xFFFFFF10]  }
0xdd: {  	v4 =	vld [tilespmem:s28+$0xFFFFFF10]  }
0xde: {  	v3 =	vmax.bf16 v3, v0;
	v5 =	vadd.bf16 v5, v6;
	v10 =	vld [tilespmem:s26+$0xFFFFFF20]  }
0xdf: {  	v3 =	vmul.bf16 v3, v1;
	v6 =	vadd.bf16 v7, v8;
	v7 =	vld [tilespmem:s28+$0xFFFFFF20]  }
0xe0: {  	v5 =	vmax.bf16 v5, v0;
	v8 =	vld [tilespmem:s26+$0xFFFFFF30]  }
0xe1: {  	v12 =	vunpack.i.u.bf16.f32 v3;
	v5 =	vmul.bf16 v5, v2;
	v6 =	vmax.bf16 v6, v0;
	v11 =	vld [tilespmem:s28+$0xFFFFFF30]  }
0xe2: {  	v3 =	vunpack.i.l.bf16.f32 v3;
	v6 =	vmul.bf16 v6, v1;
	v4 =	vadd.bf16 v9, v4;
	v9 =	vld [tilespmem:s26+$0xFFFFFF40]  }
0xe3: {  	v3 =	vadd.f32 v3, v12;
	v12 =	vunpack.i.u.bf16.f32 v5;
	v5 =	vunpack.i.l.bf16.f32 v5;
	v13 =	vld [tilespmem:s28+$0xFFFFFF40]  }
0xe4: {  	v5 =	vadd.f32 v5, v12;
	v14 =	vunpack.i.u.bf16.f32 v6;
	v4 =	vmax.bf16 v4, v0;
	v15 =	vld [tilespmem:s26+$0xFFFFFF50]  }
0xe5: {  	v6 =	vunpack.i.l.bf16.f32 v6;
	v7 =	vadd.bf16 v10, v7;
	v4 =	vmul.bf16 v4, v2;
	v10 =	vld [tilespmem:s28+$0xFFFFFF50]  }
0xe6: {  	v6 =	vadd.f32 v6, v14;
	v8 =	vadd.bf16 v8, v11;
	v11 =	vld [tilespmem:s26+$0xFFFFFF60]  }
0xe7: {  	v7 =	vmax.bf16 v7, v0;
	v12 =	vunpack.i.u.bf16.f32 v4;
	v4 =	vunpack.i.l.bf16.f32 v4;
	v14 =	vld [tilespmem:s28+$0xFFFFFF60]  }
0xe8: {  	v7 =	vmul.bf16 v7, v1;
	v4 =	vadd.f32 v4, v12;
	v8 =	vmax.bf16 v8, v0  }
0xe9: {  	v3 =	vadd.f32 v5, v3;
	v9 =	vadd.bf16 v9, v13;
	v8 =	vmul.bf16 v8, v2;
	v12 =	vld [tilespmem:s26+$0xFFFFFF70]  }
0xea: {  	v5 =	vunpack.i.u.bf16.f32 v7;
	v4 =	vadd.f32 v4, v6;
	v6 =	vunpack.i.l.bf16.f32 v7;
	v7 =	vld [tilespmem:s28+$0xFFFFFF70]  }
0xeb: {  	v9 =	vmax.bf16 v9, v0;
	v10 =	vadd.bf16 v15, v10;
	v13 =	vunpack.i.u.bf16.f32 v8;
	v15 =	vld [tilespmem:s26+$0xFFFFFF80]  }
0xec: {  	v8 =	vunpack.i.l.bf16.f32 v8;
	v9 =	vmul.bf16 v9, v1;
	v11 =	vadd.bf16 v11, v14;
	v14 =	vld [tilespmem:s28+$0xFFFFFF80]  }
0xed: {  	v5 =	vadd.f32 v6, v5;
	v6 =	vadd.f32 v8, v13;
	v8 =	vmax.bf16 v10, v0;
	v10 =	vld [tilespmem:s26+$0xFFFFFF90]  }
0xee: {  	v13 =	vunpack.i.u.bf16.f32 v9;
	v8 =	vmul.bf16 v8, v2;
	v11 =	vmax.bf16 v11, v0;
	v16 =	vld [tilespmem:s28+$0xFFFFFF90]  }
0xef: {  	v9 =	vunpack.i.l.bf16.f32 v9;
	v11 =	vmul.bf16 v11, v1;
	v7 =	vadd.bf16 v12, v7  }
0xf0: {  	v9 =	vadd.f32 v9, v13;
	v12 =	vunpack.i.u.bf16.f32 v8;
	v8 =	vunpack.i.l.bf16.f32 v8;
	v13 =	vld [tilespmem:s26+$0xFFFFFFA0]  }
0xf1: {  	v8 =	vadd.f32 v8, v12;
	v12 =	vunpack.i.u.bf16.f32 v11;
	v7 =	vmax.bf16 v7, v0;
	v17 =	vld [tilespmem:s28+$0xFFFFFFA0]  }
0xf2: {  	v11 =	vunpack.i.l.bf16.f32 v11;
	v14 =	vadd.bf16 v15, v14;
	v7 =	vmul.bf16 v7, v2;
	v15 =	vld [tilespmem:s26+$0xFFFFFFB0]  }
0xf3: {  	v11 =	vadd.f32 v11, v12;
	v10 =	vadd.bf16 v10, v16;
	v12 =	vld [tilespmem:s28+$0xFFFFFFB0]  }
0xf4: {  	v14 =	vmax.bf16 v14, v0;
	v16 =	vunpack.i.u.bf16.f32 v7;
	v7 =	vunpack.i.l.bf16.f32 v7;
	v18 =	vld [tilespmem:s26+$0xFFFFFFC0]  }
0xf5: {  	v14 =	vmul.bf16 v14, v1;
	v7 =	vadd.f32 v7, v16;
	v10 =	vmax.bf16 v10, v0;
	v16 =	vld [tilespmem:s28+$0xFFFFFFC0]  }
0xf6: {  	v5 =	vadd.f32 v6, v5;
	v6 =	vmul.bf16 v10, v2;
	v10 =	vadd.bf16 v13, v17;
	v13 =	vld [tilespmem:s26+$0xFFFFFFD0]  }
0xf7: {  	v8 =	vadd.f32 v8, v9;
	v9 =	vunpack.i.u.bf16.f32 v14;
	v7 =	vadd.f32 v7, v11;
	v11 =	vld [tilespmem:s28+$0xFFFFFFD0]  }
0xf8: {  	v14 =	vunpack.i.l.bf16.f32 v14;
	v17 =	vunpack.i.u.bf16.f32 v6;
	v10 =	vmax.bf16 v10, v0;
	v19 =	vld [tilespmem:s26+$0xFFFFFFE0]  }
0xf9: {  	v6 =	vunpack.i.l.bf16.f32 v6;
	v12 =	vadd.bf16 v15, v12;
	v10 =	vmul.bf16 v10, v1;
	v15 =	vld [tilespmem:s28+$0xFFFFFFE0]  }
0xfa: {  	v9 =	vadd.f32 v14, v9;
	v6 =	vadd.f32 v6, v17;
	v14 =	vld [tilespmem:s26+$0xFFFFFFF0]  }
0xfb: {  	v12 =	vmax.bf16 v12, v0;
	v16 =	vadd.bf16 v18, v16;
	v17 =	vunpack.i.u.bf16.f32 v10;
	v18 =	vld [tilespmem:s28+$0xFFFFFFF0]  }
0xfc: {  	v10 =	vunpack.i.l.bf16.f32 v10;
	v12 =	vmul.bf16 v12, v2;
	v11 =	vadd.bf16 v13, v11  }
0xfd: {  	v6 =	vadd.f32 v6, v9;
	v9 =	vadd.f32 v10, v17;
	v10 =	vmax.bf16 v16, v0;
	v13 =	vld [tilespmem:s26+$0x0]  }
0xfe: {  	v16 =	vunpack.i.u.bf16.f32 v12;
	v10 =	vmul.bf16 v10, v1;
	v11 =	vmax.bf16 v11, v0;
	v17 =	vld [tilespmem:s28+$0x0];
	(xrf2) =	vadd.scan.msk.f32 $0xffff, v3  }
0xff: {  	v3 =	vunpack.i.l.bf16.f32 v12;
	v12 =	vadd.bf16 v19, v15;
	v11 =	vmul.bf16 v11, v2;
	v15 =	vld [tilespmem:s26+$0x10]  }
0x100: {  	v3 =	vadd.f32 v3, v16;
	v16 =	vunpack.i.u.bf16.f32 v10;
	v14 =	vadd.bf16 v14, v18;
	v18 =	vld [tilespmem:s28+$0x10]  }
0x101: {  	v10 =	vunpack.i.l.bf16.f32 v10;
	v12 =	vmax.bf16 v12, v0;
	v19 =	vunpack.i.u.bf16.f32 v11;
	v20 =	vld [tilespmem:s26+$0x20];
	(xrf2) =	vadd.scan.msk.f32 $0xffff, v4  }
0x102: {  	v4 =	vunpack.i.l.bf16.f32 v11;
	v11 =	vmul.bf16 v12, v1;
	v12 =	vmax.bf16 v14, v0;
	v14 =	vld [tilespmem:s28+$0x20]  }
0x103: {  	v10 =	vadd.f32 v10, v16;
	v4 =	vadd.f32 v4, v19;
	v12 =	vmul.bf16 v12, v2  }
0x104: {  	v16 =	vunpack.i.u.bf16.f32 v11;
	v11 =	vunpack.i.l.bf16.f32 v11;
	v13 =	vadd.bf16 v13, v17;
	v17 =	vld [tilespmem:s26+$0x30];
	(xrf2) =	vadd.scan.msk.f32 $0xffff, v5  }
0x105: {  	v5 =	vadd.f32 v11, v16;
	v11 =	vunpack.i.u.bf16.f32 v12;
	v12 =	vunpack.i.l.bf16.f32 v12;
	v16 =	vld [tilespmem:s28+$0x30]  }
0x106: {  	v11 =	vadd.f32 v12, v11;
	v12 =	vmax.bf16 v13, v0;
	v13 =	vadd.bf16 v15, v18;
	v15 =	vld [tilespmem:s26+$0x40]  }
0x107: {  	v9 =	vadd.f32 v3, v9;
	v12 =	vmul.bf16 v12, v1;
	v14 =	vadd.bf16 v20, v14;
	v18 =	vld [tilespmem:s28+$0x40];
	(xrf2) =	vadd.scan.msk.f32 $0xffff, v8  }
0x108: {  	v8 =	vadd.f32 v4, v10;
	v10 =	vadd.f32 v11, v5;
	v4 =	vmax.bf16 v13, v0;
	v5 =	vld [tilespmem:s26+$0x50];
	v3, _, _ =	vpop (xrf2)  }
0x109: {  	v11 =	vunpack.i.u.bf16.f32 v12;
	v20 =	vmul.bf16 v4, v2;
	v13 =	vmax.bf16 v14, v0;
	v14 =	vld [tilespmem:s28+$0x50]  }
0x10a: {  	v12 =	vunpack.i.l.bf16.f32 v12;
	v13 =	vmul.bf16 v13, v1;
	v16 =	vadd.bf16 v17, v16;
	v17 =	vld [tilespmem:s26+$0x60];
	(xrf2) =	vadd.scan.msk.f32 $0xffff, v7  }
0x10b: {  	v7 =	vadd.f32 v12, v11;
	v11 =	vunpack.i.u.bf16.f32 v20;
	v12 =	vunpack.i.l.bf16.f32 v20;
	v19 =	vld [tilespmem:s28+$0x60];
	v4, _, _ =	vpop (xrf2)  }
0x10c: {  	v11 =	vadd.f32 v12, v11;
	v12 =	vunpack.i.u.bf16.f32 v13;
	v16 =	vmax.bf16 v16, v0;
	v20 =	vld [tilespmem:s26+$0x70]  }
0x10d: {  	v13 =	vunpack.i.l.bf16.f32 v13;
	v15 =	vadd.bf16 v15, v18;
	v16 =	vmul.bf16 v16, v2;
	v18 =	vld [tilespmem:s28+$0x70];
	(xrf2) =	vadd.scan.msk.f32 $0xffff, v6  }
0x10e: {  	v12 =	vadd.f32 v13, v12;
	v23 =	vadd.bf16 v5, v14;
	v13 =	vld [tilespmem:s26+$0x80];
	v5, _, _ =	vpop (xrf2)  }
0x10f: {  	v15 =	vmax.bf16 v15, v0;
	v14 =	vunpack.i.u.bf16.f32 v16;
	v16 =	vunpack.i.l.bf16.f32 v16;
	v21 =	vld [tilespmem:s28+$0x80]  }
0x110: {  	v15 =	vmul.bf16 v15, v1;
	v14 =	vadd.f32 v16, v14;
	v22 =	vmax.bf16 v23, v0;
	(xrf2) =	vadd.scan.msk.f32 $0xffff, v9  }
0x111: {  	v9 =	vadd.f32 v11, v7;
	v11 =	vadd.bf16 v17, v19;
	v22 =	vmul.bf16 v22, v2;
	v16 =	vld [tilespmem:s26+$0x90];
	v6, _, _ =	vpop (xrf2)  }
0x112: {  	v23 =	vadd.f32 v14, v12;
	v12 =	vunpack.i.u.bf16.f32 v15;
	v14 =	vunpack.i.l.bf16.f32 v15;
	v15 =	vld [tilespmem:s28+$0x90]  }
0x113: {  	v11 =	vmax.bf16 v11, v0;
	v18 =	vadd.bf16 v20, v18;
	v17 =	vunpack.i.u.bf16.f32 v22;
	(xrf2) =	vadd.scan.msk.f32 $0xffff, v8  }
0x114: {  	v8 =	vunpack.i.l.bf16.f32 v22;
	v11 =	vmul.bf16 v11, v1;
	v13 =	vadd.bf16 v13, v21;
	v19 =	vld [tilespmem:s26+$0xA0];
	v7, _, _ =	vpop (xrf2)  }
0x115: {  	v12 =	vadd.f32 v14, v12;
	v14 =	vadd.f32 v8, v17;
	v24 =	vmax.bf16 v18, v0;
	v17 =	vld [tilespmem:s28+$0xA0]  }
0x116: {  	v18 =	vunpack.i.u.bf16.f32 v11;
	v20 =	vmul.bf16 v24, v2;
	v22 =	vmax.bf16 v13, v0;
	(xrf2) =	vadd.scan.msk.f32 $0xffff, v10  }
0x117: {  	v13 =	vunpack.i.l.bf16.f32 v11;
	v21 =	vmul.bf16 v22, v1;
	v15 =	vadd.bf16 v16, v15;
	v11 =	vld [tilespmem:s26+$0xB0];
	v8, _, _ =	vpop (xrf2)  }
.Ltmp1:
0x118: {  	v10 =	vadd.f32 v14, v12;
	v12 =	vadd.f32 v13, v18;
	v16 =	vunpack.i.u.bf16.f32 v20;
	v14 =	vld [tilespmem:s28+$0xB0];
	(pc) =	sbr.rel @p0 .LBB2_4-.Ltmp1, $4  }
0x119: {  	v18 =	vunpack.i.l.bf16.f32 v20;
	v20 =	vunpack.i.u.bf16.f32 v21;
	v15 =	vmax.bf16 v15, v0;
	v13 =	vld [tilespmem:s26+$0xC0];
	(xrf2) =	vadd.scan.msk.f32 $0xffff, v9  }
0x11a: {  	v21 =	vunpack.i.l.bf16.f32 v21;
	v22 =	vmul.bf16 v15, v2;
	v24 =	vadd.bf16 v19, v17;
	v15 =	vld [tilespmem:s28+$0xC0];
	v9, _, _ =	vpop (xrf2)  }
0x11b: {  	v19 =	vadd.f32 v18, v16;
	v17 =	vadd.f32 v21, v20;
	v16 =	vld [tilespmem:s26+$0xD0]  }
0x11c: {  	s31 =	sadd.s32 $0x40, s31;
	v20 =	vunpack.i.u.bf16.f32 v22;
	v22 =	vunpack.i.l.bf16.f32 v22;
	v21 =	vmax.bf16 v24, v0;
	v18 =	vld [tilespmem:s28+$0xD0];
	(xrf2) =	vadd.scan.msk.f32 $0xffff, v23  }
0x11d: {  	_ =	sdelay $0x1  }
0x11e: {  	v20 =	vadd.f32 v22, v20;
	v11 =	vadd.bf16 v11, v14  }
0x11f: {  	v38 =	vmul.bf16 v21, v1;
	v12 =	vadd.f32 v19, v12;
	v13 =	vadd.bf16 v13, v15  }
0x120: {  	v39 =	vadd.f32 v20, v17;
	v11 =	vmax.bf16 v11, v0;
	v16 =	vadd.bf16 v16, v18  }
0x121: {  	v40 =	vunpack.i.u.bf16.f32 v38;
	v11 =	vmul.bf16 v11, v2;
	v13 =	vmax.bf16 v13, v0  }
0x122: {  	v14 =	vunpack.i.l.bf16.f32 v38;
	v13 =	vmul.bf16 v13, v1;
	v16 =	vmax.bf16 v16, v0  }
0x123: {  	v41 =	vunpack.i.u.bf16.f32 v11;
	v11 =	vunpack.i.l.bf16.f32 v11;
	v16 =	vmul.bf16 v16, v2  }
0x124: {  	v14 =	vadd.f32 v14, v40;
	v11 =	vadd.f32 v11, v41;
	v42 =	vunpack.i.u.bf16.f32 v13  }
0x125: {  	v13 =	vunpack.i.l.bf16.f32 v13;
	v43 =	vunpack.i.u.bf16.f32 v16;
	v16 =	vunpack.i.l.bf16.f32 v16  }
0x126: {  	(xrf2) =	vadd.scan.msk.f32 $0xffff, v10;
	v44 =	vadd.f32 v13, v42;
	v45 =	vadd.f32 v16, v43  }
0x127: {  	(xrf2) =	vadd.scan.msk.f32 $0xffff, v12;
	v11 =	vadd.f32 v11, v14  }
0x128: {  	(xrf2) =	vadd.scan.msk.f32 $0xffff, v39;
	v10 =	vadd.f32 v45, v44  }
0x129: {  	(xrf2) =	vadd.scan.msk.f32 $0xffff, v11  }
0x12a: {  	(xrf2) =	vadd.scan.msk.f32 $0xffff, v10  }
0x12b: {  	v4 =	vbroadcast v4, $0xF;
	v5 =	vbroadcast v5, $0xF  }
0x12c: {  	v6 =	vbroadcast v6, $0xF;
	v46, _, _ =	vpop (xrf2);
	v7 =	vbroadcast v7, $0xF  }
0x12d: {  	v8 =	vbroadcast v8, $0xF;
	v9 =	vbroadcast v9, $0xF;
	v4 =	vnsel vm0, $0x0, v4;
	v47, _, _ =	vpop (xrf2)  }
0x12e: {  	v5 =	vnsel vm1, $0x0, v5;
	v6 =	vnsel vm2, $0x0, v6;
	v7 =	vnsel vm3, $0x0, v7;
	v48, _, _ =	vpop (xrf2)  }
0x12f: {  	v52 =	vnsel vm4, $0x0, v8;
	v53 =	vnsel vm5, $0x0, v9;
	v4 =	vadd.f32 v5, v4;
	v49, _, _ =	vpop (xrf2)  }
0x130: {  	v50 =	vadd.f32 v7, v6;
	v54 =	vbroadcast v47, $0xF;
	v12 =	vbroadcast v48, $0xF;
	v51, _, _ =	vpop (xrf2)  }
0x131: {  	v7 =	vadd.f32 v53, v52;
	v13 =	vbroadcast v49, $0xF;
	v6 =	vbroadcast v51, $0xF;
	v55, _, _ =	vpop (xrf2)  }
0x132: {  	v9 =	vnsel vm7, $0x0, v54;
	v11 =	vbroadcast v55, $0xF;
	v10 =	vbroadcast v46, $0xF;
	v56, _, _ =	vpop (xrf2)  }
0x133: {  	v12 =	vnsel vm8, $0x0, v12;
	v58 =	vnsel vm9, $0x0, v13;
	v6 =	vnsel vm10, $0x0, v6;
	v57, _, _ =	vpop (xrf2)  }
0x134: {  	v8 =	vbroadcast v56, $0xF;
	v11 =	vnsel vm11, $0x0, v11;
	v10 =	vnsel vm6, $0x0, v10;
	v59, _, _ =	vpop (xrf2)  }
0x135: {  	v6 =	vadd.f32 v11, v6;
	v14 =	vbroadcast v57, $0xF;
	v13 =	vbroadcast v59, $0xF  }
0x136: {  	v3 =	vsel vm15, $0x0, v3;
	v9 =	vadd.f32 v9, v10;
	v10 =	vadd.f32 v58, v12  }
0x137: {  	v8 =	vnsel vm12, $0x0, v8;
	v60 =	vnsel vm13, $0x0, v14;
	v61 =	vnsel vm14, $0x0, v13  }
0x138: {  	v8 =	vadd.f32 v60, v8;
	v3 =	vadd.f32 v3, v61  }
0x139: {  	v4 =	vadd.f32 v50, v4;
	v62 =	vadd.f32 v9, v7  }
0x13a: {  	s0 =	sshra.s32 s30, $0x2;
	v6 =	vadd.f32 v6, v10;
	v3 =	vadd.f32 v3, v8  }
0x13b: {  	v63 =	vld [tilespmem:s0+$0xCFD0]  }
0x13c: {  	v4 =	vadd.f32 v62, v4;
	v3 =	vadd.f32 v3, v6;
	_ =	sdelay $0x1  }
0x13d: {  	v3 =	vadd.f32 v3, v4;
	_ =	sdelay $0x1  }
0x13e: {  	v3 =	vadd.f32 v3, v63;
	_ =	sdelay $0x1  }
0x13f: {  	v3 =	vsub.f32 $0.0e+00, v3;
	_ =	sdelay $0x1  }
0x140: {  	v3 =	vmul.f32 $1.442695020e+00, v3;
	_ =	sdelay $0x1  }
0x141: {  	(erf) = vpow2.f32 v3;
	_ =	sdelay $0x8  }
0x142: {  	v3 =	vpop (erf)  }
0x143: {  	v3 =	vadd.f32 $1.000000000e+00, v3;
	_ =	sdelay $0x1  }
0x144: {  	(erf) = vrcp.f32 v3;
	_ =	sdelay $0x5  }
0x145: {  	s25 =	sor.u32 $0x1, s25  }
0x146: {  	p0 =	sgt.u32 s25, $0x18  }
.Ltmp2:
0x147: {  	_ = 	snop;
	(pc) =	sbr.rel @p0 .LBB2_7-.Ltmp2, $4  }
0x148: {  	v3 =	vpop (erf)  }
0x149: {  	s26 =	sshrl.u32 s29, $0x3;
	v3 =	vmax.f32 v3, $0.0e+00  }
0x14a: {  	s31 =	simm.s32 $0xD2F0;
	s30 =	sadd.s32 s1, s26;
	[tilespmem:s0+$0xD2F0] =	vst v3  }
0x14b: {  	[hbm4b:s30+s3] =	stream.linear.scatter [tilespmem:s31], [sflag:$0x6], $0x190, $0x38;
	[tilespmem:$0xD4A0] =	vst v63  }
.LBB2_6:
0x14c: {  	_ =	swait.ge [sflag:s16], $0x320  }
0x14d: {  	[sflag:s16] =	ssyncset.done $0x0  }
0x14e: {  	s0 =	simm.s32 $0x320;
	s26 =	simm.s32 $0x3840;
	[sflag:s16] =	ssyncadd.s32 $0xFFFFFCE0  }
0x14f: {  	[tilespmem:s26], [sflag:$0x4] =	stream.indirect.gather [hbm4b:s4+s18], $0x20, s0, s18, $0xb8;
	[tilespmem:$0xD4A0] =	vst v63  }
0x150: {  	s30 =	simm.s32 $0x4B0;
	s31 =	simm.s32 $0x9C40  }
0x151: {  	[tilespmem:s31], [sflag:$0x4] =	stream.indirect.gather [hbm4b:s5+s18], $0x20, s30, s18, $0xb8;
	[tilespmem:$0xD4A0] =	vst v63  }
0x152: {  	s28 =	simm.s32 $0x370;
	s29 =	simm.s32 $0x4240  }
0x153: {  	[tilespmem:s29], [sflag:$0x4] =	stream.indirect.gather [hbm4b:s4+s18], $0x20, s28, s18, $0xb8;
	[tilespmem:$0xD4A0] =	vst v63  }
0x154: {  	s30 =	simm.s32 $0x500;
	s31 =	simm.s32 $0xA640  }
0x155: {  	[tilespmem:s31], [sflag:$0x4] =	stream.indirect.gather [hbm4b:s5+s18], $0x20, s30, s18, $0xb8;
	[tilespmem:$0xD4A0] =	vst v63  }
0x156: {  	s28 =	simm.s32 $0x3C0;
	s29 =	simm.s32 $0x4C40  }
0x157: {  	[tilespmem:s29], [sflag:$0x4] =	stream.indirect.gather [hbm4b:s4+s18], $0x20, s28, s18, $0xb8;
	[tilespmem:$0xD4A0] =	vst v63  }
0x158: {  	s30 =	simm.s32 $0x550;
	s31 =	simm.s32 $0xB040  }
0x159: {  	[tilespmem:s31], [sflag:$0x4] =	stream.indirect.gather [hbm4b:s5+s18], $0x20, s30, s18, $0xb8;
	[tilespmem:$0xD4A0] =	vst v63  }
0x15a: {  	s28 =	simm.s32 $0x410;
	s29 =	simm.s32 $0x5640  }
0x15b: {  	[tilespmem:s29], [sflag:$0x4] =	stream.indirect.gather [hbm4b:s4+s18], $0x20, s28, s18, $0xb8;
	[tilespmem:$0xD4A0] =	vst v63  }
0x15c: {  	s30 =	simm.s32 $0x5A0;
	s31 =	simm.s32 $0xBA40;
	s29 =	smul.u32 $0x190, s25  }
0x15d: {  	[tilespmem:s31], [sflag:$0x4] =	stream.indirect.gather [hbm4b:s5+s18], $0x20, s30, s18, $0xb8;
	[tilespmem:$0xD4A0] =	vst v63  }
0x15e: {  	s26 =	simm.s32 $0x460;
	s28 =	simm.s32 $0x6040;
	s0 =	sadd.s32 s9, s29  }
0x15f: {  	[tilespmem:s28], [sflag:$0x4] =	stream.indirect.gather [hbm4b:s4+s18], $0x20, s26, s18, $0xb8;
	[tilespmem:$0xD4A0] =	vst v63  }
0x160: {  	s30 =	simm.s32 $0x5F0;
	s0 =	sshrl.u32 s0, $0x3;
	s28 =	simm.s32 $0xC440  }
0x161: {  	[tilespmem:s28], [sflag:$0x4] =	stream.indirect.gather [hbm4b:s5+s18], $0x20, s30, s18, $0xb8;
	[tilespmem:$0xD4A0] =	vst v63  }
0x162: {  	s31 =	simm.s32 $0xCFD0;
	s0 =	sadd.s32 s7, s0  }
0x163: {  	[tilespmem:s31], [sflag:$0x4] =	stream.linear.gather [hbm4b:s0+s3], $0x190, $0x38;
	[tilespmem:$0xD4A0] =	vst v63  }
.LBB2_7:
0x164: {  	_ =	swait.ge [sflag:s17], $0xA00  }
0x165: {  	[sflag:s17] =	ssyncset.done $0x0  }
0x166: {  	[sflag:s17] =	ssyncadd.s32 $0xFFFFF600  }
0x167: {  	_ =	swait.ge [sflag:s17], $0xA00  }
0x168: {  	[sflag:s17] =	ssyncset.done $0x0  }
0x169: {  	[sflag:s17] =	ssyncadd.s32 $0xFFFFF600  }
0x16a: {  	_ =	swait.ge [sflag:s17], $0xA00  }
0x16b: {  	[sflag:s17] =	ssyncset.done $0x0  }
0x16c: {  	[sflag:s17] =	ssyncadd.s32 $0xFFFFF600  }
0x16d: {  	_ =	swait.ge [sflag:s17], $0xA00  }
0x16e: {  	[sflag:s17] =	ssyncset.done $0x0  }
0x16f: {  	[sflag:s17] =	ssyncadd.s32 $0xFFFFF600  }
0x170: {  	_ =	swait.ge [sflag:s17], $0xA00  }
0x171: {  	[sflag:s17] =	ssyncset.done $0x0  }
0x172: {  	[sflag:s17] =	ssyncadd.s32 $0xFFFFF600  }
0x173: {  	_ =	swait.ge [sflag:s17], $0xA00  }
0x174: {  	[sflag:s17] =	ssyncset.done $0x0  }
0x175: {  	[sflag:s17] =	ssyncadd.s32 $0xFFFFF600  }
0x176: {  	_ =	swait.ge [sflag:s17], $0xA00  }
0x177: {  	[sflag:s17] =	ssyncset.done $0x0  }
0x178: {  	[sflag:s17] =	ssyncadd.s32 $0xFFFFF600  }
0x179: {  	_ =	swait.ge [sflag:s17], $0xA00  }
0x17a: {  	[sflag:s17] =	ssyncset.done $0x0  }
0x17b: {  	[sflag:s17] =	ssyncadd.s32 $0xFFFFF600  }
0x17c: {  	_ =	swait.ge [sflag:s17], $0xA00  }
0x17d: {  	[sflag:s17] =	ssyncset.done $0x0  }
0x17e: {  	p0 =	seq.s32 s23, $0xC;
	[sflag:s17] =	ssyncadd.s32 $0xFFFFF600  }
0x17f: {  	s0 =	sadd.s32 @!p0 s10, s25;
	_ =	swait.ge [sflag:s17], $0xA00  }
0x180: {  	s0 =	smul.u32 @!p0 $0x320, s0;
	[sflag:s17] =	ssyncset.done $0x0  }
0x181: {  	[sflag:s17] =	ssyncadd.s32 $0xFFFFF600  }
0x182: {  	s0 =	sshrl.u32 @!p0 s0, $0x3;
	_ =	swait.ge [sflag:s17], $0x190  }
0x183: {  	p1 =	seq.s32 @!p0 s23, $0x0;
	s0 =	sadd.s32 @!p0 s6, s0;
	[sflag:s17] =	ssyncset.done $0x0  }
0x184: {  	s25 =	simm.s32 @!p0 $0x0;
	s0 =	sadd.s32 @!p0 $0x64, s0;
	[sflag:s17] =	ssyncadd.s32 $0xFFFFFE70  }
0x185: {  	[tilespmem:s25], [sflag:$0x1] =	stream.linear.gather @!p0 [hbm4b:s0+s25], $0x320, $0x38;
	[tilespmem:$0xD4A0] =	vst v63  }
0x186: {  	p0 =	por p0, !p1  }
0x187: {  	_ =	swait.ge @p0 [sflag:s20], $0x190  }
0x188: {  	[sflag:s20] =	ssyncset.done @p0 $0x0  }
0x189: {  	s25 =	simm.s32 $0x6B40;
	[sflag:s20] =	ssyncadd.s32 @p0 $0xFFFFFE70  }
0x18a: {  	s26 =	simm.s32 $0x740;
	v3 =	vld [tilespmem:s25+$0xE0]  }
0x18b: {  	v4 =	vld [tilespmem:s26+$0xE0]  }
0x18c: {  	v5 =	vld [tilespmem:s25+$0xF0]  }
0x18d: {  	v6 =	vld [tilespmem:s26+$0xF0]  }
0x18e: {  	v7 =	vld [tilespmem:s25+$0xFFFFFF00]  }
0x18f: {  	v8 =	vld [tilespmem:s26+$0xFFFFFF00]  }
0x190: {  	v9 =	vld [tilespmem:s25+$0xFFFFFF10]  }
0x191: {  	v10 =	vld [tilespmem:s25+$0xFFFFFF20]  }
0x192: {  	v11 =	vld [tilespmem:s26+$0xFFFFFF30]  }
0x193: {  	v3 =	vadd.bf16 v3, v4;
	v4 =	vld [tilespmem:s26+$0xFFFFFF10]  }
0x194: {  	v5 =	vadd.bf16 v5, v6;
	v6 =	vadd.bf16 v7, v8;
	v7 =	vld [tilespmem:s26+$0xFFFFFF20]  }
0x195: {  	v8 =	vld [tilespmem:s25+$0xFFFFFF30]  }
0x196: {  	v13 =	vld [tilespmem:s26+$0xFFFFFF40];
	v3 =	vmax.bf16 v3, v0  }
0x197: {  	v15 =	vld [tilespmem:s25+$0xFFFFFF50];
	v5 =	vmax.bf16 v5, v0;
	v6 =	vmax.bf16 v6, v0;
	v3 =	vmul.bf16 v3, v1  }
0x198: {  	v5 =	vmul.bf16 v5, v2;
	v6 =	vmul.bf16 v6, v1;
	v4 =	vadd.bf16 v9, v4;
	v9 =	vld [tilespmem:s25+$0xFFFFFF40]  }
0x199: {  	v12 =	vunpack.i.u.bf16.f32 v3;
	v3 =	vunpack.i.l.bf16.f32 v3;
	v7 =	vadd.bf16 v10, v7;
	v10 =	vld [tilespmem:s26+$0xFFFFFF50]  }
0x19a: {  	v14 =	vunpack.i.u.bf16.f32 v6;
	v6 =	vunpack.i.l.bf16.f32 v6;
	v8 =	vadd.bf16 v8, v11;
	v11 =	vld [tilespmem:s25+$0xFFFFFF60]  }
0x19b: {  	v3 =	vadd.f32 v3, v12;
	v6 =	vadd.f32 v6, v14;
	v14 =	vld [tilespmem:s26+$0xFFFFFF60];
	v4 =	vmax.bf16 v4, v0  }
0x19c: {  	v12 =	vunpack.i.u.bf16.f32 v5;
	v5 =	vunpack.i.l.bf16.f32 v5;
	v4 =	vmul.bf16 v4, v2  }
0x19d: {  	v5 =	vadd.f32 v5, v12;
	v7 =	vmax.bf16 v7, v0  }
0x19e: {  	v7 =	vmul.bf16 v7, v1;
	v12 =	vunpack.i.u.bf16.f32 v4;
	v4 =	vunpack.i.l.bf16.f32 v4  }
0x19f: {  	v9 =	vadd.bf16 v9, v13;
	v12 =	vadd.f32 v4, v12;
	v4 =	vmax.bf16 v8, v0  }
0x1a0: {  	v13 =	vld [tilespmem:s25+$0xFFFFFF70];
	v10 =	vadd.bf16 v15, v10;
	v11 =	vadd.bf16 v11, v14;
	v8 =	vmul.bf16 v4, v2  }
0x1a1: {  	v15 =	vld [tilespmem:s25+$0xFFFFFF80];
	v4 =	vadd.f32 v5, v3;
	v5 =	vunpack.i.u.bf16.f32 v7;
	v9 =	vmax.bf16 v9, v0  }
0x1a2: {  	v3 =	vadd.f32 v12, v6;
	v6 =	vunpack.i.l.bf16.f32 v7;
	v7 =	vld [tilespmem:s26+$0xFFFFFF70];
	v9 =	vmul.bf16 v9, v1  }
0x1a3: {  	v14 =	vld [tilespmem:s26+$0xFFFFFF80];
	v11 =	vmax.bf16 v11, v0;
	v12 =	vunpack.i.u.bf16.f32 v8;
	v8 =	vunpack.i.l.bf16.f32 v8  }
0x1a4: {  	v16 =	vld [tilespmem:s26+$0xFFFFFF90];
	v5 =	vadd.f32 v6, v5;
	v6 =	vadd.f32 v8, v12;
	v8 =	vmax.bf16 v10, v0  }
0x1a5: {  	v10 =	vld [tilespmem:s25+$0xFFFFFF90];
	v12 =	vunpack.i.u.bf16.f32 v9;
	v9 =	vunpack.i.l.bf16.f32 v9;
	v8 =	vmul.bf16 v8, v2  }
0x1a6: {  	v11 =	vmul.bf16 v11, v1;
	v9 =	vadd.f32 v9, v12  }
0x1a7: {  	v17 =	vld [tilespmem:s26+$0xFFFFFFA0];
	v7 =	vadd.bf16 v13, v7;
	v12 =	vunpack.i.u.bf16.f32 v8;
	v8 =	vunpack.i.l.bf16.f32 v8  }
0x1a8: {  	v14 =	vadd.bf16 v15, v14;
	v13 =	vld [tilespmem:s25+$0xFFFFFFA0];
	v8 =	vadd.f32 v8, v12  }
0x1a9: {  	v15 =	vld [tilespmem:s25+$0xFFFFFFB0];
	v12 =	vunpack.i.u.bf16.f32 v11;
	v11 =	vunpack.i.l.bf16.f32 v11;
	v7 =	vmax.bf16 v7, v0  }
0x1aa: {  	v11 =	vadd.f32 v11, v12;
	v10 =	vadd.bf16 v10, v16;
	v12 =	vld [tilespmem:s26+$0xFFFFFFB0];
	v7 =	vmul.bf16 v7, v2  }
0x1ab: {  	v18 =	vld [tilespmem:s25+$0xFFFFFFC0];
	v5 =	vadd.f32 v6, v5;
	v14 =	vmax.bf16 v14, v0  }
0x1ac: {  	v19 =	vld [tilespmem:s25+$0xFFFFFFE0];
	v14 =	vmul.bf16 v14, v1;
	v10 =	vmax.bf16 v10, v0;
	v16 =	vunpack.i.u.bf16.f32 v7  }
0x1ad: {  	v7 =	vunpack.i.l.bf16.f32 v7;
	v6 =	vmul.bf16 v10, v2;
	v10 =	vadd.bf16 v13, v17;
	v13 =	vld [tilespmem:s25+$0xFFFFFFD0]  }
0x1ae: {  	v8 =	vadd.f32 v8, v9;
	v9 =	vunpack.i.u.bf16.f32 v14;
	v7 =	vadd.f32 v7, v16;
	v16 =	vld [tilespmem:s26+$0xFFFFFFC0]  }
0x1af: {  	v14 =	vunpack.i.l.bf16.f32 v14;
	v17 =	vunpack.i.u.bf16.f32 v6;
	v12 =	vadd.bf16 v15, v12;
	v15 =	vld [tilespmem:s26+$0xFFFFFFE0]  }
0x1b0: {  	v10 =	vmax.bf16 v10, v0;
	v6 =	vunpack.i.l.bf16.f32 v6;
	v7 =	vadd.f32 v7, v11;
	v11 =	vld [tilespmem:s26+$0xFFFFFFD0]  }
0x1b1: {  	v9 =	vadd.f32 v14, v9;
	v10 =	vmul.bf16 v10, v1;
	v6 =	vadd.f32 v6, v17  }
0x1b2: {  	v12 =	vmax.bf16 v12, v0  }
0x1b3: {  	v14 =	vld [tilespmem:s25+$0xFFFFFFF0];
	v17 =	vunpack.i.u.bf16.f32 v10;
	v10 =	vunpack.i.l.bf16.f32 v10;
	v6 =	vadd.f32 v6, v9  }
0x1b4: {  	v12 =	vmul.bf16 v12, v2;
	v16 =	vadd.bf16 v18, v16;
	v18 =	vld [tilespmem:s26+$0xFFFFFFF0];
	v9 =	vadd.f32 v10, v17  }
0x1b5: {  	v15 =	vadd.bf16 v19, v15;
	v11 =	vadd.bf16 v13, v11  }
0x1b6: {  	v17 =	vld [tilespmem:s26+$0x0];
	v10 =	vmax.bf16 v16, v0;
	v16 =	vunpack.i.u.bf16.f32 v12;
	v12 =	vunpack.i.l.bf16.f32 v12  }
0x1b7: {  	v13 =	vld [tilespmem:s25+$0x0];
	v10 =	vmul.bf16 v10, v1;
	v15 =	vmax.bf16 v15, v0;
	v11 =	vmax.bf16 v11, v0  }
0x1b8: {  	v21 =	vld [tilespmem:s25+$0x20];
	v12 =	vadd.f32 v12, v16;
	v15 =	vmul.bf16 v15, v1;
	v11 =	vmul.bf16 v11, v2  }
0x1b9: {  	v22 =	vld [tilespmem:s26+$0x20];
	v16 =	vunpack.i.u.bf16.f32 v10;
	v14 =	vadd.bf16 v14, v18;
	v10 =	vunpack.i.l.bf16.f32 v10  }
0x1ba: {  	v19 =	vld [tilespmem:s25+$0x10];
	v9 =	vadd.f32 v12, v9;
	v10 =	vadd.f32 v10, v16;
	v16 =	vunpack.i.u.bf16.f32 v15  }
0x1bb: {  	v18 =	vld [tilespmem:s26+$0x10];
	v15 =	vunpack.i.l.bf16.f32 v15;
	v20 =	vunpack.i.u.bf16.f32 v11;
	v14 =	vmax.bf16 v14, v0  }
0x1bc: {  	v11 =	vunpack.i.l.bf16.f32 v11;
	v13 =	vadd.bf16 v13, v17;
	v14 =	vmul.bf16 v14, v2  }
0x1bd: {  	v15 =	vadd.f32 v15, v16;
	v11 =	vadd.f32 v11, v20  }
0x1be: {  	v17 =	vld [tilespmem:s25+$0x30];
	v13 =	vmax.bf16 v13, v0;
	v16 =	vunpack.i.u.bf16.f32 v14;
	v14 =	vunpack.i.l.bf16.f32 v14  }
0x1bf: {  	v20 =	vld [tilespmem:s26+$0x30];
	v12 =	vmul.bf16 v13, v1;
	v13 =	vadd.bf16 v21, v22;
	v21 =	vadd.f32 v11, v10  }
0x1c0: {  	v11 =	vld [tilespmem:s25+$0x50];
	v14 =	vadd.f32 v14, v16;
	v16 =	vadd.bf16 v19, v18  }
0x1c1: {  	v18 =	vld [tilespmem:s25+$0x40]  }
0x1c2: {  	v19 =	vld [tilespmem:s26+$0x40];
	v13 =	vmax.bf16 v13, v0;
	v10 =	vmax.bf16 v16, v0  }
0x1c3: {  	v15 =	vadd.f32 v14, v15;
	v14 =	vunpack.i.u.bf16.f32 v12;
	v16 =	vld [tilespmem:s26+$0x50];
	v10 =	vmul.bf16 v10, v2  }
0x1c4: {  	v12 =	vunpack.i.l.bf16.f32 v12;
	v13 =	vmul.bf16 v13, v1;
	v17 =	vadd.bf16 v17, v20  }
0x1c5: {  	(xrf2) =	vadd.scan.msk.f32 $0xffff, v4;
	v22 =	vld [tilespmem:s26+$0x60];
	v12 =	vadd.f32 v12, v14;
	v14 =	vunpack.i.u.bf16.f32 v10;
	v10 =	vunpack.i.l.bf16.f32 v10  }
0x1c6: {  	(xrf2) =	vadd.scan.msk.f32 $0xffff, v3;
	v20 =	vld [tilespmem:s25+$0x60];
	v3 =	vunpack.i.l.bf16.f32 v13;
	v4 =	vadd.f32 v10, v14;
	v14 =	vmax.bf16 v17, v0  }
0x1c7: {  	(xrf2) =	vadd.scan.msk.f32 $0xffff, v5;
	v10 =	vunpack.i.u.bf16.f32 v13;
	v17 =	vld [tilespmem:s25+$0x70];
	v13 =	vmul.bf16 v14, v2;
	v14 =	vadd.bf16 v18, v19  }
0x1c8: {  	(xrf2) =	vadd.scan.msk.f32 $0xffff, v8;
	v18 =	vld [tilespmem:s26+$0x70];
	v3 =	vadd.f32 v3, v10;
	v5 =	vadd.bf16 v11, v16  }
0x1c9: {  	(xrf2) =	vadd.scan.msk.f32 $0xffff, v7;
	v8 =	vunpack.i.u.bf16.f32 v13;
	v11 =	vunpack.i.l.bf16.f32 v13;
	v13 =	vmax.bf16 v14, v0  }
0x1ca: {  	(xrf2) =	vadd.scan.msk.f32 $0xffff, v6;
	v6 =	vld [tilespmem:s25+$0x90];
	v5 =	vmax.bf16 v5, v0;
	v7 =	vadd.f32 v11, v8;
	v8 =	vmul.bf16 v13, v1  }
0x1cb: {  	v10 =	vld [tilespmem:s25+$0x80];
	v16 =	vadd.f32 v4, v12;
	v4 =	vmul.bf16 v5, v2;
	v5 =	vadd.bf16 v20, v22  }
0x1cc: {  	v14 =	vld [tilespmem:s26+$0x80];
	v23 =	vadd.f32 v7, v3;
	v3 =	vunpack.i.u.bf16.f32 v8  }
0x1cd: {  	v7 =	vunpack.i.l.bf16.f32 v8;
	v8 =	vld [tilespmem:s26+$0x90];
	v5 =	vmax.bf16 v5, v0;
	v11 =	vadd.bf16 v17, v18  }
0x1ce: {  	(xrf2) =	vadd.scan.msk.f32 $0xffff, v9;
	v9 =	vunpack.i.u.bf16.f32 v4;
	v4 =	vunpack.i.l.bf16.f32 v4;
	v5 =	vmul.bf16 v5, v1  }
0x1cf: {  	v17 =	vld [tilespmem:s25+$0xA0];
	v7 =	vadd.f32 v7, v3;
	v9 =	vadd.f32 v4, v9;
	v4 =	vmax.bf16 v11, v0;
	v3, _, _ =	vpop (xrf2);
	(xrf2) =	vadd.scan.msk.f32 $0xffff, v21  }
0x1d0: {  	v18 =	vld [tilespmem:s26+$0xA0]  }
0x1d1: {  	v10 =	vadd.bf16 v10, v14;
	v12 =	vunpack.i.u.bf16.f32 v5  }
0x1d2: {  	v13 =	vmul.bf16 v4, v2;
	v14 =	vunpack.i.l.bf16.f32 v5;
	v4, _, _ =	vpop (xrf2);
	v8 =	vadd.bf16 v6, v8;
	(xrf2) =	vadd.scan.msk.f32 $0xffff, v15  }
0x1d3: {  	v11 =	vld [tilespmem:s25+$0xB0];
	v10 =	vmax.bf16 v10, v0;
	v12 =	vadd.f32 v14, v12  }
0x1d4: {  	v14 =	vld [tilespmem:s26+$0xB0];
	v19 =	vmul.bf16 v10, v1;
	v10 =	vadd.f32 v9, v7;
	v5, _, _ =	vpop (xrf2);
	v8 =	vmax.bf16 v8, v0  }
0x1d5: {  	v9 =	vunpack.i.u.bf16.f32 v13;
	v20 =	vunpack.i.l.bf16.f32 v13;
	v13 =	vld [tilespmem:s25+$0xC0];
	v18 =	vadd.bf16 v17, v18;
	(xrf2) =	vadd.scan.msk.f32 $0xffff, v16;
	v6, _, _ =	vpop (xrf2)  }
0x1d6: {  	v15 =	vld [tilespmem:s26+$0xC0];
	v21 =	vunpack.i.u.bf16.f32 v19;
	v22 =	vunpack.i.l.bf16.f32 v19;
	v7, _, _ =	vpop (xrf2);
	v24 =	vmul.bf16 v8, v2  }
0x1d7: {  	v16 =	vld [tilespmem:s25+$0xD0];
	v19 =	vadd.f32 v20, v9;
	v17 =	vadd.f32 v22, v21;
	v8, _, _ =	vpop (xrf2)  }
0x1d8: {  	s28 =	simm.s32 $0x0;
	s29 =	simm.s32 $0x40;
	(xrf2) =	vadd.scan.msk.f32 $0xffff, v23;
	v21 =	vmax.bf16 v18, v0;
	v18 =	vld [tilespmem:s26+$0xD0];
	v20 =	vunpack.i.u.bf16.f32 v24;
	v22 =	vunpack.i.l.bf16.f32 v24;
	v9, _, _ =	vpop (xrf2)  }
.LBB2_8:
0x1d9: {  	p0 =	sne.s32 s29, $0x600;
	v20 =	vadd.f32 v22, v20;
	v21 =	vmul.bf16 v21, v1;
	v11 =	vadd.bf16 v11, v14;
	v14, _, _ =	vpop (xrf2)  }
0x1da: {  	v12 =	vadd.f32 v19, v12  }
0x1db: {  	v17 =	vadd.f32 v20, v17;
	v19 =	vunpack.i.u.bf16.f32 v21;
	v11 =	vmax.bf16 v11, v0;
	(xrf2) =	vadd.scan.msk.f32 $0xffff, v10  }
0x1dc: {  	v10 =	vunpack.i.l.bf16.f32 v21;
	v13 =	vadd.bf16 v13, v15;
	v11 =	vmul.bf16 v11, v2;
	v15, _, _ =	vpop (xrf2)  }
0x1dd: {  	v10 =	vadd.f32 v10, v19;
	v19 =	vadd.bf16 v16, v18  }
0x1de: {  	v13 =	vmax.bf16 v13, v0;
	v18 =	vunpack.i.u.bf16.f32 v11;
	v11 =	vunpack.i.l.bf16.f32 v11;
	(xrf2) =	vadd.scan.msk.f32 $0xffff, v12  }
0x1df: {  	v12 =	vmul.bf16 v13, v1;
	v11 =	vadd.f32 v11, v18;
	v13 =	vmax.bf16 v19, v0;
	v16, _, _ =	vpop (xrf2)  }
0x1e0: {  	v13 =	vmul.bf16 v13, v2  }
0x1e1: {  	v10 =	vadd.f32 v11, v10;
	v11 =	vunpack.i.u.bf16.f32 v12;
	(xrf2) =	vadd.scan.msk.f32 $0xffff, v17  }
0x1e2: {  	v12 =	vunpack.i.l.bf16.f32 v12;
	v17 =	vunpack.i.u.bf16.f32 v13;
	v13 =	vunpack.i.l.bf16.f32 v13;
	v18, _, _ =	vpop (xrf2)  }
0x1e3: {  	v19 =	vadd.f32 v12, v11;
	v12 =	vadd.f32 v13, v17  }
0x1e4: {  	(xrf2) =	vadd.scan.msk.f32 $0xffff, v10  }
0x1e5: {  	v12 =	vadd.f32 v12, v19;
	v11, _, _ =	vpop (xrf2);
	_ =	sdelay $0x1  }
0x1e6: {  	v4 =	vbroadcast v4, $0xF;
	(xrf2) =	vadd.scan.msk.f32 $0xffff, v12  }
0x1e7: {  	v5 =	vbroadcast v5, $0xF;
	v6 =	vbroadcast v6, $0xF;
	v10, _, _ =	vpop (xrf2)  }
0x1e8: {  	v7 =	vbroadcast v7, $0xF  }
0x1e9: {  	v4 =	vnsel vm0, $0x0, v4;
	v5 =	vnsel vm1, $0x0, v5;
	v6 =	vnsel vm2, $0x0, v6  }
0x1ea: {  	v8 =	vbroadcast v8, $0xF;
	v9 =	vbroadcast v9, $0xF;
	v7 =	vnsel vm3, $0x0, v7;
	v12, _, _ =	vpop (xrf2)  }
0x1eb: {  	v4 =	vadd.f32 v5, v4;
	v5 =	vadd.f32 v7, v6;
	v13 =	vbroadcast v14, $0xF  }
0x1ec: {  	v6 =	vnsel vm4, $0x0, v8;
	v8 =	vbroadcast v15, $0xF;
	v14 =	vnsel vm5, $0x0, v9  }
0x1ed: {  	v6 =	vadd.f32 v14, v6;
	v9 =	vnsel vm6, $0x0, v13;
	v13 =	vbroadcast v16, $0xF;
	v7, _, _ =	vpop (xrf2)  }
0x1ee: {  	v8 =	vnsel vm7, $0x0, v8;
	v15 =	vbroadcast v18, $0xF;
	v11 =	vbroadcast v11, $0xF  }
0x1ef: {  	v8 =	vadd.f32 v8, v9;
	v13 =	vnsel vm8, $0x0, v13;
	v10 =	vbroadcast v10, $0xF  }
0x1f0: {  	v9 =	vnsel vm9, $0x0, v15;
	v11 =	vnsel vm10, $0x0, v11;
	v12 =	vbroadcast v12, $0xF;
	v14, _, _ =	vpop (xrf2)  }
0x1f1: {  	v10 =	vnsel vm11, $0x0, v10;
	v7 =	vbroadcast v7, $0xF;
	v14 =	vbroadcast v14, $0xF  }
0x1f2: {  	v3 =	vsel vm15, $0x0, v3;
	v9 =	vadd.f32 v9, v13;
	v10 =	vadd.f32 v10, v11  }
0x1f3: {  	v11 =	vnsel vm12, $0x0, v12;
	v7 =	vnsel vm13, $0x0, v7;
	v12 =	vnsel vm14, $0x0, v14  }
0x1f4: {  	v7 =	vadd.f32 v7, v11;
	v3 =	vadd.f32 v3, v12  }
0x1f5: {  	v4 =	vadd.f32 v5, v4;
	v5 =	vadd.f32 v8, v6  }
0x1f6: {  	s0 =	sshra.s32 s28, $0x2;
	s28 =	smov.u32 s29;
	v6 =	vadd.f32 v10, v9;
	v3 =	vadd.f32 v3, v7  }
0x1f7: {  	v7 =	vld [tilespmem:s0+$0xCE40]  }
0x1f8: {  	v4 =	vadd.f32 v5, v4;
	v3 =	vadd.f32 v3, v6;
	_ =	sdelay $0x1  }
0x1f9: {  	v3 =	vadd.f32 v3, v4;
	_ =	sdelay $0x1  }
0x1fa: {  	v3 =	vadd.f32 v3, v7;
	_ =	sdelay $0x1  }
0x1fb: {  	v3 =	vsub.f32 $0.0e+00, v3;
	_ =	sdelay $0x1  }
0x1fc: {  	v3 =	vmul.f32 $1.442695020e+00, v3;
	_ =	sdelay $0x1  }
0x1fd: {  	(erf) = vpow2.f32 v3;
	_ =	sdelay $0x8  }
0x1fe: {  	v3 =	vpop (erf)  }
0x1ff: {  	v3 =	vadd.f32 $1.000000000e+00, v3;
	_ =	sdelay $0x1  }
0x200: {  	(erf) = vrcp.f32 v3;
	_ =	sdelay $0x8  }
0x201: {  	v3 =	vpop (erf)  }
0x202: {  	v3 =	vmax.f32 v3, $0.0e+00  }
0x203: {  	s25 =	sadd.s32 $0x200, s25;
	[tilespmem:s0+$0xD160] =	vst v3  }
0x204: {  	s26 =	sadd.s32 $0x200, s26;
	v3 =	vld [tilespmem:s25+$0xE0]  }
0x205: {  	v4 =	vld [tilespmem:s26+$0xE0]  }
0x206: {  	v5 =	vld [tilespmem:s25+$0xF0]  }
0x207: {  	v6 =	vld [tilespmem:s26+$0xF0]  }
0x208: {  	v7 =	vld [tilespmem:s25+$0xFFFFFF00]  }
0x209: {  	v8 =	vld [tilespmem:s26+$0xFFFFFF00];
	_ =	sdelay $0x1  }
0x20a: {  	v3 =	vadd.bf16 v3, v4;
	v9 =	vld [tilespmem:s25+$0xFFFFFF10]  }
0x20b: {  	v4 =	vld [tilespmem:s26+$0xFFFFFF10]  }
0x20c: {  	v3 =	vmax.bf16 v3, v0;
	v5 =	vadd.bf16 v5, v6;
	v10 =	vld [tilespmem:s25+$0xFFFFFF20]  }
0x20d: {  	v3 =	vmul.bf16 v3, v1;
	v6 =	vadd.bf16 v7, v8;
	v7 =	vld [tilespmem:s26+$0xFFFFFF20]  }
0x20e: {  	v5 =	vmax.bf16 v5, v0;
	v8 =	vld [tilespmem:s25+$0xFFFFFF30]  }
0x20f: {  	v12 =	vunpack.i.u.bf16.f32 v3;
	v5 =	vmul.bf16 v5, v2;
	v6 =	vmax.bf16 v6, v0;
	v11 =	vld [tilespmem:s26+$0xFFFFFF30]  }
0x210: {  	v3 =	vunpack.i.l.bf16.f32 v3;
	v6 =	vmul.bf16 v6, v1;
	v4 =	vadd.bf16 v9, v4;
	v9 =	vld [tilespmem:s25+$0xFFFFFF40]  }
0x211: {  	v3 =	vadd.f32 v3, v12;
	v12 =	vunpack.i.u.bf16.f32 v5;
	v5 =	vunpack.i.l.bf16.f32 v5;
	v13 =	vld [tilespmem:s26+$0xFFFFFF40]  }
0x212: {  	v5 =	vadd.f32 v5, v12;
	v14 =	vunpack.i.u.bf16.f32 v6;
	v4 =	vmax.bf16 v4, v0;
	v15 =	vld [tilespmem:s25+$0xFFFFFF50]  }
0x213: {  	v6 =	vunpack.i.l.bf16.f32 v6;
	v7 =	vadd.bf16 v10, v7;
	v4 =	vmul.bf16 v4, v2;
	v10 =	vld [tilespmem:s26+$0xFFFFFF50]  }
0x214: {  	v6 =	vadd.f32 v6, v14;
	v8 =	vadd.bf16 v8, v11;
	v11 =	vld [tilespmem:s25+$0xFFFFFF60]  }
0x215: {  	v7 =	vmax.bf16 v7, v0;
	v12 =	vunpack.i.u.bf16.f32 v4;
	v4 =	vunpack.i.l.bf16.f32 v4;
	v14 =	vld [tilespmem:s26+$0xFFFFFF60]  }
0x216: {  	v7 =	vmul.bf16 v7, v1;
	v4 =	vadd.f32 v4, v12;
	v8 =	vmax.bf16 v8, v0  }
0x217: {  	v3 =	vadd.f32 v5, v3;
	v9 =	vadd.bf16 v9, v13;
	v8 =	vmul.bf16 v8, v2;
	v12 =	vld [tilespmem:s25+$0xFFFFFF70]  }
0x218: {  	v5 =	vunpack.i.u.bf16.f32 v7;
	v4 =	vadd.f32 v4, v6;
	v6 =	vunpack.i.l.bf16.f32 v7;
	v7 =	vld [tilespmem:s26+$0xFFFFFF70]  }
0x219: {  	v9 =	vmax.bf16 v9, v0;
	v10 =	vadd.bf16 v15, v10;
	v13 =	vunpack.i.u.bf16.f32 v8;
	v15 =	vld [tilespmem:s25+$0xFFFFFF80]  }
0x21a: {  	v8 =	vunpack.i.l.bf16.f32 v8;
	v9 =	vmul.bf16 v9, v1;
	v11 =	vadd.bf16 v11, v14;
	v14 =	vld [tilespmem:s26+$0xFFFFFF80]  }
0x21b: {  	v5 =	vadd.f32 v6, v5;
	v6 =	vadd.f32 v8, v13;
	v8 =	vmax.bf16 v10, v0;
	v10 =	vld [tilespmem:s25+$0xFFFFFF90]  }
0x21c: {  	v13 =	vunpack.i.u.bf16.f32 v9;
	v8 =	vmul.bf16 v8, v2;
	v11 =	vmax.bf16 v11, v0;
	v16 =	vld [tilespmem:s26+$0xFFFFFF90]  }
0x21d: {  	v9 =	vunpack.i.l.bf16.f32 v9;
	v11 =	vmul.bf16 v11, v1;
	v7 =	vadd.bf16 v12, v7  }
0x21e: {  	v9 =	vadd.f32 v9, v13;
	v12 =	vunpack.i.u.bf16.f32 v8;
	v8 =	vunpack.i.l.bf16.f32 v8;
	v13 =	vld [tilespmem:s25+$0xFFFFFFA0]  }
0x21f: {  	v8 =	vadd.f32 v8, v12;
	v12 =	vunpack.i.u.bf16.f32 v11;
	v7 =	vmax.bf16 v7, v0;
	v17 =	vld [tilespmem:s26+$0xFFFFFFA0]  }
0x220: {  	v11 =	vunpack.i.l.bf16.f32 v11;
	v14 =	vadd.bf16 v15, v14;
	v7 =	vmul.bf16 v7, v2;
	v15 =	vld [tilespmem:s25+$0xFFFFFFB0]  }
0x221: {  	v11 =	vadd.f32 v11, v12;
	v10 =	vadd.bf16 v10, v16;
	v12 =	vld [tilespmem:s26+$0xFFFFFFB0]  }
0x222: {  	v14 =	vmax.bf16 v14, v0;
	v16 =	vunpack.i.u.bf16.f32 v7;
	v7 =	vunpack.i.l.bf16.f32 v7;
	v18 =	vld [tilespmem:s25+$0xFFFFFFC0]  }
0x223: {  	v14 =	vmul.bf16 v14, v1;
	v7 =	vadd.f32 v7, v16;
	v10 =	vmax.bf16 v10, v0;
	v16 =	vld [tilespmem:s26+$0xFFFFFFC0]  }
0x224: {  	v5 =	vadd.f32 v6, v5;
	v6 =	vmul.bf16 v10, v2;
	v10 =	vadd.bf16 v13, v17;
	v13 =	vld [tilespmem:s25+$0xFFFFFFD0]  }
0x225: {  	v8 =	vadd.f32 v8, v9;
	v9 =	vunpack.i.u.bf16.f32 v14;
	v7 =	vadd.f32 v7, v11;
	v11 =	vld [tilespmem:s26+$0xFFFFFFD0]  }
0x226: {  	v14 =	vunpack.i.l.bf16.f32 v14;
	v17 =	vunpack.i.u.bf16.f32 v6;
	v10 =	vmax.bf16 v10, v0;
	v19 =	vld [tilespmem:s25+$0xFFFFFFE0]  }
0x227: {  	v6 =	vunpack.i.l.bf16.f32 v6;
	v12 =	vadd.bf16 v15, v12;
	v10 =	vmul.bf16 v10, v1;
	v15 =	vld [tilespmem:s26+$0xFFFFFFE0]  }
0x228: {  	v9 =	vadd.f32 v14, v9;
	v6 =	vadd.f32 v6, v17;
	v14 =	vld [tilespmem:s25+$0xFFFFFFF0]  }
0x229: {  	v12 =	vmax.bf16 v12, v0;
	v16 =	vadd.bf16 v18, v16;
	v17 =	vunpack.i.u.bf16.f32 v10;
	v18 =	vld [tilespmem:s26+$0xFFFFFFF0]  }
0x22a: {  	v10 =	vunpack.i.l.bf16.f32 v10;
	v12 =	vmul.bf16 v12, v2;
	v11 =	vadd.bf16 v13, v11  }
0x22b: {  	v6 =	vadd.f32 v6, v9;
	v9 =	vadd.f32 v10, v17;
	v10 =	vmax.bf16 v16, v0;
	v13 =	vld [tilespmem:s25+$0x0]  }
0x22c: {  	v16 =	vunpack.i.u.bf16.f32 v12;
	v10 =	vmul.bf16 v10, v1;
	v11 =	vmax.bf16 v11, v0;
	v17 =	vld [tilespmem:s26+$0x0];
	(xrf2) =	vadd.scan.msk.f32 $0xffff, v3  }
0x22d: {  	v3 =	vunpack.i.l.bf16.f32 v12;
	v12 =	vadd.bf16 v19, v15;
	v11 =	vmul.bf16 v11, v2;
	v15 =	vld [tilespmem:s25+$0x10]  }
0x22e: {  	v3 =	vadd.f32 v3, v16;
	v16 =	vunpack.i.u.bf16.f32 v10;
	v14 =	vadd.bf16 v14, v18;
	v18 =	vld [tilespmem:s26+$0x10]  }
0x22f: {  	v10 =	vunpack.i.l.bf16.f32 v10;
	v12 =	vmax.bf16 v12, v0;
	v19 =	vunpack.i.u.bf16.f32 v11;
	v20 =	vld [tilespmem:s25+$0x20];
	(xrf2) =	vadd.scan.msk.f32 $0xffff, v4  }
0x230: {  	v4 =	vunpack.i.l.bf16.f32 v11;
	v11 =	vmul.bf16 v12, v1;
	v12 =	vmax.bf16 v14, v0;
	v14 =	vld [tilespmem:s26+$0x20]  }
0x231: {  	v10 =	vadd.f32 v10, v16;
	v4 =	vadd.f32 v4, v19;
	v12 =	vmul.bf16 v12, v2  }
0x232: {  	v16 =	vunpack.i.u.bf16.f32 v11;
	v11 =	vunpack.i.l.bf16.f32 v11;
	v13 =	vadd.bf16 v13, v17;
	v17 =	vld [tilespmem:s25+$0x30];
	(xrf2) =	vadd.scan.msk.f32 $0xffff, v5  }
0x233: {  	v5 =	vadd.f32 v11, v16;
	v11 =	vunpack.i.u.bf16.f32 v12;
	v12 =	vunpack.i.l.bf16.f32 v12;
	v16 =	vld [tilespmem:s26+$0x30]  }
0x234: {  	v11 =	vadd.f32 v12, v11;
	v12 =	vmax.bf16 v13, v0;
	v13 =	vadd.bf16 v15, v18;
	v15 =	vld [tilespmem:s25+$0x40]  }
0x235: {  	v9 =	vadd.f32 v3, v9;
	v12 =	vmul.bf16 v12, v1;
	v14 =	vadd.bf16 v20, v14;
	v18 =	vld [tilespmem:s26+$0x40];
	(xrf2) =	vadd.scan.msk.f32 $0xffff, v8  }
0x236: {  	v8 =	vadd.f32 v4, v10;
	v10 =	vadd.f32 v11, v5;
	v4 =	vmax.bf16 v13, v0;
	v5 =	vld [tilespmem:s25+$0x50];
	v3, _, _ =	vpop (xrf2)  }
0x237: {  	v11 =	vunpack.i.u.bf16.f32 v12;
	v20 =	vmul.bf16 v4, v2;
	v13 =	vmax.bf16 v14, v0;
	v14 =	vld [tilespmem:s26+$0x50]  }
0x238: {  	v12 =	vunpack.i.l.bf16.f32 v12;
	v13 =	vmul.bf16 v13, v1;
	v16 =	vadd.bf16 v17, v16;
	v17 =	vld [tilespmem:s25+$0x60];
	(xrf2) =	vadd.scan.msk.f32 $0xffff, v7  }
0x239: {  	v7 =	vadd.f32 v12, v11;
	v11 =	vunpack.i.u.bf16.f32 v20;
	v12 =	vunpack.i.l.bf16.f32 v20;
	v19 =	vld [tilespmem:s26+$0x60];
	v4, _, _ =	vpop (xrf2)  }
0x23a: {  	v11 =	vadd.f32 v12, v11;
	v12 =	vunpack.i.u.bf16.f32 v13;
	v16 =	vmax.bf16 v16, v0;
	v20 =	vld [tilespmem:s25+$0x70]  }
0x23b: {  	v13 =	vunpack.i.l.bf16.f32 v13;
	v15 =	vadd.bf16 v15, v18;
	v16 =	vmul.bf16 v16, v2;
	v18 =	vld [tilespmem:s26+$0x70];
	(xrf2) =	vadd.scan.msk.f32 $0xffff, v6  }
0x23c: {  	v12 =	vadd.f32 v13, v12;
	v23 =	vadd.bf16 v5, v14;
	v13 =	vld [tilespmem:s25+$0x80];
	v5, _, _ =	vpop (xrf2)  }
0x23d: {  	v15 =	vmax.bf16 v15, v0;
	v14 =	vunpack.i.u.bf16.f32 v16;
	v16 =	vunpack.i.l.bf16.f32 v16;
	v21 =	vld [tilespmem:s26+$0x80]  }
0x23e: {  	v15 =	vmul.bf16 v15, v1;
	v14 =	vadd.f32 v16, v14;
	v22 =	vmax.bf16 v23, v0;
	(xrf2) =	vadd.scan.msk.f32 $0xffff, v9  }
0x23f: {  	v9 =	vadd.f32 v11, v7;
	v11 =	vadd.bf16 v17, v19;
	v22 =	vmul.bf16 v22, v2;
	v16 =	vld [tilespmem:s25+$0x90];
	v6, _, _ =	vpop (xrf2)  }
0x240: {  	v23 =	vadd.f32 v14, v12;
	v12 =	vunpack.i.u.bf16.f32 v15;
	v14 =	vunpack.i.l.bf16.f32 v15;
	v15 =	vld [tilespmem:s26+$0x90]  }
0x241: {  	v11 =	vmax.bf16 v11, v0;
	v18 =	vadd.bf16 v20, v18;
	v17 =	vunpack.i.u.bf16.f32 v22;
	(xrf2) =	vadd.scan.msk.f32 $0xffff, v8  }
0x242: {  	v8 =	vunpack.i.l.bf16.f32 v22;
	v11 =	vmul.bf16 v11, v1;
	v13 =	vadd.bf16 v13, v21;
	v19 =	vld [tilespmem:s25+$0xA0];
	v7, _, _ =	vpop (xrf2)  }
0x243: {  	v12 =	vadd.f32 v14, v12;
	v14 =	vadd.f32 v8, v17;
	v24 =	vmax.bf16 v18, v0;
	v17 =	vld [tilespmem:s26+$0xA0]  }
0x244: {  	v18 =	vunpack.i.u.bf16.f32 v11;
	v20 =	vmul.bf16 v24, v2;
	v22 =	vmax.bf16 v13, v0;
	(xrf2) =	vadd.scan.msk.f32 $0xffff, v10  }
0x245: {  	v13 =	vunpack.i.l.bf16.f32 v11;
	v21 =	vmul.bf16 v22, v1;
	v15 =	vadd.bf16 v16, v15;
	v11 =	vld [tilespmem:s25+$0xB0];
	v8, _, _ =	vpop (xrf2)  }
.Ltmp3:
0x246: {  	v10 =	vadd.f32 v14, v12;
	v12 =	vadd.f32 v13, v18;
	v16 =	vunpack.i.u.bf16.f32 v20;
	v14 =	vld [tilespmem:s26+$0xB0];
	(pc) =	sbr.rel @p0 .LBB2_8-.Ltmp3, $4  }
0x247: {  	v18 =	vunpack.i.l.bf16.f32 v20;
	v20 =	vunpack.i.u.bf16.f32 v21;
	v15 =	vmax.bf16 v15, v0;
	v13 =	vld [tilespmem:s25+$0xC0];
	(xrf2) =	vadd.scan.msk.f32 $0xffff, v9  }
0x248: {  	v21 =	vunpack.i.l.bf16.f32 v21;
	v22 =	vmul.bf16 v15, v2;
	v24 =	vadd.bf16 v19, v17;
	v15 =	vld [tilespmem:s26+$0xC0];
	v9, _, _ =	vpop (xrf2)  }
0x249: {  	v19 =	vadd.f32 v18, v16;
	v17 =	vadd.f32 v21, v20;
	v16 =	vld [tilespmem:s25+$0xD0]  }
0x24a: {  	s29 =	sadd.s32 $0x40, s29;
	v20 =	vunpack.i.u.bf16.f32 v22;
	v22 =	vunpack.i.l.bf16.f32 v22;
	v21 =	vmax.bf16 v24, v0;
	v18 =	vld [tilespmem:s26+$0xD0];
	(xrf2) =	vadd.scan.msk.f32 $0xffff, v23  }
0x24b: {  	_ =	sdelay $0x1  }
0x24c: {  	v20 =	vadd.f32 v22, v20;
	v11 =	vadd.bf16 v11, v14  }
0x24d: {  	v38 =	vmul.bf16 v21, v1;
	v12 =	vadd.f32 v19, v12;
	v13 =	vadd.bf16 v13, v15  }
0x24e: {  	v39 =	vadd.f32 v20, v17;
	v11 =	vmax.bf16 v11, v0;
	v16 =	vadd.bf16 v16, v18  }
0x24f: {  	v40 =	vunpack.i.u.bf16.f32 v38;
	v11 =	vmul.bf16 v11, v2;
	v13 =	vmax.bf16 v13, v0  }
0x250: {  	v14 =	vunpack.i.l.bf16.f32 v38;
	v13 =	vmul.bf16 v13, v1;
	v16 =	vmax.bf16 v16, v0  }
0x251: {  	v41 =	vunpack.i.u.bf16.f32 v11;
	v11 =	vunpack.i.l.bf16.f32 v11;
	v16 =	vmul.bf16 v16, v2  }
0x252: {  	v14 =	vadd.f32 v14, v40;
	v11 =	vadd.f32 v11, v41;
	v42 =	vunpack.i.u.bf16.f32 v13  }
0x253: {  	v13 =	vunpack.i.l.bf16.f32 v13;
	v43 =	vunpack.i.u.bf16.f32 v16;
	v16 =	vunpack.i.l.bf16.f32 v16  }
0x254: {  	(xrf2) =	vadd.scan.msk.f32 $0xffff, v10;
	v44 =	vadd.f32 v13, v42;
	v45 =	vadd.f32 v16, v43  }
0x255: {  	(xrf2) =	vadd.scan.msk.f32 $0xffff, v12;
	v11 =	vadd.f32 v11, v14  }
0x256: {  	(xrf2) =	vadd.scan.msk.f32 $0xffff, v39;
	v10 =	vadd.f32 v45, v44  }
0x257: {  	(xrf2) =	vadd.scan.msk.f32 $0xffff, v11  }
0x258: {  	(xrf2) =	vadd.scan.msk.f32 $0xffff, v10  }
0x259: {  	v4 =	vbroadcast v4, $0xF;
	v5 =	vbroadcast v5, $0xF  }
0x25a: {  	v6 =	vbroadcast v6, $0xF;
	v46, _, _ =	vpop (xrf2);
	v7 =	vbroadcast v7, $0xF  }
0x25b: {  	v8 =	vbroadcast v8, $0xF;
	v9 =	vbroadcast v9, $0xF;
	v4 =	vnsel vm0, $0x0, v4;
	v47, _, _ =	vpop (xrf2)  }
0x25c: {  	v5 =	vnsel vm1, $0x0, v5;
	v6 =	vnsel vm2, $0x0, v6;
	v7 =	vnsel vm3, $0x0, v7;
	v48, _, _ =	vpop (xrf2)  }
0x25d: {  	v52 =	vnsel vm4, $0x0, v8;
	v53 =	vnsel vm5, $0x0, v9;
	v4 =	vadd.f32 v5, v4;
	v49, _, _ =	vpop (xrf2)  }
0x25e: {  	v50 =	vadd.f32 v7, v6;
	v54 =	vbroadcast v47, $0xF;
	v12 =	vbroadcast v48, $0xF;
	v51, _, _ =	vpop (xrf2)  }
0x25f: {  	v7 =	vadd.f32 v53, v52;
	v13 =	vbroadcast v49, $0xF;
	v6 =	vbroadcast v51, $0xF;
	v55, _, _ =	vpop (xrf2)  }
0x260: {  	v9 =	vnsel vm7, $0x0, v54;
	v11 =	vbroadcast v55, $0xF;
	v10 =	vbroadcast v46, $0xF;
	v56, _, _ =	vpop (xrf2)  }
0x261: {  	v12 =	vnsel vm8, $0x0, v12;
	v58 =	vnsel vm9, $0x0, v13;
	v6 =	vnsel vm10, $0x0, v6;
	v57, _, _ =	vpop (xrf2)  }
0x262: {  	v8 =	vbroadcast v56, $0xF;
	v11 =	vnsel vm11, $0x0, v11;
	v10 =	vnsel vm6, $0x0, v10;
	v59, _, _ =	vpop (xrf2)  }
0x263: {  	v6 =	vadd.f32 v11, v6;
	v14 =	vbroadcast v57, $0xF;
	v13 =	vbroadcast v59, $0xF  }
0x264: {  	v3 =	vsel vm15, $0x0, v3;
	v9 =	vadd.f32 v9, v10;
	v10 =	vadd.f32 v58, v12  }
0x265: {  	v8 =	vnsel vm12, $0x0, v8;
	v60 =	vnsel vm13, $0x0, v14;
	v61 =	vnsel vm14, $0x0, v13  }
0x266: {  	v8 =	vadd.f32 v60, v8;
	v3 =	vadd.f32 v3, v61  }
0x267: {  	v4 =	vadd.f32 v50, v4;
	v62 =	vadd.f32 v9, v7  }
0x268: {  	s0 =	sshra.s32 s28, $0x2;
	v6 =	vadd.f32 v6, v10;
	v3 =	vadd.f32 v3, v8  }
0x269: {  	v63 =	vld [tilespmem:s0+$0xCE40]  }
0x26a: {  	v4 =	vadd.f32 v62, v4;
	v3 =	vadd.f32 v3, v6;
	_ =	sdelay $0x1  }
0x26b: {  	v3 =	vadd.f32 v3, v4;
	_ =	sdelay $0x1  }
0x26c: {  	v3 =	vadd.f32 v3, v63;
	_ =	sdelay $0x1  }
0x26d: {  	v3 =	vsub.f32 $0.0e+00, v3;
	_ =	sdelay $0x1  }
0x26e: {  	v3 =	vmul.f32 $1.442695020e+00, v3;
	_ =	sdelay $0x1  }
0x26f: {  	(erf) = vpow2.f32 v3;
	_ =	sdelay $0x8  }
0x270: {  	v3 =	vpop (erf)  }
0x271: {  	v3 =	vadd.f32 $1.000000000e+00, v3;
	_ =	sdelay $0x1  }
0x272: {  	(erf) = vrcp.f32 v3;
	_ =	sdelay $0x5  }
0x273: {  	s23 =	sadd.s32 $0x1, s23  }
0x274: {  	p0 =	sne.s32 s23, $0xD  }
.Ltmp4:
0x275: {  	_ = 	snop;
	(pc) =	sbr.rel @p0 .LBB2_2-.Ltmp4, $4  }
0x276: {  	v3 =	vpop (erf)  }
0x277: {  	v3 =	vmax.f32 v3, $0.0e+00  }
0x278: {  	s31 =	sadd.s32 s1, s24;
	[tilespmem:s0+$0xD160] =	vst v3  }
0x279: {  	[hbm4b:s31+s3] =	stream.linear.scatter [tilespmem:s19], [sflag:$0x5], $0x190, $0x38;
	[tilespmem:$0xD4A0] =	vst v63  }
0x27a: {  	_ =	swait.ge [sflag:s20], $0x190  }
0x27b: {  	[sflag:s20] =	ssyncset.done $0x0  }
0x27c: {  	[sflag:s20] =	ssyncadd.s32 $0xFFFFFE70  }
0x27d: {  	_ =	swait.ge [sflag:s21], $0x190  }
0x27e: {  	s23 =	rddreg [dreg:$0x7]  }
0x27f: {  	s0 =	rddreg [dreg:$0x6];
	s23 =	sadd.s32 $0x1, s23  }
0x280: {  	p0 =	sne.s32 s23, s0  }
.Ltmp5:
0x281: {  	_ = 	snop;
	(pc) =	sbr.rel @p0 .LBB2_1-.Ltmp5, $3  }
0x282: {  	_ =	sdelay $0x1  }
0x283: {  	[sflag:s21] =	ssyncset.done $0x0  }
0x284: {  	[sflag:s21] =	ssyncadd.s32 $0xFFFFFE70  }
0x285: {  	_ =	sfence.sel $0x180000  }
0x286: {  	[bflag:$0x0] =	sbarrier.arrive $0xFFFF  }
0x287: {  	_ =	strace $0x90000047  }
0x288: {  	s0 =	stileid.u32;
	[bflag:$0x2] =	sbarrier.arrive $0xFFFF  }
0x289: {  	p0 =	sne.s32 s0, $0x0;
	s0 =	rddreg [dreg:$0x2]  }
0x28a: {  	s0 =	sadd.s32 @!p0 $0x100000, s0  }
0x28b: {  	[sflag:s0] =	ssyncadd.tile.s32 @!p0 $0x1;
	_ =	shalt  }
.Lfunc_end2:
_tile_overlayer_lowered:
.L_overlay_start_2:
0x28c: {  	(tag) =	ssettag $0x2  }
0x28d: {  	s0 =	rddreg [dreg:$0x0];
	s2 =	stileid.u32  }
0x28e: {  	s1 =	rddreg [dreg:$0x1];
	p0 =	sne.s32 s2, $0x0  }
0x28f: {  	s3 =	rddreg [dreg:$0x2];
	[bflag:$0x3] =	sbarrier.arrive $0xFFFF;
	s2 =	simm.s32 @!p0 $0x1C07  }
0x290: {  	[timem:s3], [sflag:s2] =	dma.local @!p0 [hbm:s0], s1  }
0x291: {  	s0 =	simm.s32 @!p0 $0x7  }
0x292: {  	_ =	swait.ge @!p0 [sflag:s0], s1  }
0x293: {  	s1 =	ssub.s32 @!p0 $0x0, s1;
	[sflag:s0] =	ssyncset.done @!p0 $0x0  }
0x294: {  	[sflag:s0] =	ssyncadd.s32 @!p0 s1  }
0x295: {  	[bflag:$0x3] =	sbarrier.arrive $0xFFFF  }
0x296: {  	_ =	shalt  }

</sc_bundles>
